<compile_context>
chip_gen: v7x
topology: tpu7x:2x2x1
jax: 0.10.2.dev20260603
libtpu: 0.0.44.dev20260713+nightly
codegen_flags: <defaults>
</compile_context>

<pallas_src>
import functools

import jax
import jax.numpy as jnp
from jax import lax
from jax.experimental import pallas as pl
from jax.experimental.pallas import tpu as pltpu
from jax.experimental.pallas import tpu_sc as plsc

B, L, D = 8, 2048, 1024
NC, NS, LANE = 2, 16, 16
NW = NC * NS
RPW = B * L // NW
CHUNK = 16
NCHUNK = RPW // CHUNK
GRP = 2
NGRP = NCHUNK // GRP
NVREG = L // LANE
BPC = B // NC


def _body(x_hbm, y_hbm, out_hbm, idx_hbm,
          yv, marks, idxrow, idxv, rows_a, rows_b, rows_c, zrow,
          gsem_a, gsem_b, gsem_c, ssem_a, ssem_b, ssem_c):
    c_id = lax.axis_index("c")
    s_id = lax.axis_index("s")
    wid = c_id * NS + s_id

    @pl.when(s_id < BPC)
    def _stage_a():
        b = c_id * BPC + s_id
        pltpu.sync_copy(y_hbm.at[b], yv)

        zeros16 = jnp.zeros((LANE,), jnp.int32)

        def zero_body(i, _):
            for k in range(8):
                marks[pl.ds((i * 8 + k) * LANE, LANE)] = zeros16
            return 0

        lax.fori_loop(0, NVREG // 8, zero_body, 0)

        ones16 = jnp.ones((LANE,), jnp.int32)

        def cum_mark_body(i, carry):
            ss = [plsc.cumsum(
                (yv[pl.ds((i * 4 + k) * LANE, LANE)] + 0.5).astype(jnp.int32))
                for k in range(4)]
            for k in range(4):
                s = ss[k] + carry
                plsc.addupdate_scatter(marks, [s], ones16,
                                       mask=(s >= 0) & (s < L))
                carry = s[15]
            return carry

        lax.fori_loop(0, NVREG // 4, cum_mark_body, jnp.int32(0))

        def idx_body(i, carry):
            ss = [plsc.cumsum(marks[pl.ds((i * 4 + k) * LANE, LANE)])
                  for k in range(4)]
            for k in range(4):
                s = ss[k] + carry
                idxrow[i * 4 + k] = s + b * L
                carry = s[15]
            return carry

        lax.fori_loop(0, NVREG // 4, idx_body, jnp.int32(0))
        pltpu.sync_copy(idxrow, idx_hbm.at[pl.ds(b * NVREG, NVREG)])

    plsc.subcore_barrier()

    base = wid * RPW
    b_w = wid // (L // RPW)
    lim = b_w * L + L - 1
    pltpu.sync_copy(idx_hbm.at[pl.ds(wid * NCHUNK, NCHUNK)], idxv)

    bufs = (rows_a, rows_b, rows_c)
    gsems = (gsem_a, gsem_b, gsem_c)
    ssems = (ssem_a, ssem_b, ssem_c)
    ninv_parts = []

    def fire_gather(g):
        hs = []
        for k in range(GRP):
            iv = idxv[g * GRP + k]
            ninv_parts.append(plsc.all_reduce_population_count(iv > lim)[0])
            hs.append(pltpu.async_copy(
                x_hbm.at[jnp.minimum(iv, lim)],
                bufs[g % 3].at[pl.ds(k * CHUNK, CHUNK)],
                gsems[g % 3]))
        return hs

    gh = {0: fire_gather(0), 1: fire_gather(1)}
    sh = {}
    for g in range(NGRP):
        for h in gh.pop(g):
            h.wait()
        sh[g] = pltpu.async_copy(
            bufs[g % 3],
            out_hbm.at[pl.ds(base + g * GRP * CHUNK, GRP * CHUNK)],
            ssems[g % 3])
        if g + 2 < NGRP:
            if g - 1 >= 0:
                sh.pop(g - 1).wait()
            gh[g + 2] = fire_gather(g + 2)
    for g in sorted(sh):
        sh.pop(g).wait()

    ninv = jnp.int32(0)
    for p in ninv_parts:
        ninv = ninv + p

    @pl.when(ninv > 0)
    def _tail():
        def zb(i, _):
            zrow[pl.ds(i * LANE, LANE)] = jnp.zeros((LANE,), jnp.float32)
            return 0

        lax.fori_loop(0, D // LANE, zb, 0)

        def tz(p, _):
            pltpu.sync_copy(zrow, out_hbm.at[base + p])
            return 0

        lax.fori_loop(RPW - ninv, RPW, tz, 0)


@functools.partial(
    pl.kernel,
    out_type=(jax.ShapeDtypeStruct((B * L, D), jnp.float32),
              jax.ShapeDtypeStruct((B * NVREG, LANE), jnp.int32)),
    mesh=plsc.VectorSubcoreMesh(core_axis_name="c", subcore_axis_name="s"),
    compiler_params=pltpu.CompilerParams(needs_layout_passes=False),
    scratch_types=[
        pltpu.VMEM((L,), jnp.float32),
        pltpu.VMEM((L,), jnp.int32),
        pltpu.VMEM((NVREG, LANE), jnp.int32),
        pltpu.VMEM((NCHUNK, CHUNK), jnp.int32),
        pltpu.VMEM((GRP * CHUNK, D), jnp.float32),
        pltpu.VMEM((GRP * CHUNK, D), jnp.float32),
        pltpu.VMEM((GRP * CHUNK, D), jnp.float32),
        pltpu.VMEM((D,), jnp.float32),
        pltpu.SemaphoreType.DMA,
        pltpu.SemaphoreType.DMA,
        pltpu.SemaphoreType.DMA,
        pltpu.SemaphoreType.DMA,
        pltpu.SemaphoreType.DMA,
        pltpu.SemaphoreType.DMA,
    ],
)
def _sc_expand(x_hbm, y_hbm, out_hbm, idx_hbm, *scratch):
    _body(x_hbm, y_hbm, out_hbm, idx_hbm, *scratch)


def kernel(x, y, conv1_w, conv1_b, ln1_g, ln1_b, conv2_w, conv2_b, ln2_g,
           ln2_b, lin_w, lin_b):
    out, _ = _sc_expand(x.reshape(B * L, D), y)
    return out.reshape(B, L, D)

# --- scband reference (transcript-rebuilt; emitter-appended) ---
"""Pipeline reference for scband-length-regulator-88218628260705 (READ-ONLY COPY).

The authoritative reference and input builder live on the scoring server;
editing this copy changes nothing except your own understanding.
"""

import jax, jax.numpy as jnp
import numpy as np

EPS = 1e-5

def _layer_norm(h, g, b):
    mu = jnp.mean(h, axis=-1, keepdims=True)
    var = jnp.var(h, axis=-1, keepdims=True)
    return (h - mu) / jnp.sqrt(var + EPS) * g + b

def _conv1d_same(h, w, b):
    # h: (B, L, Cin), w: (Cout, Cin, K) torch layout
    out = jax.lax.conv_general_dilated(h, w, window_strides=(1,), padding='SAME', dimension_numbers=('NWC', 'OIW', 'NWC'))
    return out + b

def _duration_predictor(x, c1w, c1b, g1, b1, c2w, c2b, g2, b2, lw, lb):
    h = _conv1d_same(x, c1w, c1b)
    h = jax.nn.relu(h)
    h = _layer_norm(h, g1, b1)
    # dropout is identity in eval mode
    h = _conv1d_same(h, c2w, c2b)
    h = jax.nn.relu(h)
    h = _layer_norm(h, g2, b2)
    h = h @ lw.T + lb  # (B, L, 1)
    return jnp.exp(h)[..., 0]  # (B, L)

def setup_inputs(seed: int = 0):
    key = jax.random.key(seed)
    ks = jax.random.split(key, 6)
    B, L, D, DP, K = 8, 2048, 1024, 512, 3
    x = jax.random.normal(ks[0], (B, L, D), dtype=jnp.float32)
    y = jnp.ones((B, L), dtype=jnp.float32)
    conv1_w = jax.random.normal(ks[1], (DP, D, K), dtype=jnp.float32) * 0.02
    conv1_b = jnp.zeros((DP,), dtype=jnp.float32)
    ln1_g = jnp.ones((DP,), dtype=jnp.float32)
    ln1_b = jnp.zeros((DP,), dtype=jnp.float32)
    conv2_w = jax.random.normal(ks[2], (DP, DP, K), dtype=jnp.float32) * 0.02
    conv2_b = jnp.zeros((DP,), dtype=jnp.float32)
    ln2_g = jnp.ones((DP,), dtype=jnp.float32)
    ln2_b = jnp.zeros((DP,), dtype=jnp.float32)
    lin_w = jax.random.normal(ks[3], (1, DP), dtype=jnp.float32) * 0.02
    lin_b = jnp.zeros((1,), dtype=jnp.float32)
    return {'x': x, 'y': y, 'conv1_w': conv1_w, 'conv1_b': conv1_b, 'ln1_g': ln1_g, 'ln1_b': ln1_b, 'conv2_w': conv2_w, 'conv2_b': conv2_b, 'ln2_g': ln2_g, 'ln2_b': ln2_b, 'lin_w': lin_w, 'lin_b': lin_b}

def reference(x, y, conv1_w, conv1_b, ln1_g, ln1_b, conv2_w, conv2_b, ln2_g, ln2_b, lin_w, lin_b):
    lengths_pred = _duration_predictor(x, conv1_w, conv1_b, ln1_g, ln1_b, conv2_w, conv2_b, ln2_g, ln2_b, lin_w, lin_b)
    # y is not None path: loss computed (stored in torch), lengths taken from y
    loss = jnp.mean((lengths_pred - y) ** 2)
    del loss
    lengths = jnp.round(y).astype(jnp.int32)  # (B, L), traced
    cum = jnp.cumsum(lengths, axis=1)  # (B, L)
    total = cum[:, -1]  # (B,)
    # y is always ones, so each row expands to exactly L frames and maxlen == L
    maxlen = x.shape[1]
    positions = jnp.arange(maxlen)
    idx = jax.vmap(lambda c: jnp.searchsorted(c, positions, side='right'))(cum)  # (B, maxlen)
    idx = jnp.clip(idx, 0, x.shape[1] - 1)
    gathered = jnp.take_along_axis(x, idx[:, :, None], axis=1)  # (B, maxlen, D)
    valid = positions[None, :, None] < total[:, None, None]
    padded = jnp.where(valid, gathered, jnp.zeros((), dtype=x.dtype))
    return padded

if __name__ == "__main__":
    import jax
    _d = setup_inputs()
    print(jax.jit(kernel)(*tuple(_d.values())))

</pallas_src>

<mosaic_0001>
#map = affine_map<(d0, d1) -> (0, 0)>
module attributes {stable_mosaic.version = 14 : i64} {
  func.func @_sc_expand(%arg0: i32, %arg1: i32, %arg2: memref<16384x1024xf32, #tpu.memory_space<hbm>>, %arg3: memref<8x2048xf32, #tpu.memory_space<hbm>>, %arg4: memref<16384x1024xf32, #tpu.memory_space<hbm>>, %arg5: memref<1024x16xi32, #tpu.memory_space<hbm>>, %arg6: memref<2048xf32, #tpu.memory_space<vmem>>, %arg7: memref<2048xi32, #tpu.memory_space<vmem>>, %arg8: memref<128x16xi32, #tpu.memory_space<vmem>>, %arg9: memref<32x16xi32, #tpu.memory_space<vmem>>, %arg10: memref<32x1024xf32, #tpu.memory_space<vmem>>, %arg11: memref<32x1024xf32, #tpu.memory_space<vmem>>, %arg12: memref<32x1024xf32, #tpu.memory_space<vmem>>, %arg13: memref<1024xf32, #tpu.memory_space<vmem>>, %arg14: memref<!tpu.dma_semaphore, #tpu.memory_space<semaphore_mem>>, %arg15: memref<!tpu.dma_semaphore, #tpu.memory_space<semaphore_mem>>, %arg16: memref<!tpu.dma_semaphore, #tpu.memory_space<semaphore_mem>>, %arg17: memref<!tpu.dma_semaphore, #tpu.memory_space<semaphore_mem>>, %arg18: memref<!tpu.dma_semaphore, #tpu.memory_space<semaphore_mem>>, %arg19: memref<!tpu.dma_semaphore, #tpu.memory_space<semaphore_mem>>) attributes {dimension_semantics = [#tpu.dimension_semantics<core_parallel>, #tpu.dimension_semantics<subcore_parallel>], iteration_bounds = array<i64: 2, 16>, scalar_prefetch = 0 : i64, scratch_operands = 14 : i64, tpu.core_type = #tpu.core_type<sc_vector_subcore>, window_params = [{transform_indices = #map}, {transform_indices = #map}, {transform_indices = #map}, {transform_indices = #map}]} {
    %mul3A = arith.constant 16 : i32
    %mul3A_0 = arith.muli %arg0, %mul3A : i32
    %add3A = arith.addi %mul3A_0, %arg1 : i32
    %lt3A = arith.constant 4 : i32
    %lt3A_1 = arith.cmpi slt, %arg1, %lt3A : i32
    %convert_element_type3A = arith.extui %lt3A_1 : i1 to i32
    %cond3A = arith.constant 0 : i32
    %cond3A_2 = arith.cmpi ne, %convert_element_type3A, %cond3A : i32
    scf.if %cond3A_2 {
      %mul3A_955 = arith.constant 4 : i32
      %mul3A_956 = arith.muli %arg0, %mul3A_955 : i32
      %add3A_957 = arith.addi %mul3A_956, %arg1 : i32
      "tpu.region"() ({
        %run_scoped3A = tpu.sem_alloc : memref<!tpu.dma_semaphore, #tpu.memory_space<semaphore_mem>>
        %dma_start3A_983 = arith.constant 0 : i32
        %dma_start3A_984 = tpu.memref_slice %arg3[%add3A_957, %dma_start3A_983] : memref<8x2048xf32, #tpu.memory_space<hbm>> -> memref<1x2048xf32, #tpu.memory_space<hbm>>
        %dma_start3A_985 = tpu.memref_squeeze %dma_start3A_984 : memref<1x2048xf32, #tpu.memory_space<hbm>> -> memref<2048xf32, #tpu.memory_space<hbm>>
        %dma_start3A_986 = arith.constant 0 : i32
        %dma_start3A_987 = tpu.memref_slice %arg3[%add3A_957, %dma_start3A_986] : memref<8x2048xf32, #tpu.memory_space<hbm>> -> memref<1x2048xf32, #tpu.memory_space<hbm>>
        %dma_start3A_988 = tpu.memref_squeeze %dma_start3A_987 : memref<1x2048xf32, #tpu.memory_space<hbm>> -> memref<2048xf32, #tpu.memory_space<hbm>>
        tpu.enqueue_dma source(%dma_start3A_988 : memref<2048xf32, #tpu.memory_space<hbm>>) target(%arg6 : memref<2048xf32, #tpu.memory_space<vmem>>) target_semaphore(%run_scoped3A : memref<!tpu.dma_semaphore, #tpu.memory_space<semaphore_mem>>)
        %dma_wait3A_989 = arith.constant 0 : i32
        %dma_wait3A_990 = tpu.memref_slice %arg3[%add3A_957, %dma_wait3A_989] : memref<8x2048xf32, #tpu.memory_space<hbm>> -> memref<1x2048xf32, #tpu.memory_space<hbm>>
        %dma_wait3A_991 = tpu.memref_squeeze %dma_wait3A_990 : memref<1x2048xf32, #tpu.memory_space<hbm>> -> memref<2048xf32, #tpu.memory_space<hbm>>
        %dma_wait3A_992 = arith.constant 0 : i32
        %dma_wait3A_993 = tpu.memref_slice %arg3[%add3A_957, %dma_wait3A_992] : memref<8x2048xf32, #tpu.memory_space<hbm>> -> memref<1x2048xf32, #tpu.memory_space<hbm>>
        %dma_wait3A_994 = tpu.memref_squeeze %dma_wait3A_993 : memref<1x2048xf32, #tpu.memory_space<hbm>> -> memref<2048xf32, #tpu.memory_space<hbm>>
        tpu.wait_dma2 semaphore(%run_scoped3A : memref<!tpu.dma_semaphore, #tpu.memory_space<semaphore_mem>>) src(%dma_wait3A_994 : memref<2048xf32, #tpu.memory_space<hbm>>) dst(%arg6 : memref<2048xf32, #tpu.memory_space<vmem>>)
        tpu.yield
      }) : () -> ()
      %broadcast_in_dim3A = arith.constant 0 : i32
      %broadcast_in_dim3A_958 = vector.broadcast %broadcast_in_dim3A : i32 to vector<16xi32>
      %scan3A = arith.constant 0 : i32
      %scan3A_959 = arith.constant 0 : i32
      %scan3A_960 = arith.constant 16 : i32
      %scan3A_961 = arith.addi %scan3A_959, %scan3A_960 : i32
      %scan3A_962 = arith.constant 1 : i32
      %scan3A_963 = scf.for %scan3A_983 = %scan3A_959 to %scan3A_961 step %scan3A_962 iter_args(%scan3A_984 = %scan3A) -> (i32)  : i32 {
        %mul3A_985 = arith.constant 8 : i32
        %mul3A_986 = arith.muli %scan3A_983, %mul3A_985 : i32
        %add3A_987 = arith.constant 0 : i32
        %add3A_988 = arith.addi %mul3A_986, %add3A_987 : i32
        %mul3A_989 = arith.constant 16 : i32
        %mul3A_990 = arith.muli %add3A_988, %mul3A_989 : i32
        %swap3A = arith.index_cast %mul3A_990 : i32 to index
        %swap3A_991 = tpu.vector_load %arg7[%swap3A] {strides = array<i32>} : memref<2048xi32, #tpu.memory_space<vmem>>, vector<16xi32>,
        tpu.vector_store %arg7[%swap3A], %broadcast_in_dim3A_958 {strides = array<i32>} : memref<2048xi32, #tpu.memory_space<vmem>>, vector<16xi32>,
        %mul3A_992 = arith.constant 8 : i32
        %mul3A_993 = arith.muli %scan3A_983, %mul3A_992 : i32
        %add3A_994 = arith.constant 1 : i32
        %add3A_995 = arith.addi %mul3A_993, %add3A_994 : i32
        %mul3A_996 = arith.constant 16 : i32
        %mul3A_997 = arith.muli %add3A_995, %mul3A_996 : i32
        %swap3A_998 = arith.index_cast %mul3A_997 : i32 to index
        %swap3A_999 = tpu.vector_load %arg7[%swap3A_998] {strides = array<i32>} : memref<2048xi32, #tpu.memory_space<vmem>>, vector<16xi32>,
        tpu.vector_store %arg7[%swap3A_998], %broadcast_in_dim3A_958 {strides = array<i32>} : memref<2048xi32, #tpu.memory_space<vmem>>, vector<16xi32>,
        %mul3A_1000 = arith.constant 8 : i32
        %mul3A_1001 = arith.muli %scan3A_983, %mul3A_1000 : i32
        %add3A_1002 = arith.constant 2 : i32
        %add3A_1003 = arith.addi %mul3A_1001, %add3A_1002 : i32
        %mul3A_1004 = arith.constant 16 : i32
        %mul3A_1005 = arith.muli %add3A_1003, %mul3A_1004 : i32
        %swap3A_1006 = arith.index_cast %mul3A_1005 : i32 to index
        %swap3A_1007 = tpu.vector_load %arg7[%swap3A_1006] {strides = array<i32>} : memref<2048xi32, #tpu.memory_space<vmem>>, vector<16xi32>,
        tpu.vector_store %arg7[%swap3A_1006], %broadcast_in_dim3A_958 {strides = array<i32>} : memref<2048xi32, #tpu.memory_space<vmem>>, vector<16xi32>,
        %mul3A_1008 = arith.constant 8 : i32
        %mul3A_1009 = arith.muli %scan3A_983, %mul3A_1008 : i32
        %add3A_1010 = arith.constant 3 : i32
        %add3A_1011 = arith.addi %mul3A_1009, %add3A_1010 : i32
        %mul3A_1012 = arith.constant 16 : i32
        %mul3A_1013 = arith.muli %add3A_1011, %mul3A_1012 : i32
        %swap3A_1014 = arith.index_cast %mul3A_1013 : i32 to index
        %swap3A_1015 = tpu.vector_load %arg7[%swap3A_1014] {strides = array<i32>} : memref<2048xi32, #tpu.memory_space<vmem>>, vector<16xi32>,
        tpu.vector_store %arg7[%swap3A_1014], %broadcast_in_dim3A_958 {strides = array<i32>} : memref<2048xi32, #tpu.memory_space<vmem>>, vector<16xi32>,
        %mul3A_1016 = arith.constant 8 : i32
        %mul3A_1017 = arith.muli %scan3A_983, %mul3A_1016 : i32
        %add3A_1018 = arith.constant 4 : i32
        %add3A_1019 = arith.addi %mul3A_1017, %add3A_1018 : i32
        %mul3A_1020 = arith.constant 16 : i32
        %mul3A_1021 = arith.muli %add3A_1019, %mul3A_1020 : i32
        %swap3A_1022 = arith.index_cast %mul3A_1021 : i32 to index
        %swap3A_1023 = tpu.vector_load %arg7[%swap3A_1022] {strides = array<i32>} : memref<2048xi32, #tpu.memory_space<vmem>>, vector<16xi32>,
        tpu.vector_store %arg7[%swap3A_1022], %broadcast_in_dim3A_958 {strides = array<i32>} : memref<2048xi32, #tpu.memory_space<vmem>>, vector<16xi32>,
        %mul3A_1024 = arith.constant 8 : i32
        %mul3A_1025 = arith.muli %scan3A_983, %mul3A_1024 : i32
        %add3A_1026 = arith.constant 5 : i32
        %add3A_1027 = arith.addi %mul3A_1025, %add3A_1026 : i32
        %mul3A_1028 = arith.constant 16 : i32
        %mul3A_1029 = arith.muli %add3A_1027, %mul3A_1028 : i32
        %swap3A_1030 = arith.index_cast %mul3A_1029 : i32 to index
        %swap3A_1031 = tpu.vector_load %arg7[%swap3A_1030] {strides = array<i32>} : memref<2048xi32, #tpu.memory_space<vmem>>, vector<16xi32>,
        tpu.vector_store %arg7[%swap3A_1030], %broadcast_in_dim3A_958 {strides = array<i32>} : memref<2048xi32, #tpu.memory_space<vmem>>, vector<16xi32>,
        %mul3A_1032 = arith.constant 8 : i32
        %mul3A_1033 = arith.muli %scan3A_983, %mul3A_1032 : i32
        %add3A_1034 = arith.constant 6 : i32
        %add3A_1035 = arith.addi %mul3A_1033, %add3A_1034 : i32
        %mul3A_1036 = arith.constant 16 : i32
        %mul3A_1037 = arith.muli %add3A_1035, %mul3A_1036 : i32
        %swap3A_1038 = arith.index_cast %mul3A_1037 : i32 to index
        %swap3A_1039 = tpu.vector_load %arg7[%swap3A_1038] {strides = array<i32>} : memref<2048xi32, #tpu.memory_space<vmem>>, vector<16xi32>,
        tpu.vector_store %arg7[%swap3A_1038], %broadcast_in_dim3A_958 {strides = array<i32>} : memref<2048xi32, #tpu.memory_space<vmem>>, vector<16xi32>,
        %mul3A_1040 = arith.constant 8 : i32
        %mul3A_1041 = arith.muli %scan3A_983, %mul3A_1040 : i32
        %add3A_1042 = arith.constant 7 : i32
        %add3A_1043 = arith.addi %mul3A_1041, %add3A_1042 : i32
        %mul3A_1044 = arith.constant 16 : i32
        %mul3A_1045 = arith.muli %add3A_1043, %mul3A_1044 : i32
        %swap3A_1046 = arith.index_cast %mul3A_1045 : i32 to index
        %swap3A_1047 = tpu.vector_load %arg7[%swap3A_1046] {strides = array<i32>} : memref<2048xi32, #tpu.memory_space<vmem>>, vector<16xi32>,
        tpu.vector_store %arg7[%swap3A_1046], %broadcast_in_dim3A_958 {strides = array<i32>} : memref<2048xi32, #tpu.memory_space<vmem>>, vector<16xi32>,
        %scan3A_1048 = arith.constant 0 : i32
        scf.yield %scan3A_1048 : i32
      }
      %scan3A_964 = arith.constant 16 : i32
      %broadcast_in_dim3A_965 = arith.constant 1 : i32
      %broadcast_in_dim3A_966 = vector.broadcast %broadcast_in_dim3A_965 : i32 to vector<16xi32>
      %scan3A_967 = arith.constant 0 : i32
      %scan3A_968 = arith.constant 0 : i32
      %scan3A_969 = arith.constant 32 : i32
      %scan3A_970 = arith.addi %scan3A_968, %scan3A_969 : i32
      %scan3A_971 = arith.constant 1 : i32
      %scan3A_972 = scf.for %scan3A_983 = %scan3A_968 to %scan3A_970 step %scan3A_971 iter_args(%scan3A_984 = %scan3A_967) -> (i32)  : i32 {
        %mul3A_985 = arith.constant 4 : i32
        %mul3A_986 = arith.muli %scan3A_983, %mul3A_985 : i32
        %add3A_987 = arith.constant 0 : i32
        %add3A_988 = arith.addi %mul3A_986, %add3A_987 : i32
        %mul3A_989 = arith.constant 16 : i32
        %mul3A_990 = arith.muli %add3A_988, %mul3A_989 : i32
        %get3A_991 = arith.index_cast %mul3A_990 : i32 to index
        %get3A_992 = tpu.vector_load %arg6[%get3A_991] {strides = array<i32>} : memref<2048xf32, #tpu.memory_space<vmem>>, vector<16xf32>,
        %add3A_993 = arith.constant 5.000000e-01 : f32
        %add3A_994 = vector.broadcast %add3A_993 : f32 to vector<16xf32>
        %add3A_995 = arith.addf %get3A_992, %add3A_994 : vector<16xf32>
        %convert_element_type3A_996 = arith.fptosi %add3A_995 : vector<16xf32> to vector<16xi32>
        %broadcast_in_dim3A_997 = arith.constant true
        %broadcast_in_dim3A_998 = vector.broadcast %broadcast_in_dim3A_997 : i1 to vector<16xi1>
        %masked_cumsum3A = tpu.scan <sum>, %convert_element_type3A_996 masked %broadcast_in_dim3A_998 : vector<16xi32>, vector<16xi1> -> vector<16xi32>
        %mul3A_999 = arith.constant 4 : i32
        %mul3A_1000 = arith.muli %scan3A_983, %mul3A_999 : i32
        %add3A_1001 = arith.constant 1 : i32
        %add3A_1002 = arith.addi %mul3A_1000, %add3A_1001 : i32
        %mul3A_1003 = arith.constant 16 : i32
        %mul3A_1004 = arith.muli %add3A_1002, %mul3A_1003 : i32
        %get3A_1005 = arith.index_cast %mul3A_1004 : i32 to index
        %get3A_1006 = tpu.vector_load %arg6[%get3A_1005] {strides = array<i32>} : memref<2048xf32, #tpu.memory_space<vmem>>, vector<16xf32>,
        %add3A_1007 = arith.constant 5.000000e-01 : f32
        %add3A_1008 = vector.broadcast %add3A_1007 : f32 to vector<16xf32>
        %add3A_1009 = arith.addf %get3A_1006, %add3A_1008 : vector<16xf32>
        %convert_element_type3A_1010 = arith.fptosi %add3A_1009 : vector<16xf32> to vector<16xi32>
        %broadcast_in_dim3A_1011 = arith.constant true
        %broadcast_in_dim3A_1012 = vector.broadcast %broadcast_in_dim3A_1011 : i1 to vector<16xi1>
        %masked_cumsum3A_1013 = tpu.scan <sum>, %convert_element_type3A_1010 masked %broadcast_in_dim3A_1012 : vector<16xi32>, vector<16xi1> -> vector<16xi32>
        %mul3A_1014 = arith.constant 4 : i32
        %mul3A_1015 = arith.muli %scan3A_983, %mul3A_1014 : i32
        %add3A_1016 = arith.constant 2 : i32
        %add3A_1017 = arith.addi %mul3A_1015, %add3A_1016 : i32
        %mul3A_1018 = arith.constant 16 : i32
        %mul3A_1019 = arith.muli %add3A_1017, %mul3A_1018 : i32
        %get3A_1020 = arith.index_cast %mul3A_1019 : i32 to index
        %get3A_1021 = tpu.vector_load %arg6[%get3A_1020] {strides = array<i32>} : memref<2048xf32, #tpu.memory_space<vmem>>, vector<16xf32>,
        %add3A_1022 = arith.constant 5.000000e-01 : f32
        %add3A_1023 = vector.broadcast %add3A_1022 : f32 to vector<16xf32>
        %add3A_1024 = arith.addf %get3A_1021, %add3A_1023 : vector<16xf32>
        %convert_element_type3A_1025 = arith.fptosi %add3A_1024 : vector<16xf32> to vector<16xi32>
        %broadcast_in_dim3A_1026 = arith.constant true
        %broadcast_in_dim3A_1027 = vector.broadcast %broadcast_in_dim3A_1026 : i1 to vector<16xi1>
        %masked_cumsum3A_1028 = tpu.scan <sum>, %convert_element_type3A_1025 masked %broadcast_in_dim3A_1027 : vector<16xi32>, vector<16xi1> -> vector<16xi32>
        %mul3A_1029 = arith.constant 4 : i32
        %mul3A_1030 = arith.muli %scan3A_983, %mul3A_1029 : i32
        %add3A_1031 = arith.constant 3 : i32
        %add3A_1032 = arith.addi %mul3A_1030, %add3A_1031 : i32
        %mul3A_1033 = arith.constant 16 : i32
        %mul3A_1034 = arith.muli %add3A_1032, %mul3A_1033 : i32
        %get3A_1035 = arith.index_cast %mul3A_1034 : i32 to index
        %get3A_1036 = tpu.vector_load %arg6[%get3A_1035] {strides = array<i32>} : memref<2048xf32, #tpu.memory_space<vmem>>, vector<16xf32>,
        %add3A_1037 = arith.constant 5.000000e-01 : f32
        %add3A_1038 = vector.broadcast %add3A_1037 : f32 to vector<16xf32>
        %add3A_1039 = arith.addf %get3A_1036, %add3A_1038 : vector<16xf32>
        %convert_element_type3A_1040 = arith.fptosi %add3A_1039 : vector<16xf32> to vector<16xi32>
        %broadcast_in_dim3A_1041 = arith.constant true
        %broadcast_in_dim3A_1042 = vector.broadcast %broadcast_in_dim3A_1041 : i1 to vector<16xi1>
        %masked_cumsum3A_1043 = tpu.scan <sum>, %convert_element_type3A_1040 masked %broadcast_in_dim3A_1042 : vector<16xi32>, vector<16xi1> -> vector<16xi32>
        %add3A_1044 = vector.broadcast %scan3A_984 : i32 to vector<16xi32>
        %add3A_1045 = arith.addi %masked_cumsum3A, %add3A_1044 : vector<16xi32>
        %ge3A = arith.constant 0 : i32
        %ge3A_1046 = vector.broadcast %ge3A : i32 to vector<16xi32>
        %ge3A_1047 = arith.cmpi sge, %add3A_1045, %ge3A_1046 : vector<16xi32>
        %lt3A_1048 = arith.constant 2048 : i32
        %lt3A_1049 = vector.broadcast %lt3A_1048 : i32 to vector<16xi32>
        %lt3A_1050 = arith.cmpi slt, %add3A_1045, %lt3A_1049 : vector<16xi32>
        %and3A_1051 = arith.andi %ge3A_1047, %lt3A_1050 : vector<16xi1>
        tpu.vector_store_idx %arg7[%add3A_1045], %broadcast_in_dim3A_966 masked %and3A_1051 {add = true} : memref<2048xi32, #tpu.memory_space<vmem>>[vector<16xi32>], vector<16xi32>, vector<16xi1>
        %slice3A_1052 = vector.extract_strided_slice %add3A_1045 {offsets = [15], sizes = [1], strides = [1]} : vector<16xi32> to vector<1xi32>
        %squeeze3A_1053 = vector.extract %slice3A_1052[0] : i32 from vector<1xi32>
        %add3A_1054 = vector.broadcast %squeeze3A_1053 : i32 to vector<16xi32>
        %add3A_1055 = arith.addi %masked_cumsum3A_1013, %add3A_1054 : vector<16xi32>
        %ge3A_1056 = arith.constant 0 : i32
        %ge3A_1057 = vector.broadcast %ge3A_1056 : i32 to vector<16xi32>
        %ge3A_1058 = arith.cmpi sge, %add3A_1055, %ge3A_1057 : vector<16xi32>
        %lt3A_1059 = arith.constant 2048 : i32
        %lt3A_1060 = vector.broadcast %lt3A_1059 : i32 to vector<16xi32>
        %lt3A_1061 = arith.cmpi slt, %add3A_1055, %lt3A_1060 : vector<16xi32>
        %and3A_1062 = arith.andi %ge3A_1058, %lt3A_1061 : vector<16xi1>
        tpu.vector_store_idx %arg7[%add3A_1055], %broadcast_in_dim3A_966 masked %and3A_1062 {add = true} : memref<2048xi32, #tpu.memory_space<vmem>>[vector<16xi32>], vector<16xi32>, vector<16xi1>
        %slice3A_1063 = vector.extract_strided_slice %add3A_1055 {offsets = [15], sizes = [1], strides = [1]} : vector<16xi32> to vector<1xi32>
        %squeeze3A_1064 = vector.extract %slice3A_1063[0] : i32 from vector<1xi32>
        %add3A_1065 = vector.broadcast %squeeze3A_1064 : i32 to vector<16xi32>
        %add3A_1066 = arith.addi %masked_cumsum3A_1028, %add3A_1065 : vector<16xi32>
        %ge3A_1067 = arith.constant 0 : i32
        %ge3A_1068 = vector.broadcast %ge3A_1067 : i32 to vector<16xi32>
        %ge3A_1069 = arith.cmpi sge, %add3A_1066, %ge3A_1068 : vector<16xi32>
        %lt3A_1070 = arith.constant 2048 : i32
        %lt3A_1071 = vector.broadcast %lt3A_1070 : i32 to vector<16xi32>
        %lt3A_1072 = arith.cmpi slt, %add3A_1066, %lt3A_1071 : vector<16xi32>
        %and3A_1073 = arith.andi %ge3A_1069, %lt3A_1072 : vector<16xi1>
        tpu.vector_store_idx %arg7[%add3A_1066], %broadcast_in_dim3A_966 masked %and3A_1073 {add = true} : memref<2048xi32, #tpu.memory_space<vmem>>[vector<16xi32>], vector<16xi32>, vector<16xi1>
        %slice3A_1074 = vector.extract_strided_slice %add3A_1066 {offsets = [15], sizes = [1], strides = [1]} : vector<16xi32> to vector<1xi32>
        %squeeze3A_1075 = vector.extract %slice3A_1074[0] : i32 from vector<1xi32>
        %add3A_1076 = vector.broadcast %squeeze3A_1075 : i32 to vector<16xi32>
        %add3A_1077 = arith.addi %masked_cumsum3A_1043, %add3A_1076 : vector<16xi32>
        %ge3A_1078 = arith.constant 0 : i32
        %ge3A_1079 = vector.broadcast %ge3A_1078 : i32 to vector<16xi32>
        %ge3A_1080 = arith.cmpi sge, %add3A_1077, %ge3A_1079 : vector<16xi32>
        %lt3A_1081 = arith.constant 2048 : i32
        %lt3A_1082 = vector.broadcast %lt3A_1081 : i32 to vector<16xi32>
        %lt3A_1083 = arith.cmpi slt, %add3A_1077, %lt3A_1082 : vector<16xi32>
        %and3A_1084 = arith.andi %ge3A_1080, %lt3A_1083 : vector<16xi1>
        tpu.vector_store_idx %arg7[%add3A_1077], %broadcast_in_dim3A_966 masked %and3A_1084 {add = true} : memref<2048xi32, #tpu.memory_space<vmem>>[vector<16xi32>], vector<16xi32>, vector<16xi1>
        %slice3A_1085 = vector.extract_strided_slice %add3A_1077 {offsets = [15], sizes = [1], strides = [1]} : vector<16xi32> to vector<1xi32>
        %squeeze3A_1086 = vector.extract %slice3A_1085[0] : i32 from vector<1xi32>
        scf.yield %squeeze3A_1086 : i32
      }
      %scan3A_973 = arith.constant 32 : i32
      %scan3A_974 = arith.constant 0 : i32
      %scan3A_975 = arith.constant 0 : i32
      %scan3A_976 = arith.constant 32 : i32
      %scan3A_977 = arith.addi %scan3A_975, %scan3A_976 : i32
      %scan3A_978 = arith.constant 1 : i32
      %scan3A_979 = scf.for %scan3A_983 = %scan3A_975 to %scan3A_977 step %scan3A_978 iter_args(%scan3A_984 = %scan3A_974) -> (i32)  : i32 {
        %mul3A_985 = arith.constant 4 : i32
        %mul3A_986 = arith.muli %scan3A_983, %mul3A_985 : i32
        %add3A_987 = arith.constant 0 : i32
        %add3A_988 = arith.addi %mul3A_986, %add3A_987 : i32
        %mul3A_989 = arith.constant 16 : i32
        %mul3A_990 = arith.muli %add3A_988, %mul3A_989 : i32
        %get3A_991 = arith.index_cast %mul3A_990 : i32 to index
        %get3A_992 = tpu.vector_load %arg7[%get3A_991] {strides = array<i32>} : memref<2048xi32, #tpu.memory_space<vmem>>, vector<16xi32>,
        %broadcast_in_dim3A_993 = arith.constant true
        %broadcast_in_dim3A_994 = vector.broadcast %broadcast_in_dim3A_993 : i1 to vector<16xi1>
        %masked_cumsum3A = tpu.scan <sum>, %get3A_992 masked %broadcast_in_dim3A_994 : vector<16xi32>, vector<16xi1> -> vector<16xi32>
        %mul3A_995 = arith.constant 4 : i32
        %mul3A_996 = arith.muli %scan3A_983, %mul3A_995 : i32
        %add3A_997 = arith.constant 1 : i32
        %add3A_998 = arith.addi %mul3A_996, %add3A_997 : i32
        %mul3A_999 = arith.constant 16 : i32
        %mul3A_1000 = arith.muli %add3A_998, %mul3A_999 : i32
        %get3A_1001 = arith.index_cast %mul3A_1000 : i32 to index
        %get3A_1002 = tpu.vector_load %arg7[%get3A_1001] {strides = array<i32>} : memref<2048xi32, #tpu.memory_space<vmem>>, vector<16xi32>,
        %broadcast_in_dim3A_1003 = arith.constant true
        %broadcast_in_dim3A_1004 = vector.broadcast %broadcast_in_dim3A_1003 : i1 to vector<16xi1>
        %masked_cumsum3A_1005 = tpu.scan <sum>, %get3A_1002 masked %broadcast_in_dim3A_1004 : vector<16xi32>, vector<16xi1> -> vector<16xi32>
        %mul3A_1006 = arith.constant 4 : i32
        %mul3A_1007 = arith.muli %scan3A_983, %mul3A_1006 : i32
        %add3A_1008 = arith.constant 2 : i32
        %add3A_1009 = arith.addi %mul3A_1007, %add3A_1008 : i32
        %mul3A_1010 = arith.constant 16 : i32
        %mul3A_1011 = arith.muli %add3A_1009, %mul3A_1010 : i32
        %get3A_1012 = arith.index_cast %mul3A_1011 : i32 to index
        %get3A_1013 = tpu.vector_load %arg7[%get3A_1012] {strides = array<i32>} : memref<2048xi32, #tpu.memory_space<vmem>>, vector<16xi32>,
        %broadcast_in_dim3A_1014 = arith.constant true
        %broadcast_in_dim3A_1015 = vector.broadcast %broadcast_in_dim3A_1014 : i1 to vector<16xi1>
        %masked_cumsum3A_1016 = tpu.scan <sum>, %get3A_1013 masked %broadcast_in_dim3A_1015 : vector<16xi32>, vector<16xi1> -> vector<16xi32>
        %mul3A_1017 = arith.constant 4 : i32
        %mul3A_1018 = arith.muli %scan3A_983, %mul3A_1017 : i32
        %add3A_1019 = arith.constant 3 : i32
        %add3A_1020 = arith.addi %mul3A_1018, %add3A_1019 : i32
        %mul3A_1021 = arith.constant 16 : i32
        %mul3A_1022 = arith.muli %add3A_1020, %mul3A_1021 : i32
        %get3A_1023 = arith.index_cast %mul3A_1022 : i32 to index
        %get3A_1024 = tpu.vector_load %arg7[%get3A_1023] {strides = array<i32>} : memref<2048xi32, #tpu.memory_space<vmem>>, vector<16xi32>,
        %broadcast_in_dim3A_1025 = arith.constant true
        %broadcast_in_dim3A_1026 = vector.broadcast %broadcast_in_dim3A_1025 : i1 to vector<16xi1>
        %masked_cumsum3A_1027 = tpu.scan <sum>, %get3A_1024 masked %broadcast_in_dim3A_1026 : vector<16xi32>, vector<16xi1> -> vector<16xi32>
        %add3A_1028 = vector.broadcast %scan3A_984 : i32 to vector<16xi32>
        %add3A_1029 = arith.addi %masked_cumsum3A, %add3A_1028 : vector<16xi32>
        %mul3A_1030 = arith.constant 2048 : i32
        %mul3A_1031 = arith.muli %add3A_957, %mul3A_1030 : i32
        %add3A_1032 = vector.broadcast %mul3A_1031 : i32 to vector<16xi32>
        %add3A_1033 = arith.addi %add3A_1029, %add3A_1032 : vector<16xi32>
        %mul3A_1034 = arith.constant 4 : i32
        %mul3A_1035 = arith.muli %scan3A_983, %mul3A_1034 : i32
        %add3A_1036 = arith.constant 0 : i32
        %add3A_1037 = arith.addi %mul3A_1035, %add3A_1036 : i32
        %swap3A = arith.index_cast %add3A_1037 : i32 to index
        %swap3A_1038 = arith.constant 0 : index
        %swap3A_1039 = tpu.vector_load %arg8[%swap3A, %swap3A_1038] {strides = array<i32>} : memref<128x16xi32, #tpu.memory_space<vmem>>, vector<16xi32>,
        tpu.vector_store %arg8[%swap3A, %swap3A_1038], %add3A_1033 {strides = array<i32>} : memref<128x16xi32, #tpu.memory_space<vmem>>, vector<16xi32>,
        %slice3A_1040 = vector.extract_strided_slice %add3A_1029 {offsets = [15], sizes = [1], strides = [1]} : vector<16xi32> to vector<1xi32>
        %squeeze3A_1041 = vector.extract %slice3A_1040[0] : i32 from vector<1xi32>
        %add3A_1042 = vector.broadcast %squeeze3A_1041 : i32 to vector<16xi32>
        %add3A_1043 = arith.addi %masked_cumsum3A_1005, %add3A_1042 : vector<16xi32>
        %mul3A_1044 = arith.constant 2048 : i32
        %mul3A_1045 = arith.muli %add3A_957, %mul3A_1044 : i32
        %add3A_1046 = vector.broadcast %mul3A_1045 : i32 to vector<16xi32>
        %add3A_1047 = arith.addi %add3A_1043, %add3A_1046 : vector<16xi32>
        %mul3A_1048 = arith.constant 4 : i32
        %mul3A_1049 = arith.muli %scan3A_983, %mul3A_1048 : i32
        %add3A_1050 = arith.constant 1 : i32
        %add3A_1051 = arith.addi %mul3A_1049, %add3A_1050 : i32
        %swap3A_1052 = arith.index_cast %add3A_1051 : i32 to index
        %swap3A_1053 = arith.constant 0 : index
        %swap3A_1054 = tpu.vector_load %arg8[%swap3A_1052, %swap3A_1053] {strides = array<i32>} : memref<128x16xi32, #tpu.memory_space<vmem>>, vector<16xi32>,
        tpu.vector_store %arg8[%swap3A_1052, %swap3A_1053], %add3A_1047 {strides = array<i32>} : memref<128x16xi32, #tpu.memory_space<vmem>>, vector<16xi32>,
        %slice3A_1055 = vector.extract_strided_slice %add3A_1043 {offsets = [15], sizes = [1], strides = [1]} : vector<16xi32> to vector<1xi32>
        %squeeze3A_1056 = vector.extract %slice3A_1055[0] : i32 from vector<1xi32>
        %add3A_1057 = vector.broadcast %squeeze3A_1056 : i32 to vector<16xi32>
        %add3A_1058 = arith.addi %masked_cumsum3A_1016, %add3A_1057 : vector<16xi32>
        %mul3A_1059 = arith.constant 2048 : i32
        %mul3A_1060 = arith.muli %add3A_957, %mul3A_1059 : i32
        %add3A_1061 = vector.broadcast %mul3A_1060 : i32 to vector<16xi32>
        %add3A_1062 = arith.addi %add3A_1058, %add3A_1061 : vector<16xi32>
        %mul3A_1063 = arith.constant 4 : i32
        %mul3A_1064 = arith.muli %scan3A_983, %mul3A_1063 : i32
        %add3A_1065 = arith.constant 2 : i32
        %add3A_1066 = arith.addi %mul3A_1064, %add3A_1065 : i32
        %swap3A_1067 = arith.index_cast %add3A_1066 : i32 to index
        %swap3A_1068 = arith.constant 0 : index
        %swap3A_1069 = tpu.vector_load %arg8[%swap3A_1067, %swap3A_1068] {strides = array<i32>} : memref<128x16xi32, #tpu.memory_space<vmem>>, vector<16xi32>,
        tpu.vector_store %arg8[%swap3A_1067, %swap3A_1068], %add3A_1062 {strides = array<i32>} : memref<128x16xi32, #tpu.memory_space<vmem>>, vector<16xi32>,
        %slice3A_1070 = vector.extract_strided_slice %add3A_1058 {offsets = [15], sizes = [1], strides = [1]} : vector<16xi32> to vector<1xi32>
        %squeeze3A_1071 = vector.extract %slice3A_1070[0] : i32 from vector<1xi32>
        %add3A_1072 = vector.broadcast %squeeze3A_1071 : i32 to vector<16xi32>
        %add3A_1073 = arith.addi %masked_cumsum3A_1027, %add3A_1072 : vector<16xi32>
        %mul3A_1074 = arith.constant 2048 : i32
        %mul3A_1075 = arith.muli %add3A_957, %mul3A_1074 : i32
        %add3A_1076 = vector.broadcast %mul3A_1075 : i32 to vector<16xi32>
        %add3A_1077 = arith.addi %add3A_1073, %add3A_1076 : vector<16xi32>
        %mul3A_1078 = arith.constant 4 : i32
        %mul3A_1079 = arith.muli %scan3A_983, %mul3A_1078 : i32
        %add3A_1080 = arith.constant 3 : i32
        %add3A_1081 = arith.addi %mul3A_1079, %add3A_1080 : i32
        %swap3A_1082 = arith.index_cast %add3A_1081 : i32 to index
        %swap3A_1083 = arith.constant 0 : index
        %swap3A_1084 = tpu.vector_load %arg8[%swap3A_1082, %swap3A_1083] {strides = array<i32>} : memref<128x16xi32, #tpu.memory_space<vmem>>, vector<16xi32>,
        tpu.vector_store %arg8[%swap3A_1082, %swap3A_1083], %add3A_1077 {strides = array<i32>} : memref<128x16xi32, #tpu.memory_space<vmem>>, vector<16xi32>,
        %slice3A_1085 = vector.extract_strided_slice %add3A_1073 {offsets = [15], sizes = [1], strides = [1]} : vector<16xi32> to vector<1xi32>
        %squeeze3A_1086 = vector.extract %slice3A_1085[0] : i32 from vector<1xi32>
        scf.yield %squeeze3A_1086 : i32
      }
      %scan3A_980 = arith.constant 32 : i32
      %mul3A_981 = arith.constant 128 : i32
      %mul3A_982 = arith.muli %add3A_957, %mul3A_981 : i32
      "tpu.region"() ({
        %run_scoped3A = tpu.sem_alloc : memref<!tpu.dma_semaphore, #tpu.memory_space<semaphore_mem>>
        %dma_start3A_983 = arith.constant 0 : i32
        %dma_start3A_984 = tpu.memref_slice %arg5[%mul3A_982, %dma_start3A_983] : memref<1024x16xi32, #tpu.memory_space<hbm>> -> memref<128x16xi32, #tpu.memory_space<hbm>>
        %dma_start3A_985 = arith.constant 0 : i32
        %dma_start3A_986 = tpu.memref_slice %arg5[%mul3A_982, %dma_start3A_985] : memref<1024x16xi32, #tpu.memory_space<hbm>> -> memref<128x16xi32, #tpu.memory_space<hbm>>
        tpu.enqueue_dma source(%arg8 : memref<128x16xi32, #tpu.memory_space<vmem>>) target(%dma_start3A_986 : memref<128x16xi32, #tpu.memory_space<hbm>>) target_semaphore(%run_scoped3A : memref<!tpu.dma_semaphore, #tpu.memory_space<semaphore_mem>>)
        %dma_wait3A_987 = arith.constant 0 : i32
        %dma_wait3A_988 = tpu.memref_slice %arg5[%mul3A_982, %dma_wait3A_987] : memref<1024x16xi32, #tpu.memory_space<hbm>> -> memref<128x16xi32, #tpu.memory_space<hbm>>
        %dma_wait3A_989 = arith.constant 0 : i32
        %dma_wait3A_990 = tpu.memref_slice %arg5[%mul3A_982, %dma_wait3A_989] : memref<1024x16xi32, #tpu.memory_space<hbm>> -> memref<128x16xi32, #tpu.memory_space<hbm>>
        tpu.wait_dma2 semaphore(%run_scoped3A : memref<!tpu.dma_semaphore, #tpu.memory_space<semaphore_mem>>) src(%arg8 : memref<128x16xi32, #tpu.memory_space<vmem>>) dst(%dma_wait3A_990 : memref<128x16xi32, #tpu.memory_space<hbm>>)
        tpu.yield
      }) : () -> ()
    } else {
    }
    %barrier3A = arith.constant 0 : index
    tpu.barrier barrier_id(%barrier3A)
    %mul3A_3 = arith.constant 512 : i32
    %mul3A_4 = arith.muli %add3A, %mul3A_3 : i32
    %jit3A = arith.constant 4 : i32
    %div3A = arith.divsi %add3A, %jit3A : i32
    %sign3A = arith.constant 0 : i32
    %sign3A_5 = arith.cmpi sgt, %add3A, %sign3A : i32
    %sign3A_6 = arith.extui %sign3A_5 : i1 to i32
    %sign3A_7 = arith.constant 0 : i32
    %sign3A_8 = arith.cmpi slt, %add3A, %sign3A_7 : i32
    %sign3A_9 = arith.extui %sign3A_8 : i1 to i32
    %sign3A_10 = arith.subi %sign3A_6, %sign3A_9 : i32
    %sign3A_11 = arith.constant 0 : i32
    %sign3A_12 = arith.cmpi sgt, %jit3A, %sign3A_11 : i32
    %sign3A_13 = arith.extui %sign3A_12 : i1 to i32
    %sign3A_14 = arith.constant 0 : i32
    %sign3A_15 = arith.cmpi slt, %jit3A, %sign3A_14 : i32
    %sign3A_16 = arith.extui %sign3A_15 : i1 to i32
    %sign3A_17 = arith.subi %sign3A_13, %sign3A_16 : i32
    %ne3A = arith.cmpi ne, %sign3A_10, %sign3A_17 : i32
    %rem3A = arith.remsi %add3A, %jit3A : i32
    %ne3A_18 = arith.constant 0 : i32
    %ne3A_19 = arith.cmpi ne, %rem3A, %ne3A_18 : i32
    %and3A = arith.andi %ne3A, %ne3A_19 : i1
    %sub3A = arith.constant 1 : i32
    %sub3A_20 = arith.subi %div3A, %sub3A : i32
    %select_n3A = arith.select %and3A, %sub3A_20, %div3A : i32
    %mul3A_21 = arith.constant 2048 : i32
    %mul3A_22 = arith.muli %select_n3A, %mul3A_21 : i32
    %add3A_23 = arith.constant 2048 : i32
    %add3A_24 = arith.addi %mul3A_22, %add3A_23 : i32
    %sub3A_25 = arith.constant 1 : i32
    %sub3A_26 = arith.subi %add3A_24, %sub3A_25 : i32
    %mul3A_27 = arith.constant 32 : i32
    %mul3A_28 = arith.muli %add3A, %mul3A_27 : i32
    "tpu.region"() ({
      %run_scoped3A = tpu.sem_alloc : memref<!tpu.dma_semaphore, #tpu.memory_space<semaphore_mem>>
      %dma_start3A_955 = arith.constant 0 : i32
      %dma_start3A_956 = tpu.memref_slice %arg5[%mul3A_28, %dma_start3A_955] : memref<1024x16xi32, #tpu.memory_space<hbm>> -> memref<32x16xi32, #tpu.memory_space<hbm>>
      %dma_start3A_957 = arith.constant 0 : i32
      %dma_start3A_958 = tpu.memref_slice %arg5[%mul3A_28, %dma_start3A_957] : memref<1024x16xi32, #tpu.memory_space<hbm>> -> memref<32x16xi32, #tpu.memory_space<hbm>>
      tpu.enqueue_dma source(%dma_start3A_958 : memref<32x16xi32, #tpu.memory_space<hbm>>) target(%arg9 : memref<32x16xi32, #tpu.memory_space<vmem>>) target_semaphore(%run_scoped3A : memref<!tpu.dma_semaphore, #tpu.memory_space<semaphore_mem>>)
      %dma_wait3A_959 = arith.constant 0 : i32
      %dma_wait3A_960 = tpu.memref_slice %arg5[%mul3A_28, %dma_wait3A_959] : memref<1024x16xi32, #tpu.memory_space<hbm>> -> memref<32x16xi32, #tpu.memory_space<hbm>>
      %dma_wait3A_961 = arith.constant 0 : i32
      %dma_wait3A_962 = tpu.memref_slice %arg5[%mul3A_28, %dma_wait3A_961] : memref<1024x16xi32, #tpu.memory_space<hbm>> -> memref<32x16xi32, #tpu.memory_space<hbm>>
      tpu.wait_dma2 semaphore(%run_scoped3A : memref<!tpu.dma_semaphore, #tpu.memory_space<semaphore_mem>>) src(%dma_wait3A_962 : memref<32x16xi32, #tpu.memory_space<hbm>>) dst(%arg9 : memref<32x16xi32, #tpu.memory_space<vmem>>)
      tpu.yield
    }) : () -> ()
    %get3A = arith.constant 0 : i32
    %get3A_29 = arith.index_cast %get3A : i32 to index
    %get3A_30 = arith.constant 0 : index
    %get3A_31 = tpu.vector_load %arg9[%get3A_29, %get3A_30] {strides = array<i32>} : memref<32x16xi32, #tpu.memory_space<vmem>>, vector<16xi32>,
    %gt3A = vector.broadcast %sub3A_26 : i32 to vector<16xi32>
    %gt3A_32 = arith.cmpi sgt, %get3A_31, %gt3A : vector<16xi32>
    %all_reduce_population_count3A = tpu.all_reduce %gt3A_32 {dim = 0 : i64, kind = #tpu.reduction_kind<sum>} : vector<16xi1> -> vector<16xi32>
    %slice3A = vector.extract_strided_slice %all_reduce_population_count3A {offsets = [0], sizes = [1], strides = [1]} : vector<16xi32> to vector<1xi32>
    %squeeze3A = vector.extract %slice3A[0] : i32 from vector<1xi32>
    %min3A = vector.broadcast %sub3A_26 : i32 to vector<16xi32>
    %min3A_33 = arith.minsi %get3A_31, %min3A : vector<16xi32>
    %dma_start3A = arith.constant 0 : i32
    %dma_start3A_34 = arith.constant 0 : i32
    %dma_start3A_35 = tpu.memref_slice %arg10[%dma_start3A, %dma_start3A_34] : memref<32x1024xf32, #tpu.memory_space<vmem>> -> memref<16x1024xf32, #tpu.memory_space<vmem>>
    %dma_start3A_36 = arith.constant 0 : i32
    %dma_start3A_37 = arith.constant 0 : i32
    %dma_start3A_38 = tpu.memref_slice %arg2[%dma_start3A_36, %dma_start3A_37] : memref<16384x1024xf32, #tpu.memory_space<hbm>> -> memref<16384x1024xf32, #tpu.memory_space<hbm>>
    tpu.enqueue_indirect_dma source(%dma_start3A_38 : memref<16384x1024xf32, #tpu.memory_space<hbm>>) target(%dma_start3A_35 : memref<16x1024xf32, #tpu.memory_space<vmem>>) offsets(%min3A_33 : vector<16xi32>) semaphore(%arg14 : memref<!tpu.dma_semaphore, #tpu.memory_space<semaphore_mem>>)
    %get3A_39 = arith.constant 1 : i32
    %get3A_40 = arith.index_cast %get3A_39 : i32 to index
    %get3A_41 = arith.constant 0 : index
    %get3A_42 = tpu.vector_load %arg9[%get3A_40, %get3A_41] {strides = array<i32>} : memref<32x16xi32, #tpu.memory_space<vmem>>, vector<16xi32>,
    %gt3A_43 = vector.broadcast %sub3A_26 : i32 to vector<16xi32>
    %gt3A_44 = arith.cmpi sgt, %get3A_42, %gt3A_43 : vector<16xi32>
    %all_reduce_population_count3A_45 = tpu.all_reduce %gt3A_44 {dim = 0 : i64, kind = #tpu.reduction_kind<sum>} : vector<16xi1> -> vector<16xi32>
    %slice3A_46 = vector.extract_strided_slice %all_reduce_population_count3A_45 {offsets = [0], sizes = [1], strides = [1]} : vector<16xi32> to vector<1xi32>
    %squeeze3A_47 = vector.extract %slice3A_46[0] : i32 from vector<1xi32>
    %min3A_48 = vector.broadcast %sub3A_26 : i32 to vector<16xi32>
    %min3A_49 = arith.minsi %get3A_42, %min3A_48 : vector<16xi32>
    %dma_start3A_50 = arith.constant 16 : i32
    %dma_start3A_51 = arith.constant 0 : i32
    %dma_start3A_52 = tpu.memref_slice %arg10[%dma_start3A_50, %dma_start3A_51] : memref<32x1024xf32, #tpu.memory_space<vmem>> -> memref<16x1024xf32, #tpu.memory_space<vmem>>
    %dma_start3A_53 = arith.constant 0 : i32
    %dma_start3A_54 = arith.constant 0 : i32
    %dma_start3A_55 = tpu.memref_slice %arg2[%dma_start3A_53, %dma_start3A_54] : memref<16384x1024xf32, #tpu.memory_space<hbm>> -> memref<16384x1024xf32, #tpu.memory_space<hbm>>
    tpu.enqueue_indirect_dma source(%dma_start3A_55 : memref<16384x1024xf32, #tpu.memory_space<hbm>>) target(%dma_start3A_52 : memref<16x1024xf32, #tpu.memory_space<vmem>>) offsets(%min3A_49 : vector<16xi32>) semaphore(%arg14 : memref<!tpu.dma_semaphore, #tpu.memory_space<semaphore_mem>>)
    %get3A_56 = arith.constant 2 : i32
    %get3A_57 = arith.index_cast %get3A_56 : i32 to index
    %get3A_58 = arith.constant 0 : index
    %get3A_59 = tpu.vector_load %arg9[%get3A_57, %get3A_58] {strides = array<i32>} : memref<32x16xi32, #tpu.memory_space<vmem>>, vector<16xi32>,
    %gt3A_60 = vector.broadcast %sub3A_26 : i32 to vector<16xi32>
    %gt3A_61 = arith.cmpi sgt, %get3A_59, %gt3A_60 : vector<16xi32>
    %all_reduce_population_count3A_62 = tpu.all_reduce %gt3A_61 {dim = 0 : i64, kind = #tpu.reduction_kind<sum>} : vector<16xi1> -> vector<16xi32>
    %slice3A_63 = vector.extract_strided_slice %all_reduce_population_count3A_62 {offsets = [0], sizes = [1], strides = [1]} : vector<16xi32> to vector<1xi32>
    %squeeze3A_64 = vector.extract %slice3A_63[0] : i32 from vector<1xi32>
    %min3A_65 = vector.broadcast %sub3A_26 : i32 to vector<16xi32>
    %min3A_66 = arith.minsi %get3A_59, %min3A_65 : vector<16xi32>
    %dma_start3A_67 = arith.constant 0 : i32
    %dma_start3A_68 = arith.constant 0 : i32
    %dma_start3A_69 = tpu.memref_slice %arg11[%dma_start3A_67, %dma_start3A_68] : memref<32x1024xf32, #tpu.memory_space<vmem>> -> memref<16x1024xf32, #tpu.memory_space<vmem>>
    %dma_start3A_70 = arith.constant 0 : i32
    %dma_start3A_71 = arith.constant 0 : i32
    %dma_start3A_72 = tpu.memref_slice %arg2[%dma_start3A_70, %dma_start3A_71] : memref<16384x1024xf32, #tpu.memory_space<hbm>> -> memref<16384x1024xf32, #tpu.memory_space<hbm>>
    tpu.enqueue_indirect_dma source(%dma_start3A_72 : memref<16384x1024xf32, #tpu.memory_space<hbm>>) target(%dma_start3A_69 : memref<16x1024xf32, #tpu.memory_space<vmem>>) offsets(%min3A_66 : vector<16xi32>) semaphore(%arg15 : memref<!tpu.dma_semaphore, #tpu.memory_space<semaphore_mem>>)
    %get3A_73 = arith.constant 3 : i32
    %get3A_74 = arith.index_cast %get3A_73 : i32 to index
    %get3A_75 = arith.constant 0 : index
    %get3A_76 = tpu.vector_load %arg9[%get3A_74, %get3A_75] {strides = array<i32>} : memref<32x16xi32, #tpu.memory_space<vmem>>, vector<16xi32>,
    %gt3A_77 = vector.broadcast %sub3A_26 : i32 to vector<16xi32>
    %gt3A_78 = arith.cmpi sgt, %get3A_76, %gt3A_77 : vector<16xi32>
    %all_reduce_population_count3A_79 = tpu.all_reduce %gt3A_78 {dim = 0 : i64, kind = #tpu.reduction_kind<sum>} : vector<16xi1> -> vector<16xi32>
    %slice3A_80 = vector.extract_strided_slice %all_reduce_population_count3A_79 {offsets = [0], sizes = [1], strides = [1]} : vector<16xi32> to vector<1xi32>
    %squeeze3A_81 = vector.extract %slice3A_80[0] : i32 from vector<1xi32>
    %min3A_82 = vector.broadcast %sub3A_26 : i32 to vector<16xi32>
    %min3A_83 = arith.minsi %get3A_76, %min3A_82 : vector<16xi32>
    %dma_start3A_84 = arith.constant 16 : i32
    %dma_start3A_85 = arith.constant 0 : i32
    %dma_start3A_86 = tpu.memref_slice %arg11[%dma_start3A_84, %dma_start3A_85] : memref<32x1024xf32, #tpu.memory_space<vmem>> -> memref<16x1024xf32, #tpu.memory_space<vmem>>
    %dma_start3A_87 = arith.constant 0 : i32
    %dma_start3A_88 = arith.constant 0 : i32
    %dma_start3A_89 = tpu.memref_slice %arg2[%dma_start3A_87, %dma_start3A_88] : memref<16384x1024xf32, #tpu.memory_space<hbm>> -> memref<16384x1024xf32, #tpu.memory_space<hbm>>
    tpu.enqueue_indirect_dma source(%dma_start3A_89 : memref<16384x1024xf32, #tpu.memory_space<hbm>>) target(%dma_start3A_86 : memref<16x1024xf32, #tpu.memory_space<vmem>>) offsets(%min3A_83 : vector<16xi32>) semaphore(%arg15 : memref<!tpu.dma_semaphore, #tpu.memory_space<semaphore_mem>>)
    %dma_wait3A = arith.constant 0 : i32
    %dma_wait3A_90 = arith.constant 0 : i32
    %dma_wait3A_91 = tpu.memref_slice %arg10[%dma_wait3A, %dma_wait3A_90] : memref<32x1024xf32, #tpu.memory_space<vmem>> -> memref<16x1024xf32, #tpu.memory_space<vmem>>
    %dma_wait3A_92 = arith.constant 0 : i32
    %dma_wait3A_93 = arith.constant 0 : i32
    %dma_wait3A_94 = tpu.memref_slice %arg2[%dma_wait3A_92, %dma_wait3A_93] : memref<16384x1024xf32, #tpu.memory_space<hbm>> -> memref<16384x1024xf32, #tpu.memory_space<hbm>>
    tpu.wait_indirect_dma semaphore(%arg14 : memref<!tpu.dma_semaphore, #tpu.memory_space<semaphore_mem>>) src(%dma_wait3A_94 : memref<16384x1024xf32, #tpu.memory_space<hbm>>) dst(%dma_wait3A_91 : memref<16x1024xf32, #tpu.memory_space<vmem>>)
    %dma_wait3A_95 = arith.constant 16 : i32
    %dma_wait3A_96 = arith.constant 0 : i32
    %dma_wait3A_97 = tpu.memref_slice %arg10[%dma_wait3A_95, %dma_wait3A_96] : memref<32x1024xf32, #tpu.memory_space<vmem>> -> memref<16x1024xf32, #tpu.memory_space<vmem>>
    %dma_wait3A_98 = arith.constant 0 : i32
    %dma_wait3A_99 = arith.constant 0 : i32
    %dma_wait3A_100 = tpu.memref_slice %arg2[%dma_wait3A_98, %dma_wait3A_99] : memref<16384x1024xf32, #tpu.memory_space<hbm>> -> memref<16384x1024xf32, #tpu.memory_space<hbm>>
    tpu.wait_indirect_dma semaphore(%arg14 : memref<!tpu.dma_semaphore, #tpu.memory_space<semaphore_mem>>) src(%dma_wait3A_100 : memref<16384x1024xf32, #tpu.memory_space<hbm>>) dst(%dma_wait3A_97 : memref<16x1024xf32, #tpu.memory_space<vmem>>)
    %add3A_101 = arith.constant 0 : i32
    %add3A_102 = arith.addi %mul3A_4, %add3A_101 : i32
    %dma_start3A_103 = arith.constant 0 : i32
    %dma_start3A_104 = tpu.memref_slice %arg4[%add3A_102, %dma_start3A_103] : memref<16384x1024xf32, #tpu.memory_space<hbm>> -> memref<32x1024xf32, #tpu.memory_space<hbm>>
    %dma_start3A_105 = arith.constant 0 : i32
    %dma_start3A_106 = tpu.memref_slice %arg4[%add3A_102, %dma_start3A_105] : memref<16384x1024xf32, #tpu.memory_space<hbm>> -> memref<32x1024xf32, #tpu.memory_space<hbm>>
    tpu.enqueue_dma source(%arg10 : memref<32x1024xf32, #tpu.memory_space<vmem>>) target(%dma_start3A_106 : memref<32x1024xf32, #tpu.memory_space<hbm>>) target_semaphore(%arg17 : memref<!tpu.dma_semaphore, #tpu.memory_space<semaphore_mem>>)
    %get3A_107 = arith.constant 4 : i32
    %get3A_108 = arith.index_cast %get3A_107 : i32 to index
    %get3A_109 = arith.constant 0 : index
    %get3A_110 = tpu.vector_load %arg9[%get3A_108, %get3A_109] {strides = array<i32>} : memref<32x16xi32, #tpu.memory_space<vmem>>, vector<16xi32>,
    %gt3A_111 = vector.broadcast %sub3A_26 : i32 to vector<16xi32>
    %gt3A_112 = arith.cmpi sgt, %get3A_110, %gt3A_111 : vector<16xi32>
    %all_reduce_population_count3A_113 = tpu.all_reduce %gt3A_112 {dim = 0 : i64, kind = #tpu.reduction_kind<sum>} : vector<16xi1> -> vector<16xi32>
    %slice3A_114 = vector.extract_strided_slice %all_reduce_population_count3A_113 {offsets = [0], sizes = [1], strides = [1]} : vector<16xi32> to vector<1xi32>
    %squeeze3A_115 = vector.extract %slice3A_114[0] : i32 from vector<1xi32>
    %min3A_116 = vector.broadcast %sub3A_26 : i32 to vector<16xi32>
    %min3A_117 = arith.minsi %get3A_110, %min3A_116 : vector<16xi32>
    %dma_start3A_118 = arith.constant 0 : i32
    %dma_start3A_119 = arith.constant 0 : i32
    %dma_start3A_120 = tpu.memref_slice %arg12[%dma_start3A_118, %dma_start3A_119] : memref<32x1024xf32, #tpu.memory_space<vmem>> -> memref<16x1024xf32, #tpu.memory_space<vmem>>
    %dma_start3A_121 = arith.constant 0 : i32
    %dma_start3A_122 = arith.constant 0 : i32
    %dma_start3A_123 = tpu.memref_slice %arg2[%dma_start3A_121, %dma_start3A_122] : memref<16384x1024xf32, #tpu.memory_space<hbm>> -> memref<16384x1024xf32, #tpu.memory_space<hbm>>
    tpu.enqueue_indirect_dma source(%dma_start3A_123 : memref<16384x1024xf32, #tpu.memory_space<hbm>>) target(%dma_start3A_120 : memref<16x1024xf32, #tpu.memory_space<vmem>>) offsets(%min3A_117 : vector<16xi32>) semaphore(%arg16 : memref<!tpu.dma_semaphore, #tpu.memory_space<semaphore_mem>>)
    %get3A_124 = arith.constant 5 : i32
    %get3A_125 = arith.index_cast %get3A_124 : i32 to index
    %get3A_126 = arith.constant 0 : index
    %get3A_127 = tpu.vector_load %arg9[%get3A_125, %get3A_126] {strides = array<i32>} : memref<32x16xi32, #tpu.memory_space<vmem>>, vector<16xi32>,
    %gt3A_128 = vector.broadcast %sub3A_26 : i32 to vector<16xi32>
    %gt3A_129 = arith.cmpi sgt, %get3A_127, %gt3A_128 : vector<16xi32>
    %all_reduce_population_count3A_130 = tpu.all_reduce %gt3A_129 {dim = 0 : i64, kind = #tpu.reduction_kind<sum>} : vector<16xi1> -> vector<16xi32>
    %slice3A_131 = vector.extract_strided_slice %all_reduce_population_count3A_130 {offsets = [0], sizes = [1], strides = [1]} : vector<16xi32> to vector<1xi32>
    %squeeze3A_132 = vector.extract %slice3A_131[0] : i32 from vector<1xi32>
    %min3A_133 = vector.broadcast %sub3A_26 : i32 to vector<16xi32>
    %min3A_134 = arith.minsi %get3A_127, %min3A_133 : vector<16xi32>
    %dma_start3A_135 = arith.constant 16 : i32
    %dma_start3A_136 = arith.constant 0 : i32
    %dma_start3A_137 = tpu.memref_slice %arg12[%dma_start3A_135, %dma_start3A_136] : memref<32x1024xf32, #tpu.memory_space<vmem>> -> memref<16x1024xf32, #tpu.memory_space<vmem>>
    %dma_start3A_138 = arith.constant 0 : i32
    %dma_start3A_139 = arith.constant 0 : i32
    %dma_start3A_140 = tpu.memref_slice %arg2[%dma_start3A_138, %dma_start3A_139] : memref<16384x1024xf32, #tpu.memory_space<hbm>> -> memref<16384x1024xf32, #tpu.memory_space<hbm>>
    tpu.enqueue_indirect_dma source(%dma_start3A_140 : memref<16384x1024xf32, #tpu.memory_space<hbm>>) target(%dma_start3A_137 : memref<16x1024xf32, #tpu.memory_space<vmem>>) offsets(%min3A_134 : vector<16xi32>) semaphore(%arg16 : memref<!tpu.dma_semaphore, #tpu.memory_space<semaphore_mem>>)
    %dma_wait3A_141 = arith.constant 0 : i32
    %dma_wait3A_142 = arith.constant 0 : i32
    %dma_wait3A_143 = tpu.memref_slice %arg11[%dma_wait3A_141, %dma_wait3A_142] : memref<32x1024xf32, #tpu.memory_space<vmem>> -> memref<16x1024xf32, #tpu.memory_space<vmem>>
    %dma_wait3A_144 = arith.constant 0 : i32
    %dma_wait3A_145 = arith.constant 0 : i32
    %dma_wait3A_146 = tpu.memref_slice %arg2[%dma_wait3A_144, %dma_wait3A_145] : memref<16384x1024xf32, #tpu.memory_space<hbm>> -> memref<16384x1024xf32, #tpu.memory_space<hbm>>
    tpu.wait_indirect_dma semaphore(%arg15 : memref<!tpu.dma_semaphore, #tpu.memory_space<semaphore_mem>>) src(%dma_wait3A_146 : memref<16384x1024xf32, #tpu.memory_space<hbm>>) dst(%dma_wait3A_143 : memref<16x1024xf32, #tpu.memory_space<vmem>>)
    %dma_wait3A_147 = arith.constant 16 : i32
    %dma_wait3A_148 = arith.constant 0 : i32
    %dma_wait3A_149 = tpu.memref_slice %arg11[%dma_wait3A_147, %dma_wait3A_148] : memref<32x1024xf32, #tpu.memory_space<vmem>> -> memref<16x1024xf32, #tpu.memory_space<vmem>>
    %dma_wait3A_150 = arith.constant 0 : i32
    %dma_wait3A_151 = arith.constant 0 : i32
    %dma_wait3A_152 = tpu.memref_slice %arg2[%dma_wait3A_150, %dma_wait3A_151] : memref<16384x1024xf32, #tpu.memory_space<hbm>> -> memref<16384x1024xf32, #tpu.memory_space<hbm>>
    tpu.wait_indirect_dma semaphore(%arg15 : memref<!tpu.dma_semaphore, #tpu.memory_space<semaphore_mem>>) src(%dma_wait3A_152 : memref<16384x1024xf32, #tpu.memory_space<hbm>>) dst(%dma_wait3A_149 : memref<16x1024xf32, #tpu.memory_space<vmem>>)
    %add3A_153 = arith.constant 32 : i32
    %add3A_154 = arith.addi %mul3A_4, %add3A_153 : i32
    %dma_start3A_155 = arith.constant 0 : i32
    %dma_start3A_156 = tpu.memref_slice %arg4[%add3A_154, %dma_start3A_155] : memref<16384x1024xf32, #tpu.memory_space<hbm>> -> memref<32x1024xf32, #tpu.memory_space<hbm>>
    %dma_start3A_157 = arith.constant 0 : i32
    %dma_start3A_158 = tpu.memref_slice %arg4[%add3A_154, %dma_start3A_157] : memref<16384x1024xf32, #tpu.memory_space<hbm>> -> memref<32x1024xf32, #tpu.memory_space<hbm>>
    tpu.enqueue_dma source(%arg11 : memref<32x1024xf32, #tpu.memory_space<vmem>>) target(%dma_start3A_158 : memref<32x1024xf32, #tpu.memory_space<hbm>>) target_semaphore(%arg18 : memref<!tpu.dma_semaphore, #tpu.memory_space<semaphore_mem>>)
    %dma_wait3A_159 = arith.constant 0 : i32
    %dma_wait3A_160 = tpu.memref_slice %arg4[%add3A_102, %dma_wait3A_159] : memref<16384x1024xf32, #tpu.memory_space<hbm>> -> memref<32x1024xf32, #tpu.memory_space<hbm>>
    %dma_wait3A_161 = arith.constant 0 : i32
    %dma_wait3A_162 = tpu.memref_slice %arg4[%add3A_102, %dma_wait3A_161] : memref<16384x1024xf32, #tpu.memory_space<hbm>> -> memref<32x1024xf32, #tpu.memory_space<hbm>>
    tpu.wait_dma2 semaphore(%arg17 : memref<!tpu.dma_semaphore, #tpu.memory_space<semaphore_mem>>) src(%arg10 : memref<32x1024xf32, #tpu.memory_space<vmem>>) dst(%dma_wait3A_162 : memref<32x1024xf32, #tpu.memory_space<hbm>>)
    %get3A_163 = arith.constant 6 : i32
    %get3A_164 = arith.index_cast %get3A_163 : i32 to index
    %get3A_165 = arith.constant 0 : index
    %get3A_166 = tpu.vector_load %arg9[%get3A_164, %get3A_165] {strides = array<i32>} : memref<32x16xi32, #tpu.memory_space<vmem>>, vector<16xi32>,
    %gt3A_167 = vector.broadcast %sub3A_26 : i32 to vector<16xi32>
    %gt3A_168 = arith.cmpi sgt, %get3A_166, %gt3A_167 : vector<16xi32>
    %all_reduce_population_count3A_169 = tpu.all_reduce %gt3A_168 {dim = 0 : i64, kind = #tpu.reduction_kind<sum>} : vector<16xi1> -> vector<16xi32>
    %slice3A_170 = vector.extract_strided_slice %all_reduce_population_count3A_169 {offsets = [0], sizes = [1], strides = [1]} : vector<16xi32> to vector<1xi32>
    %squeeze3A_171 = vector.extract %slice3A_170[0] : i32 from vector<1xi32>
    %min3A_172 = vector.broadcast %sub3A_26 : i32 to vector<16xi32>
    %min3A_173 = arith.minsi %get3A_166, %min3A_172 : vector<16xi32>
    %dma_start3A_174 = arith.constant 0 : i32
    %dma_start3A_175 = arith.constant 0 : i32
    %dma_start3A_176 = tpu.memref_slice %arg10[%dma_start3A_174, %dma_start3A_175] : memref<32x1024xf32, #tpu.memory_space<vmem>> -> memref<16x1024xf32, #tpu.memory_space<vmem>>
    %dma_start3A_177 = arith.constant 0 : i32
    %dma_start3A_178 = arith.constant 0 : i32
    %dma_start3A_179 = tpu.memref_slice %arg2[%dma_start3A_177, %dma_start3A_178] : memref<16384x1024xf32, #tpu.memory_space<hbm>> -> memref<16384x1024xf32, #tpu.memory_space<hbm>>
    tpu.enqueue_indirect_dma source(%dma_start3A_179 : memref<16384x1024xf32, #tpu.memory_space<hbm>>) target(%dma_start3A_176 : memref<16x1024xf32, #tpu.memory_space<vmem>>) offsets(%min3A_173 : vector<16xi32>) semaphore(%arg14 : memref<!tpu.dma_semaphore, #tpu.memory_space<semaphore_mem>>)
    %get3A_180 = arith.constant 7 : i32
    %get3A_181 = arith.index_cast %get3A_180 : i32 to index
    %get3A_182 = arith.constant 0 : index
    %get3A_183 = tpu.vector_load %arg9[%get3A_181, %get3A_182] {strides = array<i32>} : memref<32x16xi32, #tpu.memory_space<vmem>>, vector<16xi32>,
    %gt3A_184 = vector.broadcast %sub3A_26 : i32 to vector<16xi32>
    %gt3A_185 = arith.cmpi sgt, %get3A_183, %gt3A_184 : vector<16xi32>
    %all_reduce_population_count3A_186 = tpu.all_reduce %gt3A_185 {dim = 0 : i64, kind = #tpu.reduction_kind<sum>} : vector<16xi1> -> vector<16xi32>
    %slice3A_187 = vector.extract_strided_slice %all_reduce_population_count3A_186 {offsets = [0], sizes = [1], strides = [1]} : vector<16xi32> to vector<1xi32>
    %squeeze3A_188 = vector.extract %slice3A_187[0] : i32 from vector<1xi32>
    %min3A_189 = vector.broadcast %sub3A_26 : i32 to vector<16xi32>
    %min3A_190 = arith.minsi %get3A_183, %min3A_189 : vector<16xi32>
    %dma_start3A_191 = arith.constant 16 : i32
    %dma_start3A_192 = arith.constant 0 : i32
    %dma_start3A_193 = tpu.memref_slice %arg10[%dma_start3A_191, %dma_start3A_192] : memref<32x1024xf32, #tpu.memory_space<vmem>> -> memref<16x1024xf32, #tpu.memory_space<vmem>>
    %dma_start3A_194 = arith.constant 0 : i32
    %dma_start3A_195 = arith.constant 0 : i32
    %dma_start3A_196 = tpu.memref_slice %arg2[%dma_start3A_194, %dma_start3A_195] : memref<16384x1024xf32, #tpu.memory_space<hbm>> -> memref<16384x1024xf32, #tpu.memory_space<hbm>>
    tpu.enqueue_indirect_dma source(%dma_start3A_196 : memref<16384x1024xf32, #tpu.memory_space<hbm>>) target(%dma_start3A_193 : memref<16x1024xf32, #tpu.memory_space<vmem>>) offsets(%min3A_190 : vector<16xi32>) semaphore(%arg14 : memref<!tpu.dma_semaphore, #tpu.memory_space<semaphore_mem>>)
    %dma_wait3A_197 = arith.constant 0 : i32
    %dma_wait3A_198 = arith.constant 0 : i32
    %dma_wait3A_199 = tpu.memref_slice %arg12[%dma_wait3A_197, %dma_wait3A_198] : memref<32x1024xf32, #tpu.memory_space<vmem>> -> memref<16x1024xf32, #tpu.memory_space<vmem>>
    %dma_wait3A_200 = arith.constant 0 : i32
    %dma_wait3A_201 = arith.constant 0 : i32
    %dma_wait3A_202 = tpu.memref_slice %arg2[%dma_wait3A_200, %dma_wait3A_201] : memref<16384x1024xf32, #tpu.memory_space<hbm>> -> memref<16384x1024xf32, #tpu.memory_space<hbm>>
    tpu.wait_indirect_dma semaphore(%arg16 : memref<!tpu.dma_semaphore, #tpu.memory_space<semaphore_mem>>) src(%dma_wait3A_202 : memref<16384x1024xf32, #tpu.memory_space<hbm>>) dst(%dma_wait3A_199 : memref<16x1024xf32, #tpu.memory_space<vmem>>)
    %dma_wait3A_203 = arith.constant 16 : i32
    %dma_wait3A_204 = arith.constant 0 : i32
    %dma_wait3A_205 = tpu.memref_slice %arg12[%dma_wait3A_203, %dma_wait3A_204] : memref<32x1024xf32, #tpu.memory_space<vmem>> -> memref<16x1024xf32, #tpu.memory_space<vmem>>
    %dma_wait3A_206 = arith.constant 0 : i32
    %dma_wait3A_207 = arith.constant 0 : i32
    %dma_wait3A_208 = tpu.memref_slice %arg2[%dma_wait3A_206, %dma_wait3A_207] : memref<16384x1024xf32, #tpu.memory_space<hbm>> -> memref<16384x1024xf32, #tpu.memory_space<hbm>>
    tpu.wait_indirect_dma semaphore(%arg16 : memref<!tpu.dma_semaphore, #tpu.memory_space<semaphore_mem>>) src(%dma_wait3A_208 : memref<16384x1024xf32, #tpu.memory_space<hbm>>) dst(%dma_wait3A_205 : memref<16x1024xf32, #tpu.memory_space<vmem>>)
    %add3A_209 = arith.constant 64 : i32
    %add3A_210 = arith.addi %mul3A_4, %add3A_209 : i32
    %dma_start3A_211 = arith.constant 0 : i32
    %dma_start3A_212 = tpu.memref_slice %arg4[%add3A_210, %dma_start3A_211] : memref<16384x1024xf32, #tpu.memory_space<hbm>> -> memref<32x1024xf32, #tpu.memory_space<hbm>>
    %dma_start3A_213 = arith.constant 0 : i32
    %dma_start3A_214 = tpu.memref_slice %arg4[%add3A_210, %dma_start3A_213] : memref<16384x1024xf32, #tpu.memory_space<hbm>> -> memref<32x1024xf32, #tpu.memory_space<hbm>>
    tpu.enqueue_dma source(%arg12 : memref<32x1024xf32, #tpu.memory_space<vmem>>) target(%dma_start3A_214 : memref<32x1024xf32, #tpu.memory_space<hbm>>) target_semaphore(%arg19 : memref<!tpu.dma_semaphore, #tpu.memory_space<semaphore_mem>>)
    %dma_wait3A_215 = arith.constant 0 : i32
    %dma_wait3A_216 = tpu.memref_slice %arg4[%add3A_154, %dma_wait3A_215] : memref<16384x1024xf32, #tpu.memory_space<hbm>> -> memref<32x1024xf32, #tpu.memory_space<hbm>>
    %dma_wait3A_217 = arith.constant 0 : i32
    %dma_wait3A_218 = tpu.memref_slice %arg4[%add3A_154, %dma_wait3A_217] : memref<16384x1024xf32, #tpu.memory_space<hbm>> -> memref<32x1024xf32, #tpu.memory_space<hbm>>
    tpu.wait_dma2 semaphore(%arg18 : memref<!tpu.dma_semaphore, #tpu.memory_space<semaphore_mem>>) src(%arg11 : memref<32x1024xf32, #tpu.memory_space<vmem>>) dst(%dma_wait3A_218 : memref<32x1024xf32, #tpu.memory_space<hbm>>)
    %get3A_219 = arith.constant 8 : i32
    %get3A_220 = arith.index_cast %get3A_219 : i32 to index
    %get3A_221 = arith.constant 0 : index
    %get3A_222 = tpu.vector_load %arg9[%get3A_220, %get3A_221] {strides = array<i32>} : memref<32x16xi32, #tpu.memory_space<vmem>>, vector<16xi32>,
    %gt3A_223 = vector.broadcast %sub3A_26 : i32 to vector<16xi32>
    %gt3A_224 = arith.cmpi sgt, %get3A_222, %gt3A_223 : vector<16xi32>
    %all_reduce_population_count3A_225 = tpu.all_reduce %gt3A_224 {dim = 0 : i64, kind = #tpu.reduction_kind<sum>} : vector<16xi1> -> vector<16xi32>
    %slice3A_226 = vector.extract_strided_slice %all_reduce_population_count3A_225 {offsets = [0], sizes = [1], strides = [1]} : vector<16xi32> to vector<1xi32>
    %squeeze3A_227 = vector.extract %slice3A_226[0] : i32 from vector<1xi32>
    %min3A_228 = vector.broadcast %sub3A_26 : i32 to vector<16xi32>
    %min3A_229 = arith.minsi %get3A_222, %min3A_228 : vector<16xi32>
    %dma_start3A_230 = arith.constant 0 : i32
    %dma_start3A_231 = arith.constant 0 : i32
    %dma_start3A_232 = tpu.memref_slice %arg11[%dma_start3A_230, %dma_start3A_231] : memref<32x1024xf32, #tpu.memory_space<vmem>> -> memref<16x1024xf32, #tpu.memory_space<vmem>>
    %dma_start3A_233 = arith.constant 0 : i32
    %dma_start3A_234 = arith.constant 0 : i32
    %dma_start3A_235 = tpu.memref_slice %arg2[%dma_start3A_233, %dma_start3A_234] : memref<16384x1024xf32, #tpu.memory_space<hbm>> -> memref<16384x1024xf32, #tpu.memory_space<hbm>>
    tpu.enqueue_indirect_dma source(%dma_start3A_235 : memref<16384x1024xf32, #tpu.memory_space<hbm>>) target(%dma_start3A_232 : memref<16x1024xf32, #tpu.memory_space<vmem>>) offsets(%min3A_229 : vector<16xi32>) semaphore(%arg15 : memref<!tpu.dma_semaphore, #tpu.memory_space<semaphore_mem>>)
    %get3A_236 = arith.constant 9 : i32
    %get3A_237 = arith.index_cast %get3A_236 : i32 to index
    %get3A_238 = arith.constant 0 : index
    %get3A_239 = tpu.vector_load %arg9[%get3A_237, %get3A_238] {strides = array<i32>} : memref<32x16xi32, #tpu.memory_space<vmem>>, vector<16xi32>,
    %gt3A_240 = vector.broadcast %sub3A_26 : i32 to vector<16xi32>
    %gt3A_241 = arith.cmpi sgt, %get3A_239, %gt3A_240 : vector<16xi32>
    %all_reduce_population_count3A_242 = tpu.all_reduce %gt3A_241 {dim = 0 : i64, kind = #tpu.reduction_kind<sum>} : vector<16xi1> -> vector<16xi32>
    %slice3A_243 = vector.extract_strided_slice %all_reduce_population_count3A_242 {offsets = [0], sizes = [1], strides = [1]} : vector<16xi32> to vector<1xi32>
    %squeeze3A_244 = vector.extract %slice3A_243[0] : i32 from vector<1xi32>
    %min3A_245 = vector.broadcast %sub3A_26 : i32 to vector<16xi32>
    %min3A_246 = arith.minsi %get3A_239, %min3A_245 : vector<16xi32>
    %dma_start3A_247 = arith.constant 16 : i32
    %dma_start3A_248 = arith.constant 0 : i32
    %dma_start3A_249 = tpu.memref_slice %arg11[%dma_start3A_247, %dma_start3A_248] : memref<32x1024xf32, #tpu.memory_space<vmem>> -> memref<16x1024xf32, #tpu.memory_space<vmem>>
    %dma_start3A_250 = arith.constant 0 : i32
    %dma_start3A_251 = arith.constant 0 : i32
    %dma_start3A_252 = tpu.memref_slice %arg2[%dma_start3A_250, %dma_start3A_251] : memref<16384x1024xf32, #tpu.memory_space<hbm>> -> memref<16384x1024xf32, #tpu.memory_space<hbm>>
    tpu.enqueue_indirect_dma source(%dma_start3A_252 : memref<16384x1024xf32, #tpu.memory_space<hbm>>) target(%dma_start3A_249 : memref<16x1024xf32, #tpu.memory_space<vmem>>) offsets(%min3A_246 : vector<16xi32>) semaphore(%arg15 : memref<!tpu.dma_semaphore, #tpu.memory_space<semaphore_mem>>)
    %dma_wait3A_253 = arith.constant 0 : i32
    %dma_wait3A_254 = arith.constant 0 : i32
    %dma_wait3A_255 = tpu.memref_slice %arg10[%dma_wait3A_253, %dma_wait3A_254] : memref<32x1024xf32, #tpu.memory_space<vmem>> -> memref<16x1024xf32, #tpu.memory_space<vmem>>
    %dma_wait3A_256 = arith.constant 0 : i32
    %dma_wait3A_257 = arith.constant 0 : i32
    %dma_wait3A_258 = tpu.memref_slice %arg2[%dma_wait3A_256, %dma_wait3A_257] : memref<16384x1024xf32, #tpu.memory_space<hbm>> -> memref<16384x1024xf32, #tpu.memory_space<hbm>>
    tpu.wait_indirect_dma semaphore(%arg14 : memref<!tpu.dma_semaphore, #tpu.memory_space<semaphore_mem>>) src(%dma_wait3A_258 : memref<16384x1024xf32, #tpu.memory_space<hbm>>) dst(%dma_wait3A_255 : memref<16x1024xf32, #tpu.memory_space<vmem>>)
    %dma_wait3A_259 = arith.constant 16 : i32
    %dma_wait3A_260 = arith.constant 0 : i32
    %dma_wait3A_261 = tpu.memref_slice %arg10[%dma_wait3A_259, %dma_wait3A_260] : memref<32x1024xf32, #tpu.memory_space<vmem>> -> memref<16x1024xf32, #tpu.memory_space<vmem>>
    %dma_wait3A_262 = arith.constant 0 : i32
    %dma_wait3A_263 = arith.constant 0 : i32
    %dma_wait3A_264 = tpu.memref_slice %arg2[%dma_wait3A_262, %dma_wait3A_263] : memref<16384x1024xf32, #tpu.memory_space<hbm>> -> memref<16384x1024xf32, #tpu.memory_space<hbm>>
    tpu.wait_indirect_dma semaphore(%arg14 : memref<!tpu.dma_semaphore, #tpu.memory_space<semaphore_mem>>) src(%dma_wait3A_264 : memref<16384x1024xf32, #tpu.memory_space<hbm>>) dst(%dma_wait3A_261 : memref<16x1024xf32, #tpu.memory_space<vmem>>)
    %add3A_265 = arith.constant 96 : i32
    %add3A_266 = arith.addi %mul3A_4, %add3A_265 : i32
    %dma_start3A_267 = arith.constant 0 : i32
    %dma_start3A_268 = tpu.memref_slice %arg4[%add3A_266, %dma_start3A_267] : memref<16384x1024xf32, #tpu.memory_space<hbm>> -> memref<32x1024xf32, #tpu.memory_space<hbm>>
    %dma_start3A_269 = arith.constant 0 : i32
    %dma_start3A_270 = tpu.memref_slice %arg4[%add3A_266, %dma_start3A_269] : memref<16384x1024xf32, #tpu.memory_space<hbm>> -> memref<32x1024xf32, #tpu.memory_space<hbm>>
    tpu.enqueue_dma source(%arg10 : memref<32x1024xf32, #tpu.memory_space<vmem>>) target(%dma_start3A_270 : memref<32x1024xf32, #tpu.memory_space<hbm>>) target_semaphore(%arg17 : memref<!tpu.dma_semaphore, #tpu.memory_space<semaphore_mem>>)
    %dma_wait3A_271 = arith.constant 0 : i32
    %dma_wait3A_272 = tpu.memref_slice %arg4[%add3A_210, %dma_wait3A_271] : memref<16384x1024xf32, #tpu.memory_space<hbm>> -> memref<32x1024xf32, #tpu.memory_space<hbm>>
    %dma_wait3A_273 = arith.constant 0 : i32
    %dma_wait3A_274 = tpu.memref_slice %arg4[%add3A_210, %dma_wait3A_273] : memref<16384x1024xf32, #tpu.memory_space<hbm>> -> memref<32x1024xf32, #tpu.memory_space<hbm>>
    tpu.wait_dma2 semaphore(%arg19 : memref<!tpu.dma_semaphore, #tpu.memory_space<semaphore_mem>>) src(%arg12 : memref<32x1024xf32, #tpu.memory_space<vmem>>) dst(%dma_wait3A_274 : memref<32x1024xf32, #tpu.memory_space<hbm>>)
    %get3A_275 = arith.constant 10 : i32
    %get3A_276 = arith.index_cast %get3A_275 : i32 to index
    %get3A_277 = arith.constant 0 : index
    %get3A_278 = tpu.vector_load %arg9[%get3A_276, %get3A_277] {strides = array<i32>} : memref<32x16xi32, #tpu.memory_space<vmem>>, vector<16xi32>,
    %gt3A_279 = vector.broadcast %sub3A_26 : i32 to vector<16xi32>
    %gt3A_280 = arith.cmpi sgt, %get3A_278, %gt3A_279 : vector<16xi32>
    %all_reduce_population_count3A_281 = tpu.all_reduce %gt3A_280 {dim = 0 : i64, kind = #tpu.reduction_kind<sum>} : vector<16xi1> -> vector<16xi32>
    %slice3A_282 = vector.extract_strided_slice %all_reduce_population_count3A_281 {offsets = [0], sizes = [1], strides = [1]} : vector<16xi32> to vector<1xi32>
    %squeeze3A_283 = vector.extract %slice3A_282[0] : i32 from vector<1xi32>
    %min3A_284 = vector.broadcast %sub3A_26 : i32 to vector<16xi32>
    %min3A_285 = arith.minsi %get3A_278, %min3A_284 : vector<16xi32>
    %dma_start3A_286 = arith.constant 0 : i32
    %dma_start3A_287 = arith.constant 0 : i32
    %dma_start3A_288 = tpu.memref_slice %arg12[%dma_start3A_286, %dma_start3A_287] : memref<32x1024xf32, #tpu.memory_space<vmem>> -> memref<16x1024xf32, #tpu.memory_space<vmem>>
    %dma_start3A_289 = arith.constant 0 : i32
    %dma_start3A_290 = arith.constant 0 : i32
    %dma_start3A_291 = tpu.memref_slice %arg2[%dma_start3A_289, %dma_start3A_290] : memref<16384x1024xf32, #tpu.memory_space<hbm>> -> memref<16384x1024xf32, #tpu.memory_space<hbm>>
    tpu.enqueue_indirect_dma source(%dma_start3A_291 : memref<16384x1024xf32, #tpu.memory_space<hbm>>) target(%dma_start3A_288 : memref<16x1024xf32, #tpu.memory_space<vmem>>) offsets(%min3A_285 : vector<16xi32>) semaphore(%arg16 : memref<!tpu.dma_semaphore, #tpu.memory_space<semaphore_mem>>)
    %get3A_292 = arith.constant 11 : i32
    %get3A_293 = arith.index_cast %get3A_292 : i32 to index
    %get3A_294 = arith.constant 0 : index
    %get3A_295 = tpu.vector_load %arg9[%get3A_293, %get3A_294] {strides = array<i32>} : memref<32x16xi32, #tpu.memory_space<vmem>>, vector<16xi32>,
    %gt3A_296 = vector.broadcast %sub3A_26 : i32 to vector<16xi32>
    %gt3A_297 = arith.cmpi sgt, %get3A_295, %gt3A_296 : vector<16xi32>
    %all_reduce_population_count3A_298 = tpu.all_reduce %gt3A_297 {dim = 0 : i64, kind = #tpu.reduction_kind<sum>} : vector<16xi1> -> vector<16xi32>
    %slice3A_299 = vector.extract_strided_slice %all_reduce_population_count3A_298 {offsets = [0], sizes = [1], strides = [1]} : vector<16xi32> to vector<1xi32>
    %squeeze3A_300 = vector.extract %slice3A_299[0] : i32 from vector<1xi32>
    %min3A_301 = vector.broadcast %sub3A_26 : i32 to vector<16xi32>
    %min3A_302 = arith.minsi %get3A_295, %min3A_301 : vector<16xi32>
    %dma_start3A_303 = arith.constant 16 : i32
    %dma_start3A_304 = arith.constant 0 : i32
    %dma_start3A_305 = tpu.memref_slice %arg12[%dma_start3A_303, %dma_start3A_304] : memref<32x1024xf32, #tpu.memory_space<vmem>> -> memref<16x1024xf32, #tpu.memory_space<vmem>>
    %dma_start3A_306 = arith.constant 0 : i32
    %dma_start3A_307 = arith.constant 0 : i32
    %dma_start3A_308 = tpu.memref_slice %arg2[%dma_start3A_306, %dma_start3A_307] : memref<16384x1024xf32, #tpu.memory_space<hbm>> -> memref<16384x1024xf32, #tpu.memory_space<hbm>>
    tpu.enqueue_indirect_dma source(%dma_start3A_308 : memref<16384x1024xf32, #tpu.memory_space<hbm>>) target(%dma_start3A_305 : memref<16x1024xf32, #tpu.memory_space<vmem>>) offsets(%min3A_302 : vector<16xi32>) semaphore(%arg16 : memref<!tpu.dma_semaphore, #tpu.memory_space<semaphore_mem>>)
    %dma_wait3A_309 = arith.constant 0 : i32
    %dma_wait3A_310 = arith.constant 0 : i32
    %dma_wait3A_311 = tpu.memref_slice %arg11[%dma_wait3A_309, %dma_wait3A_310] : memref<32x1024xf32, #tpu.memory_space<vmem>> -> memref<16x1024xf32, #tpu.memory_space<vmem>>
    %dma_wait3A_312 = arith.constant 0 : i32
    %dma_wait3A_313 = arith.constant 0 : i32
    %dma_wait3A_314 = tpu.memref_slice %arg2[%dma_wait3A_312, %dma_wait3A_313] : memref<16384x1024xf32, #tpu.memory_space<hbm>> -> memref<16384x1024xf32, #tpu.memory_space<hbm>>
    tpu.wait_indirect_dma semaphore(%arg15 : memref<!tpu.dma_semaphore, #tpu.memory_space<semaphore_mem>>) src(%dma_wait3A_314 : memref<16384x1024xf32, #tpu.memory_space<hbm>>) dst(%dma_wait3A_311 : memref<16x1024xf32, #tpu.memory_space<vmem>>)
    %dma_wait3A_315 = arith.constant 16 : i32
    %dma_wait3A_316 = arith.constant 0 : i32
    %dma_wait3A_317 = tpu.memref_slice %arg11[%dma_wait3A_315, %dma_wait3A_316] : memref<32x1024xf32, #tpu.memory_space<vmem>> -> memref<16x1024xf32, #tpu.memory_space<vmem>>
    %dma_wait3A_318 = arith.constant 0 : i32
    %dma_wait3A_319 = arith.constant 0 : i32
    %dma_wait3A_320 = tpu.memref_slice %arg2[%dma_wait3A_318, %dma_wait3A_319] : memref<16384x1024xf32, #tpu.memory_space<hbm>> -> memref<16384x1024xf32, #tpu.memory_space<hbm>>
    tpu.wait_indirect_dma semaphore(%arg15 : memref<!tpu.dma_semaphore, #tpu.memory_space<semaphore_mem>>) src(%dma_wait3A_320 : memref<16384x1024xf32, #tpu.memory_space<hbm>>) dst(%dma_wait3A_317 : memref<16x1024xf32, #tpu.memory_space<vmem>>)
    %add3A_321 = arith.constant 128 : i32
    %add3A_322 = arith.addi %mul3A_4, %add3A_321 : i32
    %dma_start3A_323 = arith.constant 0 : i32
    %dma_start3A_324 = tpu.memref_slice %arg4[%add3A_322, %dma_start3A_323] : memref<16384x1024xf32, #tpu.memory_space<hbm>> -> memref<32x1024xf32, #tpu.memory_space<hbm>>
    %dma_start3A_325 = arith.constant 0 : i32
    %dma_start3A_326 = tpu.memref_slice %arg4[%add3A_322, %dma_start3A_325] : memref<16384x1024xf32, #tpu.memory_space<hbm>> -> memref<32x1024xf32, #tpu.memory_space<hbm>>
    tpu.enqueue_dma source(%arg11 : memref<32x1024xf32, #tpu.memory_space<vmem>>) target(%dma_start3A_326 : memref<32x1024xf32, #tpu.memory_space<hbm>>) target_semaphore(%arg18 : memref<!tpu.dma_semaphore, #tpu.memory_space<semaphore_mem>>)
    %dma_wait3A_327 = arith.constant 0 : i32
    %dma_wait3A_328 = tpu.memref_slice %arg4[%add3A_266, %dma_wait3A_327] : memref<16384x1024xf32, #tpu.memory_space<hbm>> -> memref<32x1024xf32, #tpu.memory_space<hbm>>
    %dma_wait3A_329 = arith.constant 0 : i32
    %dma_wait3A_330 = tpu.memref_slice %arg4[%add3A_266, %dma_wait3A_329] : memref<16384x1024xf32, #tpu.memory_space<hbm>> -> memref<32x1024xf32, #tpu.memory_space<hbm>>
    tpu.wait_dma2 semaphore(%arg17 : memref<!tpu.dma_semaphore, #tpu.memory_space<semaphore_mem>>) src(%arg10 : memref<32x1024xf32, #tpu.memory_space<vmem>>) dst(%dma_wait3A_330 : memref<32x1024xf32, #tpu.memory_space<hbm>>)
    %get3A_331 = arith.constant 12 : i32
    %get3A_332 = arith.index_cast %get3A_331 : i32 to index
    %get3A_333 = arith.constant 0 : index
    %get3A_334 = tpu.vector_load %arg9[%get3A_332, %get3A_333] {strides = array<i32>} : memref<32x16xi32, #tpu.memory_space<vmem>>, vector<16xi32>,
    %gt3A_335 = vector.broadcast %sub3A_26 : i32 to vector<16xi32>
    %gt3A_336 = arith.cmpi sgt, %get3A_334, %gt3A_335 : vector<16xi32>
    %all_reduce_population_count3A_337 = tpu.all_reduce %gt3A_336 {dim = 0 : i64, kind = #tpu.reduction_kind<sum>} : vector<16xi1> -> vector<16xi32>
    %slice3A_338 = vector.extract_strided_slice %all_reduce_population_count3A_337 {offsets = [0], sizes = [1], strides = [1]} : vector<16xi32> to vector<1xi32>
    %squeeze3A_339 = vector.extract %slice3A_338[0] : i32 from vector<1xi32>
    %min3A_340 = vector.broadcast %sub3A_26 : i32 to vector<16xi32>
    %min3A_341 = arith.minsi %get3A_334, %min3A_340 : vector<16xi32>
    %dma_start3A_342 = arith.constant 0 : i32
    %dma_start3A_343 = arith.constant 0 : i32
    %dma_start3A_344 = tpu.memref_slice %arg10[%dma_start3A_342, %dma_start3A_343] : memref<32x1024xf32, #tpu.memory_space<vmem>> -> memref<16x1024xf32, #tpu.memory_space<vmem>>
    %dma_start3A_345 = arith.constant 0 : i32
    %dma_start3A_346 = arith.constant 0 : i32
    %dma_start3A_347 = tpu.memref_slice %arg2[%dma_start3A_345, %dma_start3A_346] : memref<16384x1024xf32, #tpu.memory_space<hbm>> -> memref<16384x1024xf32, #tpu.memory_space<hbm>>
    tpu.enqueue_indirect_dma source(%dma_start3A_347 : memref<16384x1024xf32, #tpu.memory_space<hbm>>) target(%dma_start3A_344 : memref<16x1024xf32, #tpu.memory_space<vmem>>) offsets(%min3A_341 : vector<16xi32>) semaphore(%arg14 : memref<!tpu.dma_semaphore, #tpu.memory_space<semaphore_mem>>)
    %get3A_348 = arith.constant 13 : i32
    %get3A_349 = arith.index_cast %get3A_348 : i32 to index
    %get3A_350 = arith.constant 0 : index
    %get3A_351 = tpu.vector_load %arg9[%get3A_349, %get3A_350] {strides = array<i32>} : memref<32x16xi32, #tpu.memory_space<vmem>>, vector<16xi32>,
    %gt3A_352 = vector.broadcast %sub3A_26 : i32 to vector<16xi32>
    %gt3A_353 = arith.cmpi sgt, %get3A_351, %gt3A_352 : vector<16xi32>
    %all_reduce_population_count3A_354 = tpu.all_reduce %gt3A_353 {dim = 0 : i64, kind = #tpu.reduction_kind<sum>} : vector<16xi1> -> vector<16xi32>
    %slice3A_355 = vector.extract_strided_slice %all_reduce_population_count3A_354 {offsets = [0], sizes = [1], strides = [1]} : vector<16xi32> to vector<1xi32>
    %squeeze3A_356 = vector.extract %slice3A_355[0] : i32 from vector<1xi32>
    %min3A_357 = vector.broadcast %sub3A_26 : i32 to vector<16xi32>
    %min3A_358 = arith.minsi %get3A_351, %min3A_357 : vector<16xi32>
    %dma_start3A_359 = arith.constant 16 : i32
    %dma_start3A_360 = arith.constant 0 : i32
    %dma_start3A_361 = tpu.memref_slice %arg10[%dma_start3A_359, %dma_start3A_360] : memref<32x1024xf32, #tpu.memory_space<vmem>> -> memref<16x1024xf32, #tpu.memory_space<vmem>>
    %dma_start3A_362 = arith.constant 0 : i32
    %dma_start3A_363 = arith.constant 0 : i32
    %dma_start3A_364 = tpu.memref_slice %arg2[%dma_start3A_362, %dma_start3A_363] : memref<16384x1024xf32, #tpu.memory_space<hbm>> -> memref<16384x1024xf32, #tpu.memory_space<hbm>>
    tpu.enqueue_indirect_dma source(%dma_start3A_364 : memref<16384x1024xf32, #tpu.memory_space<hbm>>) target(%dma_start3A_361 : memref<16x1024xf32, #tpu.memory_space<vmem>>) offsets(%min3A_358 : vector<16xi32>) semaphore(%arg14 : memref<!tpu.dma_semaphore, #tpu.memory_space<semaphore_mem>>)
    %dma_wait3A_365 = arith.constant 0 : i32
    %dma_wait3A_366 = arith.constant 0 : i32
    %dma_wait3A_367 = tpu.memref_slice %arg12[%dma_wait3A_365, %dma_wait3A_366] : memref<32x1024xf32, #tpu.memory_space<vmem>> -> memref<16x1024xf32, #tpu.memory_space<vmem>>
    %dma_wait3A_368 = arith.constant 0 : i32
    %dma_wait3A_369 = arith.constant 0 : i32
    %dma_wait3A_370 = tpu.memref_slice %arg2[%dma_wait3A_368, %dma_wait3A_369] : memref<16384x1024xf32, #tpu.memory_space<hbm>> -> memref<16384x1024xf32, #tpu.memory_space<hbm>>
    tpu.wait_indirect_dma semaphore(%arg16 : memref<!tpu.dma_semaphore, #tpu.memory_space<semaphore_mem>>) src(%dma_wait3A_370 : memref<16384x1024xf32, #tpu.memory_space<hbm>>) dst(%dma_wait3A_367 : memref<16x1024xf32, #tpu.memory_space<vmem>>)
    %dma_wait3A_371 = arith.constant 16 : i32
    %dma_wait3A_372 = arith.constant 0 : i32
    %dma_wait3A_373 = tpu.memref_slice %arg12[%dma_wait3A_371, %dma_wait3A_372] : memref<32x1024xf32, #tpu.memory_space<vmem>> -> memref<16x1024xf32, #tpu.memory_space<vmem>>
    %dma_wait3A_374 = arith.constant 0 : i32
    %dma_wait3A_375 = arith.constant 0 : i32
    %dma_wait3A_376 = tpu.memref_slice %arg2[%dma_wait3A_374, %dma_wait3A_375] : memref<16384x1024xf32, #tpu.memory_space<hbm>> -> memref<16384x1024xf32, #tpu.memory_space<hbm>>
    tpu.wait_indirect_dma semaphore(%arg16 : memref<!tpu.dma_semaphore, #tpu.memory_space<semaphore_mem>>) src(%dma_wait3A_376 : memref<16384x1024xf32, #tpu.memory_space<hbm>>) dst(%dma_wait3A_373 : memref<16x1024xf32, #tpu.memory_space<vmem>>)
    %add3A_377 = arith.constant 160 : i32
    %add3A_378 = arith.addi %mul3A_4, %add3A_377 : i32
    %dma_start3A_379 = arith.constant 0 : i32
    %dma_start3A_380 = tpu.memref_slice %arg4[%add3A_378, %dma_start3A_379] : memref<16384x1024xf32, #tpu.memory_space<hbm>> -> memref<32x1024xf32, #tpu.memory_space<hbm>>
    %dma_start3A_381 = arith.constant 0 : i32
    %dma_start3A_382 = tpu.memref_slice %arg4[%add3A_378, %dma_start3A_381] : memref<16384x1024xf32, #tpu.memory_space<hbm>> -> memref<32x1024xf32, #tpu.memory_space<hbm>>
    tpu.enqueue_dma source(%arg12 : memref<32x1024xf32, #tpu.memory_space<vmem>>) target(%dma_start3A_382 : memref<32x1024xf32, #tpu.memory_space<hbm>>) target_semaphore(%arg19 : memref<!tpu.dma_semaphore, #tpu.memory_space<semaphore_mem>>)
    %dma_wait3A_383 = arith.constant 0 : i32
    %dma_wait3A_384 = tpu.memref_slice %arg4[%add3A_322, %dma_wait3A_383] : memref<16384x1024xf32, #tpu.memory_space<hbm>> -> memref<32x1024xf32, #tpu.memory_space<hbm>>
    %dma_wait3A_385 = arith.constant 0 : i32
    %dma_wait3A_386 = tpu.memref_slice %arg4[%add3A_322, %dma_wait3A_385] : memref<16384x1024xf32, #tpu.memory_space<hbm>> -> memref<32x1024xf32, #tpu.memory_space<hbm>>
    tpu.wait_dma2 semaphore(%arg18 : memref<!tpu.dma_semaphore, #tpu.memory_space<semaphore_mem>>) src(%arg11 : memref<32x1024xf32, #tpu.memory_space<vmem>>) dst(%dma_wait3A_386 : memref<32x1024xf32, #tpu.memory_space<hbm>>)
    %get3A_387 = arith.constant 14 : i32
    %get3A_388 = arith.index_cast %get3A_387 : i32 to index
    %get3A_389 = arith.constant 0 : index
    %get3A_390 = tpu.vector_load %arg9[%get3A_388, %get3A_389] {strides = array<i32>} : memref<32x16xi32, #tpu.memory_space<vmem>>, vector<16xi32>,
    %gt3A_391 = vector.broadcast %sub3A_26 : i32 to vector<16xi32>
    %gt3A_392 = arith.cmpi sgt, %get3A_390, %gt3A_391 : vector<16xi32>
    %all_reduce_population_count3A_393 = tpu.all_reduce %gt3A_392 {dim = 0 : i64, kind = #tpu.reduction_kind<sum>} : vector<16xi1> -> vector<16xi32>
    %slice3A_394 = vector.extract_strided_slice %all_reduce_population_count3A_393 {offsets = [0], sizes = [1], strides = [1]} : vector<16xi32> to vector<1xi32>
    %squeeze3A_395 = vector.extract %slice3A_394[0] : i32 from vector<1xi32>
    %min3A_396 = vector.broadcast %sub3A_26 : i32 to vector<16xi32>
    %min3A_397 = arith.minsi %get3A_390, %min3A_396 : vector<16xi32>
    %dma_start3A_398 = arith.constant 0 : i32
    %dma_start3A_399 = arith.constant 0 : i32
    %dma_start3A_400 = tpu.memref_slice %arg11[%dma_start3A_398, %dma_start3A_399] : memref<32x1024xf32, #tpu.memory_space<vmem>> -> memref<16x1024xf32, #tpu.memory_space<vmem>>
    %dma_start3A_401 = arith.constant 0 : i32
    %dma_start3A_402 = arith.constant 0 : i32
    %dma_start3A_403 = tpu.memref_slice %arg2[%dma_start3A_401, %dma_start3A_402] : memref<16384x1024xf32, #tpu.memory_space<hbm>> -> memref<16384x1024xf32, #tpu.memory_space<hbm>>
    tpu.enqueue_indirect_dma source(%dma_start3A_403 : memref<16384x1024xf32, #tpu.memory_space<hbm>>) target(%dma_start3A_400 : memref<16x1024xf32, #tpu.memory_space<vmem>>) offsets(%min3A_397 : vector<16xi32>) semaphore(%arg15 : memref<!tpu.dma_semaphore, #tpu.memory_space<semaphore_mem>>)
    %get3A_404 = arith.constant 15 : i32
    %get3A_405 = arith.index_cast %get3A_404 : i32 to index
    %get3A_406 = arith.constant 0 : index
    %get3A_407 = tpu.vector_load %arg9[%get3A_405, %get3A_406] {strides = array<i32>} : memref<32x16xi32, #tpu.memory_space<vmem>>, vector<16xi32>,
    %gt3A_408 = vector.broadcast %sub3A_26 : i32 to vector<16xi32>
    %gt3A_409 = arith.cmpi sgt, %get3A_407, %gt3A_408 : vector<16xi32>
    %all_reduce_population_count3A_410 = tpu.all_reduce %gt3A_409 {dim = 0 : i64, kind = #tpu.reduction_kind<sum>} : vector<16xi1> -> vector<16xi32>
    %slice3A_411 = vector.extract_strided_slice %all_reduce_population_count3A_410 {offsets = [0], sizes = [1], strides = [1]} : vector<16xi32> to vector<1xi32>
    %squeeze3A_412 = vector.extract %slice3A_411[0] : i32 from vector<1xi32>
    %min3A_413 = vector.broadcast %sub3A_26 : i32 to vector<16xi32>
    %min3A_414 = arith.minsi %get3A_407, %min3A_413 : vector<16xi32>
    %dma_start3A_415 = arith.constant 16 : i32
    %dma_start3A_416 = arith.constant 0 : i32
    %dma_start3A_417 = tpu.memref_slice %arg11[%dma_start3A_415, %dma_start3A_416] : memref<32x1024xf32, #tpu.memory_space<vmem>> -> memref<16x1024xf32, #tpu.memory_space<vmem>>
    %dma_start3A_418 = arith.constant 0 : i32
    %dma_start3A_419 = arith.constant 0 : i32
    %dma_start3A_420 = tpu.memref_slice %arg2[%dma_start3A_418, %dma_start3A_419] : memref<16384x1024xf32, #tpu.memory_space<hbm>> -> memref<16384x1024xf32, #tpu.memory_space<hbm>>
    tpu.enqueue_indirect_dma source(%dma_start3A_420 : memref<16384x1024xf32, #tpu.memory_space<hbm>>) target(%dma_start3A_417 : memref<16x1024xf32, #tpu.memory_space<vmem>>) offsets(%min3A_414 : vector<16xi32>) semaphore(%arg15 : memref<!tpu.dma_semaphore, #tpu.memory_space<semaphore_mem>>)
    %dma_wait3A_421 = arith.constant 0 : i32
    %dma_wait3A_422 = arith.constant 0 : i32
    %dma_wait3A_423 = tpu.memref_slice %arg10[%dma_wait3A_421, %dma_wait3A_422] : memref<32x1024xf32, #tpu.memory_space<vmem>> -> memref<16x1024xf32, #tpu.memory_space<vmem>>
    %dma_wait3A_424 = arith.constant 0 : i32
    %dma_wait3A_425 = arith.constant 0 : i32
    %dma_wait3A_426 = tpu.memref_slice %arg2[%dma_wait3A_424, %dma_wait3A_425] : memref<16384x1024xf32, #tpu.memory_space<hbm>> -> memref<16384x1024xf32, #tpu.memory_space<hbm>>
    tpu.wait_indirect_dma semaphore(%arg14 : memref<!tpu.dma_semaphore, #tpu.memory_space<semaphore_mem>>) src(%dma_wait3A_426 : memref<16384x1024xf32, #tpu.memory_space<hbm>>) dst(%dma_wait3A_423 : memref<16x1024xf32, #tpu.memory_space<vmem>>)
    %dma_wait3A_427 = arith.constant 16 : i32
    %dma_wait3A_428 = arith.constant 0 : i32
    %dma_wait3A_429 = tpu.memref_slice %arg10[%dma_wait3A_427, %dma_wait3A_428] : memref<32x1024xf32, #tpu.memory_space<vmem>> -> memref<16x1024xf32, #tpu.memory_space<vmem>>
    %dma_wait3A_430 = arith.constant 0 : i32
    %dma_wait3A_431 = arith.constant 0 : i32
    %dma_wait3A_432 = tpu.memref_slice %arg2[%dma_wait3A_430, %dma_wait3A_431] : memref<16384x1024xf32, #tpu.memory_space<hbm>> -> memref<16384x1024xf32, #tpu.memory_space<hbm>>
    tpu.wait_indirect_dma semaphore(%arg14 : memref<!tpu.dma_semaphore, #tpu.memory_space<semaphore_mem>>) src(%dma_wait3A_432 : memref<16384x1024xf32, #tpu.memory_space<hbm>>) dst(%dma_wait3A_429 : memref<16x1024xf32, #tpu.memory_space<vmem>>)
    %add3A_433 = arith.constant 192 : i32
    %add3A_434 = arith.addi %mul3A_4, %add3A_433 : i32
    %dma_start3A_435 = arith.constant 0 : i32
    %dma_start3A_436 = tpu.memref_slice %arg4[%add3A_434, %dma_start3A_435] : memref<16384x1024xf32, #tpu.memory_space<hbm>> -> memref<32x1024xf32, #tpu.memory_space<hbm>>
    %dma_start3A_437 = arith.constant 0 : i32
    %dma_start3A_438 = tpu.memref_slice %arg4[%add3A_434, %dma_start3A_437] : memref<16384x1024xf32, #tpu.memory_space<hbm>> -> memref<32x1024xf32, #tpu.memory_space<hbm>>
    tpu.enqueue_dma source(%arg10 : memref<32x1024xf32, #tpu.memory_space<vmem>>) target(%dma_start3A_438 : memref<32x1024xf32, #tpu.memory_space<hbm>>) target_semaphore(%arg17 : memref<!tpu.dma_semaphore, #tpu.memory_space<semaphore_mem>>)
    %dma_wait3A_439 = arith.constant 0 : i32
    %dma_wait3A_440 = tpu.memref_slice %arg4[%add3A_378, %dma_wait3A_439] : memref<16384x1024xf32, #tpu.memory_space<hbm>> -> memref<32x1024xf32, #tpu.memory_space<hbm>>
    %dma_wait3A_441 = arith.constant 0 : i32
    %dma_wait3A_442 = tpu.memref_slice %arg4[%add3A_378, %dma_wait3A_441] : memref<16384x1024xf32, #tpu.memory_space<hbm>> -> memref<32x1024xf32, #tpu.memory_space<hbm>>
    tpu.wait_dma2 semaphore(%arg19 : memref<!tpu.dma_semaphore, #tpu.memory_space<semaphore_mem>>) src(%arg12 : memref<32x1024xf32, #tpu.memory_space<vmem>>) dst(%dma_wait3A_442 : memref<32x1024xf32, #tpu.memory_space<hbm>>)
    %get3A_443 = arith.constant 16 : i32
    %get3A_444 = arith.index_cast %get3A_443 : i32 to index
    %get3A_445 = arith.constant 0 : index
    %get3A_446 = tpu.vector_load %arg9[%get3A_444, %get3A_445] {strides = array<i32>} : memref<32x16xi32, #tpu.memory_space<vmem>>, vector<16xi32>,
    %gt3A_447 = vector.broadcast %sub3A_26 : i32 to vector<16xi32>
    %gt3A_448 = arith.cmpi sgt, %get3A_446, %gt3A_447 : vector<16xi32>
    %all_reduce_population_count3A_449 = tpu.all_reduce %gt3A_448 {dim = 0 : i64, kind = #tpu.reduction_kind<sum>} : vector<16xi1> -> vector<16xi32>
    %slice3A_450 = vector.extract_strided_slice %all_reduce_population_count3A_449 {offsets = [0], sizes = [1], strides = [1]} : vector<16xi32> to vector<1xi32>
    %squeeze3A_451 = vector.extract %slice3A_450[0] : i32 from vector<1xi32>
    %min3A_452 = vector.broadcast %sub3A_26 : i32 to vector<16xi32>
    %min3A_453 = arith.minsi %get3A_446, %min3A_452 : vector<16xi32>
    %dma_start3A_454 = arith.constant 0 : i32
    %dma_start3A_455 = arith.constant 0 : i32
    %dma_start3A_456 = tpu.memref_slice %arg12[%dma_start3A_454, %dma_start3A_455] : memref<32x1024xf32, #tpu.memory_space<vmem>> -> memref<16x1024xf32, #tpu.memory_space<vmem>>
    %dma_start3A_457 = arith.constant 0 : i32
    %dma_start3A_458 = arith.constant 0 : i32
    %dma_start3A_459 = tpu.memref_slice %arg2[%dma_start3A_457, %dma_start3A_458] : memref<16384x1024xf32, #tpu.memory_space<hbm>> -> memref<16384x1024xf32, #tpu.memory_space<hbm>>
    tpu.enqueue_indirect_dma source(%dma_start3A_459 : memref<16384x1024xf32, #tpu.memory_space<hbm>>) target(%dma_start3A_456 : memref<16x1024xf32, #tpu.memory_space<vmem>>) offsets(%min3A_453 : vector<16xi32>) semaphore(%arg16 : memref<!tpu.dma_semaphore, #tpu.memory_space<semaphore_mem>>)
    %get3A_460 = arith.constant 17 : i32
    %get3A_461 = arith.index_cast %get3A_460 : i32 to index
    %get3A_462 = arith.constant 0 : index
    %get3A_463 = tpu.vector_load %arg9[%get3A_461, %get3A_462] {strides = array<i32>} : memref<32x16xi32, #tpu.memory_space<vmem>>, vector<16xi32>,
    %gt3A_464 = vector.broadcast %sub3A_26 : i32 to vector<16xi32>
    %gt3A_465 = arith.cmpi sgt, %get3A_463, %gt3A_464 : vector<16xi32>
    %all_reduce_population_count3A_466 = tpu.all_reduce %gt3A_465 {dim = 0 : i64, kind = #tpu.reduction_kind<sum>} : vector<16xi1> -> vector<16xi32>
    %slice3A_467 = vector.extract_strided_slice %all_reduce_population_count3A_466 {offsets = [0], sizes = [1], strides = [1]} : vector<16xi32> to vector<1xi32>
    %squeeze3A_468 = vector.extract %slice3A_467[0] : i32 from vector<1xi32>
    %min3A_469 = vector.broadcast %sub3A_26 : i32 to vector<16xi32>
    %min3A_470 = arith.minsi %get3A_463, %min3A_469 : vector<16xi32>
    %dma_start3A_471 = arith.constant 16 : i32
    %dma_start3A_472 = arith.constant 0 : i32
    %dma_start3A_473 = tpu.memref_slice %arg12[%dma_start3A_471, %dma_start3A_472] : memref<32x1024xf32, #tpu.memory_space<vmem>> -> memref<16x1024xf32, #tpu.memory_space<vmem>>
    %dma_start3A_474 = arith.constant 0 : i32
    %dma_start3A_475 = arith.constant 0 : i32
    %dma_start3A_476 = tpu.memref_slice %arg2[%dma_start3A_474, %dma_start3A_475] : memref<16384x1024xf32, #tpu.memory_space<hbm>> -> memref<16384x1024xf32, #tpu.memory_space<hbm>>
    tpu.enqueue_indirect_dma source(%dma_start3A_476 : memref<16384x1024xf32, #tpu.memory_space<hbm>>) target(%dma_start3A_473 : memref<16x1024xf32, #tpu.memory_space<vmem>>) offsets(%min3A_470 : vector<16xi32>) semaphore(%arg16 : memref<!tpu.dma_semaphore, #tpu.memory_space<semaphore_mem>>)
    %dma_wait3A_477 = arith.constant 0 : i32
    %dma_wait3A_478 = arith.constant 0 : i32
    %dma_wait3A_479 = tpu.memref_slice %arg11[%dma_wait3A_477, %dma_wait3A_478] : memref<32x1024xf32, #tpu.memory_space<vmem>> -> memref<16x1024xf32, #tpu.memory_space<vmem>>
    %dma_wait3A_480 = arith.constant 0 : i32
    %dma_wait3A_481 = arith.constant 0 : i32
    %dma_wait3A_482 = tpu.memref_slice %arg2[%dma_wait3A_480, %dma_wait3A_481] : memref<16384x1024xf32, #tpu.memory_space<hbm>> -> memref<16384x1024xf32, #tpu.memory_space<hbm>>
    tpu.wait_indirect_dma semaphore(%arg15 : memref<!tpu.dma_semaphore, #tpu.memory_space<semaphore_mem>>) src(%dma_wait3A_482 : memref<16384x1024xf32, #tpu.memory_space<hbm>>) dst(%dma_wait3A_479 : memref<16x1024xf32, #tpu.memory_space<vmem>>)
    %dma_wait3A_483 = arith.constant 16 : i32
    %dma_wait3A_484 = arith.constant 0 : i32
    %dma_wait3A_485 = tpu.memref_slice %arg11[%dma_wait3A_483, %dma_wait3A_484] : memref<32x1024xf32, #tpu.memory_space<vmem>> -> memref<16x1024xf32, #tpu.memory_space<vmem>>
    %dma_wait3A_486 = arith.constant 0 : i32
    %dma_wait3A_487 = arith.constant 0 : i32
    %dma_wait3A_488 = tpu.memref_slice %arg2[%dma_wait3A_486, %dma_wait3A_487] : memref<16384x1024xf32, #tpu.memory_space<hbm>> -> memref<16384x1024xf32, #tpu.memory_space<hbm>>
    tpu.wait_indirect_dma semaphore(%arg15 : memref<!tpu.dma_semaphore, #tpu.memory_space<semaphore_mem>>) src(%dma_wait3A_488 : memref<16384x1024xf32, #tpu.memory_space<hbm>>) dst(%dma_wait3A_485 : memref<16x1024xf32, #tpu.memory_space<vmem>>)
    %add3A_489 = arith.constant 224 : i32
    %add3A_490 = arith.addi %mul3A_4, %add3A_489 : i32
    %dma_start3A_491 = arith.constant 0 : i32
    %dma_start3A_492 = tpu.memref_slice %arg4[%add3A_490, %dma_start3A_491] : memref<16384x1024xf32, #tpu.memory_space<hbm>> -> memref<32x1024xf32, #tpu.memory_space<hbm>>
    %dma_start3A_493 = arith.constant 0 : i32
    %dma_start3A_494 = tpu.memref_slice %arg4[%add3A_490, %dma_start3A_493] : memref<16384x1024xf32, #tpu.memory_space<hbm>> -> memref<32x1024xf32, #tpu.memory_space<hbm>>
    tpu.enqueue_dma source(%arg11 : memref<32x1024xf32, #tpu.memory_space<vmem>>) target(%dma_start3A_494 : memref<32x1024xf32, #tpu.memory_space<hbm>>) target_semaphore(%arg18 : memref<!tpu.dma_semaphore, #tpu.memory_space<semaphore_mem>>)
    %dma_wait3A_495 = arith.constant 0 : i32
    %dma_wait3A_496 = tpu.memref_slice %arg4[%add3A_434, %dma_wait3A_495] : memref<16384x1024xf32, #tpu.memory_space<hbm>> -> memref<32x1024xf32, #tpu.memory_space<hbm>>
    %dma_wait3A_497 = arith.constant 0 : i32
    %dma_wait3A_498 = tpu.memref_slice %arg4[%add3A_434, %dma_wait3A_497] : memref<16384x1024xf32, #tpu.memory_space<hbm>> -> memref<32x1024xf32, #tpu.memory_space<hbm>>
    tpu.wait_dma2 semaphore(%arg17 : memref<!tpu.dma_semaphore, #tpu.memory_space<semaphore_mem>>) src(%arg10 : memref<32x1024xf32, #tpu.memory_space<vmem>>) dst(%dma_wait3A_498 : memref<32x1024xf32, #tpu.memory_space<hbm>>)
    %get3A_499 = arith.constant 18 : i32
    %get3A_500 = arith.index_cast %get3A_499 : i32 to index
    %get3A_501 = arith.constant 0 : index
    %get3A_502 = tpu.vector_load %arg9[%get3A_500, %get3A_501] {strides = array<i32>} : memref<32x16xi32, #tpu.memory_space<vmem>>, vector<16xi32>,
    %gt3A_503 = vector.broadcast %sub3A_26 : i32 to vector<16xi32>
    %gt3A_504 = arith.cmpi sgt, %get3A_502, %gt3A_503 : vector<16xi32>
    %all_reduce_population_count3A_505 = tpu.all_reduce %gt3A_504 {dim = 0 : i64, kind = #tpu.reduction_kind<sum>} : vector<16xi1> -> vector<16xi32>
    %slice3A_506 = vector.extract_strided_slice %all_reduce_population_count3A_505 {offsets = [0], sizes = [1], strides = [1]} : vector<16xi32> to vector<1xi32>
    %squeeze3A_507 = vector.extract %slice3A_506[0] : i32 from vector<1xi32>
    %min3A_508 = vector.broadcast %sub3A_26 : i32 to vector<16xi32>
    %min3A_509 = arith.minsi %get3A_502, %min3A_508 : vector<16xi32>
    %dma_start3A_510 = arith.constant 0 : i32
    %dma_start3A_511 = arith.constant 0 : i32
    %dma_start3A_512 = tpu.memref_slice %arg10[%dma_start3A_510, %dma_start3A_511] : memref<32x1024xf32, #tpu.memory_space<vmem>> -> memref<16x1024xf32, #tpu.memory_space<vmem>>
    %dma_start3A_513 = arith.constant 0 : i32
    %dma_start3A_514 = arith.constant 0 : i32
    %dma_start3A_515 = tpu.memref_slice %arg2[%dma_start3A_513, %dma_start3A_514] : memref<16384x1024xf32, #tpu.memory_space<hbm>> -> memref<16384x1024xf32, #tpu.memory_space<hbm>>
    tpu.enqueue_indirect_dma source(%dma_start3A_515 : memref<16384x1024xf32, #tpu.memory_space<hbm>>) target(%dma_start3A_512 : memref<16x1024xf32, #tpu.memory_space<vmem>>) offsets(%min3A_509 : vector<16xi32>) semaphore(%arg14 : memref<!tpu.dma_semaphore, #tpu.memory_space<semaphore_mem>>)
    %get3A_516 = arith.constant 19 : i32
    %get3A_517 = arith.index_cast %get3A_516 : i32 to index
    %get3A_518 = arith.constant 0 : index
    %get3A_519 = tpu.vector_load %arg9[%get3A_517, %get3A_518] {strides = array<i32>} : memref<32x16xi32, #tpu.memory_space<vmem>>, vector<16xi32>,
    %gt3A_520 = vector.broadcast %sub3A_26 : i32 to vector<16xi32>
    %gt3A_521 = arith.cmpi sgt, %get3A_519, %gt3A_520 : vector<16xi32>
    %all_reduce_population_count3A_522 = tpu.all_reduce %gt3A_521 {dim = 0 : i64, kind = #tpu.reduction_kind<sum>} : vector<16xi1> -> vector<16xi32>
    %slice3A_523 = vector.extract_strided_slice %all_reduce_population_count3A_522 {offsets = [0], sizes = [1], strides = [1]} : vector<16xi32> to vector<1xi32>
    %squeeze3A_524 = vector.extract %slice3A_523[0] : i32 from vector<1xi32>
    %min3A_525 = vector.broadcast %sub3A_26 : i32 to vector<16xi32>
    %min3A_526 = arith.minsi %get3A_519, %min3A_525 : vector<16xi32>
    %dma_start3A_527 = arith.constant 16 : i32
    %dma_start3A_528 = arith.constant 0 : i32
    %dma_start3A_529 = tpu.memref_slice %arg10[%dma_start3A_527, %dma_start3A_528] : memref<32x1024xf32, #tpu.memory_space<vmem>> -> memref<16x1024xf32, #tpu.memory_space<vmem>>
    %dma_start3A_530 = arith.constant 0 : i32
    %dma_start3A_531 = arith.constant 0 : i32
    %dma_start3A_532 = tpu.memref_slice %arg2[%dma_start3A_530, %dma_start3A_531] : memref<16384x1024xf32, #tpu.memory_space<hbm>> -> memref<16384x1024xf32, #tpu.memory_space<hbm>>
    tpu.enqueue_indirect_dma source(%dma_start3A_532 : memref<16384x1024xf32, #tpu.memory_space<hbm>>) target(%dma_start3A_529 : memref<16x1024xf32, #tpu.memory_space<vmem>>) offsets(%min3A_526 : vector<16xi32>) semaphore(%arg14 : memref<!tpu.dma_semaphore, #tpu.memory_space<semaphore_mem>>)
    %dma_wait3A_533 = arith.constant 0 : i32
    %dma_wait3A_534 = arith.constant 0 : i32
    %dma_wait3A_535 = tpu.memref_slice %arg12[%dma_wait3A_533, %dma_wait3A_534] : memref<32x1024xf32, #tpu.memory_space<vmem>> -> memref<16x1024xf32, #tpu.memory_space<vmem>>
    %dma_wait3A_536 = arith.constant 0 : i32
    %dma_wait3A_537 = arith.constant 0 : i32
    %dma_wait3A_538 = tpu.memref_slice %arg2[%dma_wait3A_536, %dma_wait3A_537] : memref<16384x1024xf32, #tpu.memory_space<hbm>> -> memref<16384x1024xf32, #tpu.memory_space<hbm>>
    tpu.wait_indirect_dma semaphore(%arg16 : memref<!tpu.dma_semaphore, #tpu.memory_space<semaphore_mem>>) src(%dma_wait3A_538 : memref<16384x1024xf32, #tpu.memory_space<hbm>>) dst(%dma_wait3A_535 : memref<16x1024xf32, #tpu.memory_space<vmem>>)
    %dma_wait3A_539 = arith.constant 16 : i32
    %dma_wait3A_540 = arith.constant 0 : i32
    %dma_wait3A_541 = tpu.memref_slice %arg12[%dma_wait3A_539, %dma_wait3A_540] : memref<32x1024xf32, #tpu.memory_space<vmem>> -> memref<16x1024xf32, #tpu.memory_space<vmem>>
    %dma_wait3A_542 = arith.constant 0 : i32
    %dma_wait3A_543 = arith.constant 0 : i32
    %dma_wait3A_544 = tpu.memref_slice %arg2[%dma_wait3A_542, %dma_wait3A_543] : memref<16384x1024xf32, #tpu.memory_space<hbm>> -> memref<16384x1024xf32, #tpu.memory_space<hbm>>
    tpu.wait_indirect_dma semaphore(%arg16 : memref<!tpu.dma_semaphore, #tpu.memory_space<semaphore_mem>>) src(%dma_wait3A_544 : memref<16384x1024xf32, #tpu.memory_space<hbm>>) dst(%dma_wait3A_541 : memref<16x1024xf32, #tpu.memory_space<vmem>>)
    %add3A_545 = arith.constant 256 : i32
    %add3A_546 = arith.addi %mul3A_4, %add3A_545 : i32
    %dma_start3A_547 = arith.constant 0 : i32
    %dma_start3A_548 = tpu.memref_slice %arg4[%add3A_546, %dma_start3A_547] : memref<16384x1024xf32, #tpu.memory_space<hbm>> -> memref<32x1024xf32, #tpu.memory_space<hbm>>
    %dma_start3A_549 = arith.constant 0 : i32
    %dma_start3A_550 = tpu.memref_slice %arg4[%add3A_546, %dma_start3A_549] : memref<16384x1024xf32, #tpu.memory_space<hbm>> -> memref<32x1024xf32, #tpu.memory_space<hbm>>
    tpu.enqueue_dma source(%arg12 : memref<32x1024xf32, #tpu.memory_space<vmem>>) target(%dma_start3A_550 : memref<32x1024xf32, #tpu.memory_space<hbm>>) target_semaphore(%arg19 : memref<!tpu.dma_semaphore, #tpu.memory_space<semaphore_mem>>)
    %dma_wait3A_551 = arith.constant 0 : i32
    %dma_wait3A_552 = tpu.memref_slice %arg4[%add3A_490, %dma_wait3A_551] : memref<16384x1024xf32, #tpu.memory_space<hbm>> -> memref<32x1024xf32, #tpu.memory_space<hbm>>
    %dma_wait3A_553 = arith.constant 0 : i32
    %dma_wait3A_554 = tpu.memref_slice %arg4[%add3A_490, %dma_wait3A_553] : memref<16384x1024xf32, #tpu.memory_space<hbm>> -> memref<32x1024xf32, #tpu.memory_space<hbm>>
    tpu.wait_dma2 semaphore(%arg18 : memref<!tpu.dma_semaphore, #tpu.memory_space<semaphore_mem>>) src(%arg11 : memref<32x1024xf32, #tpu.memory_space<vmem>>) dst(%dma_wait3A_554 : memref<32x1024xf32, #tpu.memory_space<hbm>>)
    %get3A_555 = arith.constant 20 : i32
    %get3A_556 = arith.index_cast %get3A_555 : i32 to index
    %get3A_557 = arith.constant 0 : index
    %get3A_558 = tpu.vector_load %arg9[%get3A_556, %get3A_557] {strides = array<i32>} : memref<32x16xi32, #tpu.memory_space<vmem>>, vector<16xi32>,
    %gt3A_559 = vector.broadcast %sub3A_26 : i32 to vector<16xi32>
    %gt3A_560 = arith.cmpi sgt, %get3A_558, %gt3A_559 : vector<16xi32>
    %all_reduce_population_count3A_561 = tpu.all_reduce %gt3A_560 {dim = 0 : i64, kind = #tpu.reduction_kind<sum>} : vector<16xi1> -> vector<16xi32>
    %slice3A_562 = vector.extract_strided_slice %all_reduce_population_count3A_561 {offsets = [0], sizes = [1], strides = [1]} : vector<16xi32> to vector<1xi32>
    %squeeze3A_563 = vector.extract %slice3A_562[0] : i32 from vector<1xi32>
    %min3A_564 = vector.broadcast %sub3A_26 : i32 to vector<16xi32>
    %min3A_565 = arith.minsi %get3A_558, %min3A_564 : vector<16xi32>
    %dma_start3A_566 = arith.constant 0 : i32
    %dma_start3A_567 = arith.constant 0 : i32
    %dma_start3A_568 = tpu.memref_slice %arg11[%dma_start3A_566, %dma_start3A_567] : memref<32x1024xf32, #tpu.memory_space<vmem>> -> memref<16x1024xf32, #tpu.memory_space<vmem>>
    %dma_start3A_569 = arith.constant 0 : i32
    %dma_start3A_570 = arith.constant 0 : i32
    %dma_start3A_571 = tpu.memref_slice %arg2[%dma_start3A_569, %dma_start3A_570] : memref<16384x1024xf32, #tpu.memory_space<hbm>> -> memref<16384x1024xf32, #tpu.memory_space<hbm>>
    tpu.enqueue_indirect_dma source(%dma_start3A_571 : memref<16384x1024xf32, #tpu.memory_space<hbm>>) target(%dma_start3A_568 : memref<16x1024xf32, #tpu.memory_space<vmem>>) offsets(%min3A_565 : vector<16xi32>) semaphore(%arg15 : memref<!tpu.dma_semaphore, #tpu.memory_space<semaphore_mem>>)
    %get3A_572 = arith.constant 21 : i32
    %get3A_573 = arith.index_cast %get3A_572 : i32 to index
    %get3A_574 = arith.constant 0 : index
    %get3A_575 = tpu.vector_load %arg9[%get3A_573, %get3A_574] {strides = array<i32>} : memref<32x16xi32, #tpu.memory_space<vmem>>, vector<16xi32>,
    %gt3A_576 = vector.broadcast %sub3A_26 : i32 to vector<16xi32>
    %gt3A_577 = arith.cmpi sgt, %get3A_575, %gt3A_576 : vector<16xi32>
    %all_reduce_population_count3A_578 = tpu.all_reduce %gt3A_577 {dim = 0 : i64, kind = #tpu.reduction_kind<sum>} : vector<16xi1> -> vector<16xi32>
    %slice3A_579 = vector.extract_strided_slice %all_reduce_population_count3A_578 {offsets = [0], sizes = [1], strides = [1]} : vector<16xi32> to vector<1xi32>
    %squeeze3A_580 = vector.extract %slice3A_579[0] : i32 from vector<1xi32>
    %min3A_581 = vector.broadcast %sub3A_26 : i32 to vector<16xi32>
    %min3A_582 = arith.minsi %get3A_575, %min3A_581 : vector<16xi32>
    %dma_start3A_583 = arith.constant 16 : i32
    %dma_start3A_584 = arith.constant 0 : i32
    %dma_start3A_585 = tpu.memref_slice %arg11[%dma_start3A_583, %dma_start3A_584] : memref<32x1024xf32, #tpu.memory_space<vmem>> -> memref<16x1024xf32, #tpu.memory_space<vmem>>
    %dma_start3A_586 = arith.constant 0 : i32
    %dma_start3A_587 = arith.constant 0 : i32
    %dma_start3A_588 = tpu.memref_slice %arg2[%dma_start3A_586, %dma_start3A_587] : memref<16384x1024xf32, #tpu.memory_space<hbm>> -> memref<16384x1024xf32, #tpu.memory_space<hbm>>
    tpu.enqueue_indirect_dma source(%dma_start3A_588 : memref<16384x1024xf32, #tpu.memory_space<hbm>>) target(%dma_start3A_585 : memref<16x1024xf32, #tpu.memory_space<vmem>>) offsets(%min3A_582 : vector<16xi32>) semaphore(%arg15 : memref<!tpu.dma_semaphore, #tpu.memory_space<semaphore_mem>>)
    %dma_wait3A_589 = arith.constant 0 : i32
    %dma_wait3A_590 = arith.constant 0 : i32
    %dma_wait3A_591 = tpu.memref_slice %arg10[%dma_wait3A_589, %dma_wait3A_590] : memref<32x1024xf32, #tpu.memory_space<vmem>> -> memref<16x1024xf32, #tpu.memory_space<vmem>>
    %dma_wait3A_592 = arith.constant 0 : i32
    %dma_wait3A_593 = arith.constant 0 : i32
    %dma_wait3A_594 = tpu.memref_slice %arg2[%dma_wait3A_592, %dma_wait3A_593] : memref<16384x1024xf32, #tpu.memory_space<hbm>> -> memref<16384x1024xf32, #tpu.memory_space<hbm>>
    tpu.wait_indirect_dma semaphore(%arg14 : memref<!tpu.dma_semaphore, #tpu.memory_space<semaphore_mem>>) src(%dma_wait3A_594 : memref<16384x1024xf32, #tpu.memory_space<hbm>>) dst(%dma_wait3A_591 : memref<16x1024xf32, #tpu.memory_space<vmem>>)
    %dma_wait3A_595 = arith.constant 16 : i32
    %dma_wait3A_596 = arith.constant 0 : i32
    %dma_wait3A_597 = tpu.memref_slice %arg10[%dma_wait3A_595, %dma_wait3A_596] : memref<32x1024xf32, #tpu.memory_space<vmem>> -> memref<16x1024xf32, #tpu.memory_space<vmem>>
    %dma_wait3A_598 = arith.constant 0 : i32
    %dma_wait3A_599 = arith.constant 0 : i32
    %dma_wait3A_600 = tpu.memref_slice %arg2[%dma_wait3A_598, %dma_wait3A_599] : memref<16384x1024xf32, #tpu.memory_space<hbm>> -> memref<16384x1024xf32, #tpu.memory_space<hbm>>
    tpu.wait_indirect_dma semaphore(%arg14 : memref<!tpu.dma_semaphore, #tpu.memory_space<semaphore_mem>>) src(%dma_wait3A_600 : memref<16384x1024xf32, #tpu.memory_space<hbm>>) dst(%dma_wait3A_597 : memref<16x1024xf32, #tpu.memory_space<vmem>>)
    %add3A_601 = arith.constant 288 : i32
    %add3A_602 = arith.addi %mul3A_4, %add3A_601 : i32
    %dma_start3A_603 = arith.constant 0 : i32
    %dma_start3A_604 = tpu.memref_slice %arg4[%add3A_602, %dma_start3A_603] : memref<16384x1024xf32, #tpu.memory_space<hbm>> -> memref<32x1024xf32, #tpu.memory_space<hbm>>
    %dma_start3A_605 = arith.constant 0 : i32
    %dma_start3A_606 = tpu.memref_slice %arg4[%add3A_602, %dma_start3A_605] : memref<16384x1024xf32, #tpu.memory_space<hbm>> -> memref<32x1024xf32, #tpu.memory_space<hbm>>
    tpu.enqueue_dma source(%arg10 : memref<32x1024xf32, #tpu.memory_space<vmem>>) target(%dma_start3A_606 : memref<32x1024xf32, #tpu.memory_space<hbm>>) target_semaphore(%arg17 : memref<!tpu.dma_semaphore, #tpu.memory_space<semaphore_mem>>)
    %dma_wait3A_607 = arith.constant 0 : i32
    %dma_wait3A_608 = tpu.memref_slice %arg4[%add3A_546, %dma_wait3A_607] : memref<16384x1024xf32, #tpu.memory_space<hbm>> -> memref<32x1024xf32, #tpu.memory_space<hbm>>
    %dma_wait3A_609 = arith.constant 0 : i32
    %dma_wait3A_610 = tpu.memref_slice %arg4[%add3A_546, %dma_wait3A_609] : memref<16384x1024xf32, #tpu.memory_space<hbm>> -> memref<32x1024xf32, #tpu.memory_space<hbm>>
    tpu.wait_dma2 semaphore(%arg19 : memref<!tpu.dma_semaphore, #tpu.memory_space<semaphore_mem>>) src(%arg12 : memref<32x1024xf32, #tpu.memory_space<vmem>>) dst(%dma_wait3A_610 : memref<32x1024xf32, #tpu.memory_space<hbm>>)
    %get3A_611 = arith.constant 22 : i32
    %get3A_612 = arith.index_cast %get3A_611 : i32 to index
    %get3A_613 = arith.constant 0 : index
    %get3A_614 = tpu.vector_load %arg9[%get3A_612, %get3A_613] {strides = array<i32>} : memref<32x16xi32, #tpu.memory_space<vmem>>, vector<16xi32>,
    %gt3A_615 = vector.broadcast %sub3A_26 : i32 to vector<16xi32>
    %gt3A_616 = arith.cmpi sgt, %get3A_614, %gt3A_615 : vector<16xi32>
    %all_reduce_population_count3A_617 = tpu.all_reduce %gt3A_616 {dim = 0 : i64, kind = #tpu.reduction_kind<sum>} : vector<16xi1> -> vector<16xi32>
    %slice3A_618 = vector.extract_strided_slice %all_reduce_population_count3A_617 {offsets = [0], sizes = [1], strides = [1]} : vector<16xi32> to vector<1xi32>
    %squeeze3A_619 = vector.extract %slice3A_618[0] : i32 from vector<1xi32>
    %min3A_620 = vector.broadcast %sub3A_26 : i32 to vector<16xi32>
    %min3A_621 = arith.minsi %get3A_614, %min3A_620 : vector<16xi32>
    %dma_start3A_622 = arith.constant 0 : i32
    %dma_start3A_623 = arith.constant 0 : i32
    %dma_start3A_624 = tpu.memref_slice %arg12[%dma_start3A_622, %dma_start3A_623] : memref<32x1024xf32, #tpu.memory_space<vmem>> -> memref<16x1024xf32, #tpu.memory_space<vmem>>
    %dma_start3A_625 = arith.constant 0 : i32
    %dma_start3A_626 = arith.constant 0 : i32
    %dma_start3A_627 = tpu.memref_slice %arg2[%dma_start3A_625, %dma_start3A_626] : memref<16384x1024xf32, #tpu.memory_space<hbm>> -> memref<16384x1024xf32, #tpu.memory_space<hbm>>
    tpu.enqueue_indirect_dma source(%dma_start3A_627 : memref<16384x1024xf32, #tpu.memory_space<hbm>>) target(%dma_start3A_624 : memref<16x1024xf32, #tpu.memory_space<vmem>>) offsets(%min3A_621 : vector<16xi32>) semaphore(%arg16 : memref<!tpu.dma_semaphore, #tpu.memory_space<semaphore_mem>>)
    %get3A_628 = arith.constant 23 : i32
    %get3A_629 = arith.index_cast %get3A_628 : i32 to index
    %get3A_630 = arith.constant 0 : index
    %get3A_631 = tpu.vector_load %arg9[%get3A_629, %get3A_630] {strides = array<i32>} : memref<32x16xi32, #tpu.memory_space<vmem>>, vector<16xi32>,
    %gt3A_632 = vector.broadcast %sub3A_26 : i32 to vector<16xi32>
    %gt3A_633 = arith.cmpi sgt, %get3A_631, %gt3A_632 : vector<16xi32>
    %all_reduce_population_count3A_634 = tpu.all_reduce %gt3A_633 {dim = 0 : i64, kind = #tpu.reduction_kind<sum>} : vector<16xi1> -> vector<16xi32>
    %slice3A_635 = vector.extract_strided_slice %all_reduce_population_count3A_634 {offsets = [0], sizes = [1], strides = [1]} : vector<16xi32> to vector<1xi32>
    %squeeze3A_636 = vector.extract %slice3A_635[0] : i32 from vector<1xi32>
    %min3A_637 = vector.broadcast %sub3A_26 : i32 to vector<16xi32>
    %min3A_638 = arith.minsi %get3A_631, %min3A_637 : vector<16xi32>
    %dma_start3A_639 = arith.constant 16 : i32
    %dma_start3A_640 = arith.constant 0 : i32
    %dma_start3A_641 = tpu.memref_slice %arg12[%dma_start3A_639, %dma_start3A_640] : memref<32x1024xf32, #tpu.memory_space<vmem>> -> memref<16x1024xf32, #tpu.memory_space<vmem>>
    %dma_start3A_642 = arith.constant 0 : i32
    %dma_start3A_643 = arith.constant 0 : i32
    %dma_start3A_644 = tpu.memref_slice %arg2[%dma_start3A_642, %dma_start3A_643] : memref<16384x1024xf32, #tpu.memory_space<hbm>> -> memref<16384x1024xf32, #tpu.memory_space<hbm>>
    tpu.enqueue_indirect_dma source(%dma_start3A_644 : memref<16384x1024xf32, #tpu.memory_space<hbm>>) target(%dma_start3A_641 : memref<16x1024xf32, #tpu.memory_space<vmem>>) offsets(%min3A_638 : vector<16xi32>) semaphore(%arg16 : memref<!tpu.dma_semaphore, #tpu.memory_space<semaphore_mem>>)
    %dma_wait3A_645 = arith.constant 0 : i32
    %dma_wait3A_646 = arith.constant 0 : i32
    %dma_wait3A_647 = tpu.memref_slice %arg11[%dma_wait3A_645, %dma_wait3A_646] : memref<32x1024xf32, #tpu.memory_space<vmem>> -> memref<16x1024xf32, #tpu.memory_space<vmem>>
    %dma_wait3A_648 = arith.constant 0 : i32
    %dma_wait3A_649 = arith.constant 0 : i32
    %dma_wait3A_650 = tpu.memref_slice %arg2[%dma_wait3A_648, %dma_wait3A_649] : memref<16384x1024xf32, #tpu.memory_space<hbm>> -> memref<16384x1024xf32, #tpu.memory_space<hbm>>
    tpu.wait_indirect_dma semaphore(%arg15 : memref<!tpu.dma_semaphore, #tpu.memory_space<semaphore_mem>>) src(%dma_wait3A_650 : memref<16384x1024xf32, #tpu.memory_space<hbm>>) dst(%dma_wait3A_647 : memref<16x1024xf32, #tpu.memory_space<vmem>>)
    %dma_wait3A_651 = arith.constant 16 : i32
    %dma_wait3A_652 = arith.constant 0 : i32
    %dma_wait3A_653 = tpu.memref_slice %arg11[%dma_wait3A_651, %dma_wait3A_652] : memref<32x1024xf32, #tpu.memory_space<vmem>> -> memref<16x1024xf32, #tpu.memory_space<vmem>>
    %dma_wait3A_654 = arith.constant 0 : i32
    %dma_wait3A_655 = arith.constant 0 : i32
    %dma_wait3A_656 = tpu.memref_slice %arg2[%dma_wait3A_654, %dma_wait3A_655] : memref<16384x1024xf32, #tpu.memory_space<hbm>> -> memref<16384x1024xf32, #tpu.memory_space<hbm>>
    tpu.wait_indirect_dma semaphore(%arg15 : memref<!tpu.dma_semaphore, #tpu.memory_space<semaphore_mem>>) src(%dma_wait3A_656 : memref<16384x1024xf32, #tpu.memory_space<hbm>>) dst(%dma_wait3A_653 : memref<16x1024xf32, #tpu.memory_space<vmem>>)
    %add3A_657 = arith.constant 320 : i32
    %add3A_658 = arith.addi %mul3A_4, %add3A_657 : i32
    %dma_start3A_659 = arith.constant 0 : i32
    %dma_start3A_660 = tpu.memref_slice %arg4[%add3A_658, %dma_start3A_659] : memref<16384x1024xf32, #tpu.memory_space<hbm>> -> memref<32x1024xf32, #tpu.memory_space<hbm>>
    %dma_start3A_661 = arith.constant 0 : i32
    %dma_start3A_662 = tpu.memref_slice %arg4[%add3A_658, %dma_start3A_661] : memref<16384x1024xf32, #tpu.memory_space<hbm>> -> memref<32x1024xf32, #tpu.memory_space<hbm>>
    tpu.enqueue_dma source(%arg11 : memref<32x1024xf32, #tpu.memory_space<vmem>>) target(%dma_start3A_662 : memref<32x1024xf32, #tpu.memory_space<hbm>>) target_semaphore(%arg18 : memref<!tpu.dma_semaphore, #tpu.memory_space<semaphore_mem>>)
    %dma_wait3A_663 = arith.constant 0 : i32
    %dma_wait3A_664 = tpu.memref_slice %arg4[%add3A_602, %dma_wait3A_663] : memref<16384x1024xf32, #tpu.memory_space<hbm>> -> memref<32x1024xf32, #tpu.memory_space<hbm>>
    %dma_wait3A_665 = arith.constant 0 : i32
    %dma_wait3A_666 = tpu.memref_slice %arg4[%add3A_602, %dma_wait3A_665] : memref<16384x1024xf32, #tpu.memory_space<hbm>> -> memref<32x1024xf32, #tpu.memory_space<hbm>>
    tpu.wait_dma2 semaphore(%arg17 : memref<!tpu.dma_semaphore, #tpu.memory_space<semaphore_mem>>) src(%arg10 : memref<32x1024xf32, #tpu.memory_space<vmem>>) dst(%dma_wait3A_666 : memref<32x1024xf32, #tpu.memory_space<hbm>>)
    %get3A_667 = arith.constant 24 : i32
    %get3A_668 = arith.index_cast %get3A_667 : i32 to index
    %get3A_669 = arith.constant 0 : index
    %get3A_670 = tpu.vector_load %arg9[%get3A_668, %get3A_669] {strides = array<i32>} : memref<32x16xi32, #tpu.memory_space<vmem>>, vector<16xi32>,
    %gt3A_671 = vector.broadcast %sub3A_26 : i32 to vector<16xi32>
    %gt3A_672 = arith.cmpi sgt, %get3A_670, %gt3A_671 : vector<16xi32>
    %all_reduce_population_count3A_673 = tpu.all_reduce %gt3A_672 {dim = 0 : i64, kind = #tpu.reduction_kind<sum>} : vector<16xi1> -> vector<16xi32>
    %slice3A_674 = vector.extract_strided_slice %all_reduce_population_count3A_673 {offsets = [0], sizes = [1], strides = [1]} : vector<16xi32> to vector<1xi32>
    %squeeze3A_675 = vector.extract %slice3A_674[0] : i32 from vector<1xi32>
    %min3A_676 = vector.broadcast %sub3A_26 : i32 to vector<16xi32>
    %min3A_677 = arith.minsi %get3A_670, %min3A_676 : vector<16xi32>
    %dma_start3A_678 = arith.constant 0 : i32
    %dma_start3A_679 = arith.constant 0 : i32
    %dma_start3A_680 = tpu.memref_slice %arg10[%dma_start3A_678, %dma_start3A_679] : memref<32x1024xf32, #tpu.memory_space<vmem>> -> memref<16x1024xf32, #tpu.memory_space<vmem>>
    %dma_start3A_681 = arith.constant 0 : i32
    %dma_start3A_682 = arith.constant 0 : i32
    %dma_start3A_683 = tpu.memref_slice %arg2[%dma_start3A_681, %dma_start3A_682] : memref<16384x1024xf32, #tpu.memory_space<hbm>> -> memref<16384x1024xf32, #tpu.memory_space<hbm>>
    tpu.enqueue_indirect_dma source(%dma_start3A_683 : memref<16384x1024xf32, #tpu.memory_space<hbm>>) target(%dma_start3A_680 : memref<16x1024xf32, #tpu.memory_space<vmem>>) offsets(%min3A_677 : vector<16xi32>) semaphore(%arg14 : memref<!tpu.dma_semaphore, #tpu.memory_space<semaphore_mem>>)
    %get3A_684 = arith.constant 25 : i32
    %get3A_685 = arith.index_cast %get3A_684 : i32 to index
    %get3A_686 = arith.constant 0 : index
    %get3A_687 = tpu.vector_load %arg9[%get3A_685, %get3A_686] {strides = array<i32>} : memref<32x16xi32, #tpu.memory_space<vmem>>, vector<16xi32>,
    %gt3A_688 = vector.broadcast %sub3A_26 : i32 to vector<16xi32>
    %gt3A_689 = arith.cmpi sgt, %get3A_687, %gt3A_688 : vector<16xi32>
    %all_reduce_population_count3A_690 = tpu.all_reduce %gt3A_689 {dim = 0 : i64, kind = #tpu.reduction_kind<sum>} : vector<16xi1> -> vector<16xi32>
    %slice3A_691 = vector.extract_strided_slice %all_reduce_population_count3A_690 {offsets = [0], sizes = [1], strides = [1]} : vector<16xi32> to vector<1xi32>
    %squeeze3A_692 = vector.extract %slice3A_691[0] : i32 from vector<1xi32>
    %min3A_693 = vector.broadcast %sub3A_26 : i32 to vector<16xi32>
    %min3A_694 = arith.minsi %get3A_687, %min3A_693 : vector<16xi32>
    %dma_start3A_695 = arith.constant 16 : i32
    %dma_start3A_696 = arith.constant 0 : i32
    %dma_start3A_697 = tpu.memref_slice %arg10[%dma_start3A_695, %dma_start3A_696] : memref<32x1024xf32, #tpu.memory_space<vmem>> -> memref<16x1024xf32, #tpu.memory_space<vmem>>
    %dma_start3A_698 = arith.constant 0 : i32
    %dma_start3A_699 = arith.constant 0 : i32
    %dma_start3A_700 = tpu.memref_slice %arg2[%dma_start3A_698, %dma_start3A_699] : memref<16384x1024xf32, #tpu.memory_space<hbm>> -> memref<16384x1024xf32, #tpu.memory_space<hbm>>
    tpu.enqueue_indirect_dma source(%dma_start3A_700 : memref<16384x1024xf32, #tpu.memory_space<hbm>>) target(%dma_start3A_697 : memref<16x1024xf32, #tpu.memory_space<vmem>>) offsets(%min3A_694 : vector<16xi32>) semaphore(%arg14 : memref<!tpu.dma_semaphore, #tpu.memory_space<semaphore_mem>>)
    %dma_wait3A_701 = arith.constant 0 : i32
    %dma_wait3A_702 = arith.constant 0 : i32
    %dma_wait3A_703 = tpu.memref_slice %arg12[%dma_wait3A_701, %dma_wait3A_702] : memref<32x1024xf32, #tpu.memory_space<vmem>> -> memref<16x1024xf32, #tpu.memory_space<vmem>>
    %dma_wait3A_704 = arith.constant 0 : i32
    %dma_wait3A_705 = arith.constant 0 : i32
    %dma_wait3A_706 = tpu.memref_slice %arg2[%dma_wait3A_704, %dma_wait3A_705] : memref<16384x1024xf32, #tpu.memory_space<hbm>> -> memref<16384x1024xf32, #tpu.memory_space<hbm>>
    tpu.wait_indirect_dma semaphore(%arg16 : memref<!tpu.dma_semaphore, #tpu.memory_space<semaphore_mem>>) src(%dma_wait3A_706 : memref<16384x1024xf32, #tpu.memory_space<hbm>>) dst(%dma_wait3A_703 : memref<16x1024xf32, #tpu.memory_space<vmem>>)
    %dma_wait3A_707 = arith.constant 16 : i32
    %dma_wait3A_708 = arith.constant 0 : i32
    %dma_wait3A_709 = tpu.memref_slice %arg12[%dma_wait3A_707, %dma_wait3A_708] : memref<32x1024xf32, #tpu.memory_space<vmem>> -> memref<16x1024xf32, #tpu.memory_space<vmem>>
    %dma_wait3A_710 = arith.constant 0 : i32
    %dma_wait3A_711 = arith.constant 0 : i32
    %dma_wait3A_712 = tpu.memref_slice %arg2[%dma_wait3A_710, %dma_wait3A_711] : memref<16384x1024xf32, #tpu.memory_space<hbm>> -> memref<16384x1024xf32, #tpu.memory_space<hbm>>
    tpu.wait_indirect_dma semaphore(%arg16 : memref<!tpu.dma_semaphore, #tpu.memory_space<semaphore_mem>>) src(%dma_wait3A_712 : memref<16384x1024xf32, #tpu.memory_space<hbm>>) dst(%dma_wait3A_709 : memref<16x1024xf32, #tpu.memory_space<vmem>>)
    %add3A_713 = arith.constant 352 : i32
    %add3A_714 = arith.addi %mul3A_4, %add3A_713 : i32
    %dma_start3A_715 = arith.constant 0 : i32
    %dma_start3A_716 = tpu.memref_slice %arg4[%add3A_714, %dma_start3A_715] : memref<16384x1024xf32, #tpu.memory_space<hbm>> -> memref<32x1024xf32, #tpu.memory_space<hbm>>
    %dma_start3A_717 = arith.constant 0 : i32
    %dma_start3A_718 = tpu.memref_slice %arg4[%add3A_714, %dma_start3A_717] : memref<16384x1024xf32, #tpu.memory_space<hbm>> -> memref<32x1024xf32, #tpu.memory_space<hbm>>
    tpu.enqueue_dma source(%arg12 : memref<32x1024xf32, #tpu.memory_space<vmem>>) target(%dma_start3A_718 : memref<32x1024xf32, #tpu.memory_space<hbm>>) target_semaphore(%arg19 : memref<!tpu.dma_semaphore, #tpu.memory_space<semaphore_mem>>)
    %dma_wait3A_719 = arith.constant 0 : i32
    %dma_wait3A_720 = tpu.memref_slice %arg4[%add3A_658, %dma_wait3A_719] : memref<16384x1024xf32, #tpu.memory_space<hbm>> -> memref<32x1024xf32, #tpu.memory_space<hbm>>
    %dma_wait3A_721 = arith.constant 0 : i32
    %dma_wait3A_722 = tpu.memref_slice %arg4[%add3A_658, %dma_wait3A_721] : memref<16384x1024xf32, #tpu.memory_space<hbm>> -> memref<32x1024xf32, #tpu.memory_space<hbm>>
    tpu.wait_dma2 semaphore(%arg18 : memref<!tpu.dma_semaphore, #tpu.memory_space<semaphore_mem>>) src(%arg11 : memref<32x1024xf32, #tpu.memory_space<vmem>>) dst(%dma_wait3A_722 : memref<32x1024xf32, #tpu.memory_space<hbm>>)
    %get3A_723 = arith.constant 26 : i32
    %get3A_724 = arith.index_cast %get3A_723 : i32 to index
    %get3A_725 = arith.constant 0 : index
    %get3A_726 = tpu.vector_load %arg9[%get3A_724, %get3A_725] {strides = array<i32>} : memref<32x16xi32, #tpu.memory_space<vmem>>, vector<16xi32>,
    %gt3A_727 = vector.broadcast %sub3A_26 : i32 to vector<16xi32>
    %gt3A_728 = arith.cmpi sgt, %get3A_726, %gt3A_727 : vector<16xi32>
    %all_reduce_population_count3A_729 = tpu.all_reduce %gt3A_728 {dim = 0 : i64, kind = #tpu.reduction_kind<sum>} : vector<16xi1> -> vector<16xi32>
    %slice3A_730 = vector.extract_strided_slice %all_reduce_population_count3A_729 {offsets = [0], sizes = [1], strides = [1]} : vector<16xi32> to vector<1xi32>
    %squeeze3A_731 = vector.extract %slice3A_730[0] : i32 from vector<1xi32>
    %min3A_732 = vector.broadcast %sub3A_26 : i32 to vector<16xi32>
    %min3A_733 = arith.minsi %get3A_726, %min3A_732 : vector<16xi32>
    %dma_start3A_734 = arith.constant 0 : i32
    %dma_start3A_735 = arith.constant 0 : i32
    %dma_start3A_736 = tpu.memref_slice %arg11[%dma_start3A_734, %dma_start3A_735] : memref<32x1024xf32, #tpu.memory_space<vmem>> -> memref<16x1024xf32, #tpu.memory_space<vmem>>
    %dma_start3A_737 = arith.constant 0 : i32
    %dma_start3A_738 = arith.constant 0 : i32
    %dma_start3A_739 = tpu.memref_slice %arg2[%dma_start3A_737, %dma_start3A_738] : memref<16384x1024xf32, #tpu.memory_space<hbm>> -> memref<16384x1024xf32, #tpu.memory_space<hbm>>
    tpu.enqueue_indirect_dma source(%dma_start3A_739 : memref<16384x1024xf32, #tpu.memory_space<hbm>>) target(%dma_start3A_736 : memref<16x1024xf32, #tpu.memory_space<vmem>>) offsets(%min3A_733 : vector<16xi32>) semaphore(%arg15 : memref<!tpu.dma_semaphore, #tpu.memory_space<semaphore_mem>>)
    %get3A_740 = arith.constant 27 : i32
    %get3A_741 = arith.index_cast %get3A_740 : i32 to index
    %get3A_742 = arith.constant 0 : index
    %get3A_743 = tpu.vector_load %arg9[%get3A_741, %get3A_742] {strides = array<i32>} : memref<32x16xi32, #tpu.memory_space<vmem>>, vector<16xi32>,
    %gt3A_744 = vector.broadcast %sub3A_26 : i32 to vector<16xi32>
    %gt3A_745 = arith.cmpi sgt, %get3A_743, %gt3A_744 : vector<16xi32>
    %all_reduce_population_count3A_746 = tpu.all_reduce %gt3A_745 {dim = 0 : i64, kind = #tpu.reduction_kind<sum>} : vector<16xi1> -> vector<16xi32>
    %slice3A_747 = vector.extract_strided_slice %all_reduce_population_count3A_746 {offsets = [0], sizes = [1], strides = [1]} : vector<16xi32> to vector<1xi32>
    %squeeze3A_748 = vector.extract %slice3A_747[0] : i32 from vector<1xi32>
    %min3A_749 = vector.broadcast %sub3A_26 : i32 to vector<16xi32>
    %min3A_750 = arith.minsi %get3A_743, %min3A_749 : vector<16xi32>
    %dma_start3A_751 = arith.constant 16 : i32
    %dma_start3A_752 = arith.constant 0 : i32
    %dma_start3A_753 = tpu.memref_slice %arg11[%dma_start3A_751, %dma_start3A_752] : memref<32x1024xf32, #tpu.memory_space<vmem>> -> memref<16x1024xf32, #tpu.memory_space<vmem>>
    %dma_start3A_754 = arith.constant 0 : i32
    %dma_start3A_755 = arith.constant 0 : i32
    %dma_start3A_756 = tpu.memref_slice %arg2[%dma_start3A_754, %dma_start3A_755] : memref<16384x1024xf32, #tpu.memory_space<hbm>> -> memref<16384x1024xf32, #tpu.memory_space<hbm>>
    tpu.enqueue_indirect_dma source(%dma_start3A_756 : memref<16384x1024xf32, #tpu.memory_space<hbm>>) target(%dma_start3A_753 : memref<16x1024xf32, #tpu.memory_space<vmem>>) offsets(%min3A_750 : vector<16xi32>) semaphore(%arg15 : memref<!tpu.dma_semaphore, #tpu.memory_space<semaphore_mem>>)
    %dma_wait3A_757 = arith.constant 0 : i32
    %dma_wait3A_758 = arith.constant 0 : i32
    %dma_wait3A_759 = tpu.memref_slice %arg10[%dma_wait3A_757, %dma_wait3A_758] : memref<32x1024xf32, #tpu.memory_space<vmem>> -> memref<16x1024xf32, #tpu.memory_space<vmem>>
    %dma_wait3A_760 = arith.constant 0 : i32
    %dma_wait3A_761 = arith.constant 0 : i32
    %dma_wait3A_762 = tpu.memref_slice %arg2[%dma_wait3A_760, %dma_wait3A_761] : memref<16384x1024xf32, #tpu.memory_space<hbm>> -> memref<16384x1024xf32, #tpu.memory_space<hbm>>
    tpu.wait_indirect_dma semaphore(%arg14 : memref<!tpu.dma_semaphore, #tpu.memory_space<semaphore_mem>>) src(%dma_wait3A_762 : memref<16384x1024xf32, #tpu.memory_space<hbm>>) dst(%dma_wait3A_759 : memref<16x1024xf32, #tpu.memory_space<vmem>>)
    %dma_wait3A_763 = arith.constant 16 : i32
    %dma_wait3A_764 = arith.constant 0 : i32
    %dma_wait3A_765 = tpu.memref_slice %arg10[%dma_wait3A_763, %dma_wait3A_764] : memref<32x1024xf32, #tpu.memory_space<vmem>> -> memref<16x1024xf32, #tpu.memory_space<vmem>>
    %dma_wait3A_766 = arith.constant 0 : i32
    %dma_wait3A_767 = arith.constant 0 : i32
    %dma_wait3A_768 = tpu.memref_slice %arg2[%dma_wait3A_766, %dma_wait3A_767] : memref<16384x1024xf32, #tpu.memory_space<hbm>> -> memref<16384x1024xf32, #tpu.memory_space<hbm>>
    tpu.wait_indirect_dma semaphore(%arg14 : memref<!tpu.dma_semaphore, #tpu.memory_space<semaphore_mem>>) src(%dma_wait3A_768 : memref<16384x1024xf32, #tpu.memory_space<hbm>>) dst(%dma_wait3A_765 : memref<16x1024xf32, #tpu.memory_space<vmem>>)
    %add3A_769 = arith.constant 384 : i32
    %add3A_770 = arith.addi %mul3A_4, %add3A_769 : i32
    %dma_start3A_771 = arith.constant 0 : i32
    %dma_start3A_772 = tpu.memref_slice %arg4[%add3A_770, %dma_start3A_771] : memref<16384x1024xf32, #tpu.memory_space<hbm>> -> memref<32x1024xf32, #tpu.memory_space<hbm>>
    %dma_start3A_773 = arith.constant 0 : i32
    %dma_start3A_774 = tpu.memref_slice %arg4[%add3A_770, %dma_start3A_773] : memref<16384x1024xf32, #tpu.memory_space<hbm>> -> memref<32x1024xf32, #tpu.memory_space<hbm>>
    tpu.enqueue_dma source(%arg10 : memref<32x1024xf32, #tpu.memory_space<vmem>>) target(%dma_start3A_774 : memref<32x1024xf32, #tpu.memory_space<hbm>>) target_semaphore(%arg17 : memref<!tpu.dma_semaphore, #tpu.memory_space<semaphore_mem>>)
    %dma_wait3A_775 = arith.constant 0 : i32
    %dma_wait3A_776 = tpu.memref_slice %arg4[%add3A_714, %dma_wait3A_775] : memref<16384x1024xf32, #tpu.memory_space<hbm>> -> memref<32x1024xf32, #tpu.memory_space<hbm>>
    %dma_wait3A_777 = arith.constant 0 : i32
    %dma_wait3A_778 = tpu.memref_slice %arg4[%add3A_714, %dma_wait3A_777] : memref<16384x1024xf32, #tpu.memory_space<hbm>> -> memref<32x1024xf32, #tpu.memory_space<hbm>>
    tpu.wait_dma2 semaphore(%arg19 : memref<!tpu.dma_semaphore, #tpu.memory_space<semaphore_mem>>) src(%arg12 : memref<32x1024xf32, #tpu.memory_space<vmem>>) dst(%dma_wait3A_778 : memref<32x1024xf32, #tpu.memory_space<hbm>>)
    %get3A_779 = arith.constant 28 : i32
    %get3A_780 = arith.index_cast %get3A_779 : i32 to index
    %get3A_781 = arith.constant 0 : index
    %get3A_782 = tpu.vector_load %arg9[%get3A_780, %get3A_781] {strides = array<i32>} : memref<32x16xi32, #tpu.memory_space<vmem>>, vector<16xi32>,
    %gt3A_783 = vector.broadcast %sub3A_26 : i32 to vector<16xi32>
    %gt3A_784 = arith.cmpi sgt, %get3A_782, %gt3A_783 : vector<16xi32>
    %all_reduce_population_count3A_785 = tpu.all_reduce %gt3A_784 {dim = 0 : i64, kind = #tpu.reduction_kind<sum>} : vector<16xi1> -> vector<16xi32>
    %slice3A_786 = vector.extract_strided_slice %all_reduce_population_count3A_785 {offsets = [0], sizes = [1], strides = [1]} : vector<16xi32> to vector<1xi32>
    %squeeze3A_787 = vector.extract %slice3A_786[0] : i32 from vector<1xi32>
    %min3A_788 = vector.broadcast %sub3A_26 : i32 to vector<16xi32>
    %min3A_789 = arith.minsi %get3A_782, %min3A_788 : vector<16xi32>
    %dma_start3A_790 = arith.constant 0 : i32
    %dma_start3A_791 = arith.constant 0 : i32
    %dma_start3A_792 = tpu.memref_slice %arg12[%dma_start3A_790, %dma_start3A_791] : memref<32x1024xf32, #tpu.memory_space<vmem>> -> memref<16x1024xf32, #tpu.memory_space<vmem>>
    %dma_start3A_793 = arith.constant 0 : i32
    %dma_start3A_794 = arith.constant 0 : i32
    %dma_start3A_795 = tpu.memref_slice %arg2[%dma_start3A_793, %dma_start3A_794] : memref<16384x1024xf32, #tpu.memory_space<hbm>> -> memref<16384x1024xf32, #tpu.memory_space<hbm>>
    tpu.enqueue_indirect_dma source(%dma_start3A_795 : memref<16384x1024xf32, #tpu.memory_space<hbm>>) target(%dma_start3A_792 : memref<16x1024xf32, #tpu.memory_space<vmem>>) offsets(%min3A_789 : vector<16xi32>) semaphore(%arg16 : memref<!tpu.dma_semaphore, #tpu.memory_space<semaphore_mem>>)
    %get3A_796 = arith.constant 29 : i32
    %get3A_797 = arith.index_cast %get3A_796 : i32 to index
    %get3A_798 = arith.constant 0 : index
    %get3A_799 = tpu.vector_load %arg9[%get3A_797, %get3A_798] {strides = array<i32>} : memref<32x16xi32, #tpu.memory_space<vmem>>, vector<16xi32>,
    %gt3A_800 = vector.broadcast %sub3A_26 : i32 to vector<16xi32>
    %gt3A_801 = arith.cmpi sgt, %get3A_799, %gt3A_800 : vector<16xi32>
    %all_reduce_population_count3A_802 = tpu.all_reduce %gt3A_801 {dim = 0 : i64, kind = #tpu.reduction_kind<sum>} : vector<16xi1> -> vector<16xi32>
    %slice3A_803 = vector.extract_strided_slice %all_reduce_population_count3A_802 {offsets = [0], sizes = [1], strides = [1]} : vector<16xi32> to vector<1xi32>
    %squeeze3A_804 = vector.extract %slice3A_803[0] : i32 from vector<1xi32>
    %min3A_805 = vector.broadcast %sub3A_26 : i32 to vector<16xi32>
    %min3A_806 = arith.minsi %get3A_799, %min3A_805 : vector<16xi32>
    %dma_start3A_807 = arith.constant 16 : i32
    %dma_start3A_808 = arith.constant 0 : i32
    %dma_start3A_809 = tpu.memref_slice %arg12[%dma_start3A_807, %dma_start3A_808] : memref<32x1024xf32, #tpu.memory_space<vmem>> -> memref<16x1024xf32, #tpu.memory_space<vmem>>
    %dma_start3A_810 = arith.constant 0 : i32
    %dma_start3A_811 = arith.constant 0 : i32
    %dma_start3A_812 = tpu.memref_slice %arg2[%dma_start3A_810, %dma_start3A_811] : memref<16384x1024xf32, #tpu.memory_space<hbm>> -> memref<16384x1024xf32, #tpu.memory_space<hbm>>
    tpu.enqueue_indirect_dma source(%dma_start3A_812 : memref<16384x1024xf32, #tpu.memory_space<hbm>>) target(%dma_start3A_809 : memref<16x1024xf32, #tpu.memory_space<vmem>>) offsets(%min3A_806 : vector<16xi32>) semaphore(%arg16 : memref<!tpu.dma_semaphore, #tpu.memory_space<semaphore_mem>>)
    %dma_wait3A_813 = arith.constant 0 : i32
    %dma_wait3A_814 = arith.constant 0 : i32
    %dma_wait3A_815 = tpu.memref_slice %arg11[%dma_wait3A_813, %dma_wait3A_814] : memref<32x1024xf32, #tpu.memory_space<vmem>> -> memref<16x1024xf32, #tpu.memory_space<vmem>>
    %dma_wait3A_816 = arith.constant 0 : i32
    %dma_wait3A_817 = arith.constant 0 : i32
    %dma_wait3A_818 = tpu.memref_slice %arg2[%dma_wait3A_816, %dma_wait3A_817] : memref<16384x1024xf32, #tpu.memory_space<hbm>> -> memref<16384x1024xf32, #tpu.memory_space<hbm>>
    tpu.wait_indirect_dma semaphore(%arg15 : memref<!tpu.dma_semaphore, #tpu.memory_space<semaphore_mem>>) src(%dma_wait3A_818 : memref<16384x1024xf32, #tpu.memory_space<hbm>>) dst(%dma_wait3A_815 : memref<16x1024xf32, #tpu.memory_space<vmem>>)
    %dma_wait3A_819 = arith.constant 16 : i32
    %dma_wait3A_820 = arith.constant 0 : i32
    %dma_wait3A_821 = tpu.memref_slice %arg11[%dma_wait3A_819, %dma_wait3A_820] : memref<32x1024xf32, #tpu.memory_space<vmem>> -> memref<16x1024xf32, #tpu.memory_space<vmem>>
    %dma_wait3A_822 = arith.constant 0 : i32
    %dma_wait3A_823 = arith.constant 0 : i32
    %dma_wait3A_824 = tpu.memref_slice %arg2[%dma_wait3A_822, %dma_wait3A_823] : memref<16384x1024xf32, #tpu.memory_space<hbm>> -> memref<16384x1024xf32, #tpu.memory_space<hbm>>
    tpu.wait_indirect_dma semaphore(%arg15 : memref<!tpu.dma_semaphore, #tpu.memory_space<semaphore_mem>>) src(%dma_wait3A_824 : memref<16384x1024xf32, #tpu.memory_space<hbm>>) dst(%dma_wait3A_821 : memref<16x1024xf32, #tpu.memory_space<vmem>>)
    %add3A_825 = arith.constant 416 : i32
    %add3A_826 = arith.addi %mul3A_4, %add3A_825 : i32
    %dma_start3A_827 = arith.constant 0 : i32
    %dma_start3A_828 = tpu.memref_slice %arg4[%add3A_826, %dma_start3A_827] : memref<16384x1024xf32, #tpu.memory_space<hbm>> -> memref<32x1024xf32, #tpu.memory_space<hbm>>
    %dma_start3A_829 = arith.constant 0 : i32
    %dma_start3A_830 = tpu.memref_slice %arg4[%add3A_826, %dma_start3A_829] : memref<16384x1024xf32, #tpu.memory_space<hbm>> -> memref<32x1024xf32, #tpu.memory_space<hbm>>
    tpu.enqueue_dma source(%arg11 : memref<32x1024xf32, #tpu.memory_space<vmem>>) target(%dma_start3A_830 : memref<32x1024xf32, #tpu.memory_space<hbm>>) target_semaphore(%arg18 : memref<!tpu.dma_semaphore, #tpu.memory_space<semaphore_mem>>)
    %dma_wait3A_831 = arith.constant 0 : i32
    %dma_wait3A_832 = tpu.memref_slice %arg4[%add3A_770, %dma_wait3A_831] : memref<16384x1024xf32, #tpu.memory_space<hbm>> -> memref<32x1024xf32, #tpu.memory_space<hbm>>
    %dma_wait3A_833 = arith.constant 0 : i32
    %dma_wait3A_834 = tpu.memref_slice %arg4[%add3A_770, %dma_wait3A_833] : memref<16384x1024xf32, #tpu.memory_space<hbm>> -> memref<32x1024xf32, #tpu.memory_space<hbm>>
    tpu.wait_dma2 semaphore(%arg17 : memref<!tpu.dma_semaphore, #tpu.memory_space<semaphore_mem>>) src(%arg10 : memref<32x1024xf32, #tpu.memory_space<vmem>>) dst(%dma_wait3A_834 : memref<32x1024xf32, #tpu.memory_space<hbm>>)
    %get3A_835 = arith.constant 30 : i32
    %get3A_836 = arith.index_cast %get3A_835 : i32 to index
    %get3A_837 = arith.constant 0 : index
    %get3A_838 = tpu.vector_load %arg9[%get3A_836, %get3A_837] {strides = array<i32>} : memref<32x16xi32, #tpu.memory_space<vmem>>, vector<16xi32>,
    %gt3A_839 = vector.broadcast %sub3A_26 : i32 to vector<16xi32>
    %gt3A_840 = arith.cmpi sgt, %get3A_838, %gt3A_839 : vector<16xi32>
    %all_reduce_population_count3A_841 = tpu.all_reduce %gt3A_840 {dim = 0 : i64, kind = #tpu.reduction_kind<sum>} : vector<16xi1> -> vector<16xi32>
    %slice3A_842 = vector.extract_strided_slice %all_reduce_population_count3A_841 {offsets = [0], sizes = [1], strides = [1]} : vector<16xi32> to vector<1xi32>
    %squeeze3A_843 = vector.extract %slice3A_842[0] : i32 from vector<1xi32>
    %min3A_844 = vector.broadcast %sub3A_26 : i32 to vector<16xi32>
    %min3A_845 = arith.minsi %get3A_838, %min3A_844 : vector<16xi32>
    %dma_start3A_846 = arith.constant 0 : i32
    %dma_start3A_847 = arith.constant 0 : i32
    %dma_start3A_848 = tpu.memref_slice %arg10[%dma_start3A_846, %dma_start3A_847] : memref<32x1024xf32, #tpu.memory_space<vmem>> -> memref<16x1024xf32, #tpu.memory_space<vmem>>
    %dma_start3A_849 = arith.constant 0 : i32
    %dma_start3A_850 = arith.constant 0 : i32
    %dma_start3A_851 = tpu.memref_slice %arg2[%dma_start3A_849, %dma_start3A_850] : memref<16384x1024xf32, #tpu.memory_space<hbm>> -> memref<16384x1024xf32, #tpu.memory_space<hbm>>
    tpu.enqueue_indirect_dma source(%dma_start3A_851 : memref<16384x1024xf32, #tpu.memory_space<hbm>>) target(%dma_start3A_848 : memref<16x1024xf32, #tpu.memory_space<vmem>>) offsets(%min3A_845 : vector<16xi32>) semaphore(%arg14 : memref<!tpu.dma_semaphore, #tpu.memory_space<semaphore_mem>>)
    %get3A_852 = arith.constant 31 : i32
    %get3A_853 = arith.index_cast %get3A_852 : i32 to index
    %get3A_854 = arith.constant 0 : index
    %get3A_855 = tpu.vector_load %arg9[%get3A_853, %get3A_854] {strides = array<i32>} : memref<32x16xi32, #tpu.memory_space<vmem>>, vector<16xi32>,
    %gt3A_856 = vector.broadcast %sub3A_26 : i32 to vector<16xi32>
    %gt3A_857 = arith.cmpi sgt, %get3A_855, %gt3A_856 : vector<16xi32>
    %all_reduce_population_count3A_858 = tpu.all_reduce %gt3A_857 {dim = 0 : i64, kind = #tpu.reduction_kind<sum>} : vector<16xi1> -> vector<16xi32>
    %slice3A_859 = vector.extract_strided_slice %all_reduce_population_count3A_858 {offsets = [0], sizes = [1], strides = [1]} : vector<16xi32> to vector<1xi32>
    %squeeze3A_860 = vector.extract %slice3A_859[0] : i32 from vector<1xi32>
    %min3A_861 = vector.broadcast %sub3A_26 : i32 to vector<16xi32>
    %min3A_862 = arith.minsi %get3A_855, %min3A_861 : vector<16xi32>
    %dma_start3A_863 = arith.constant 16 : i32
    %dma_start3A_864 = arith.constant 0 : i32
    %dma_start3A_865 = tpu.memref_slice %arg10[%dma_start3A_863, %dma_start3A_864] : memref<32x1024xf32, #tpu.memory_space<vmem>> -> memref<16x1024xf32, #tpu.memory_space<vmem>>
    %dma_start3A_866 = arith.constant 0 : i32
    %dma_start3A_867 = arith.constant 0 : i32
    %dma_start3A_868 = tpu.memref_slice %arg2[%dma_start3A_866, %dma_start3A_867] : memref<16384x1024xf32, #tpu.memory_space<hbm>> -> memref<16384x1024xf32, #tpu.memory_space<hbm>>
    tpu.enqueue_indirect_dma source(%dma_start3A_868 : memref<16384x1024xf32, #tpu.memory_space<hbm>>) target(%dma_start3A_865 : memref<16x1024xf32, #tpu.memory_space<vmem>>) offsets(%min3A_862 : vector<16xi32>) semaphore(%arg14 : memref<!tpu.dma_semaphore, #tpu.memory_space<semaphore_mem>>)
    %dma_wait3A_869 = arith.constant 0 : i32
    %dma_wait3A_870 = arith.constant 0 : i32
    %dma_wait3A_871 = tpu.memref_slice %arg12[%dma_wait3A_869, %dma_wait3A_870] : memref<32x1024xf32, #tpu.memory_space<vmem>> -> memref<16x1024xf32, #tpu.memory_space<vmem>>
    %dma_wait3A_872 = arith.constant 0 : i32
    %dma_wait3A_873 = arith.constant 0 : i32
    %dma_wait3A_874 = tpu.memref_slice %arg2[%dma_wait3A_872, %dma_wait3A_873] : memref<16384x1024xf32, #tpu.memory_space<hbm>> -> memref<16384x1024xf32, #tpu.memory_space<hbm>>
    tpu.wait_indirect_dma semaphore(%arg16 : memref<!tpu.dma_semaphore, #tpu.memory_space<semaphore_mem>>) src(%dma_wait3A_874 : memref<16384x1024xf32, #tpu.memory_space<hbm>>) dst(%dma_wait3A_871 : memref<16x1024xf32, #tpu.memory_space<vmem>>)
    %dma_wait3A_875 = arith.constant 16 : i32
    %dma_wait3A_876 = arith.constant 0 : i32
    %dma_wait3A_877 = tpu.memref_slice %arg12[%dma_wait3A_875, %dma_wait3A_876] : memref<32x1024xf32, #tpu.memory_space<vmem>> -> memref<16x1024xf32, #tpu.memory_space<vmem>>
    %dma_wait3A_878 = arith.constant 0 : i32
    %dma_wait3A_879 = arith.constant 0 : i32
    %dma_wait3A_880 = tpu.memref_slice %arg2[%dma_wait3A_878, %dma_wait3A_879] : memref<16384x1024xf32, #tpu.memory_space<hbm>> -> memref<16384x1024xf32, #tpu.memory_space<hbm>>
    tpu.wait_indirect_dma semaphore(%arg16 : memref<!tpu.dma_semaphore, #tpu.memory_space<semaphore_mem>>) src(%dma_wait3A_880 : memref<16384x1024xf32, #tpu.memory_space<hbm>>) dst(%dma_wait3A_877 : memref<16x1024xf32, #tpu.memory_space<vmem>>)
    %add3A_881 = arith.constant 448 : i32
    %add3A_882 = arith.addi %mul3A_4, %add3A_881 : i32
    %dma_start3A_883 = arith.constant 0 : i32
    %dma_start3A_884 = tpu.memref_slice %arg4[%add3A_882, %dma_start3A_883] : memref<16384x1024xf32, #tpu.memory_space<hbm>> -> memref<32x1024xf32, #tpu.memory_space<hbm>>
    %dma_start3A_885 = arith.constant 0 : i32
    %dma_start3A_886 = tpu.memref_slice %arg4[%add3A_882, %dma_start3A_885] : memref<16384x1024xf32, #tpu.memory_space<hbm>> -> memref<32x1024xf32, #tpu.memory_space<hbm>>
    tpu.enqueue_dma source(%arg12 : memref<32x1024xf32, #tpu.memory_space<vmem>>) target(%dma_start3A_886 : memref<32x1024xf32, #tpu.memory_space<hbm>>) target_semaphore(%arg19 : memref<!tpu.dma_semaphore, #tpu.memory_space<semaphore_mem>>)
    %dma_wait3A_887 = arith.constant 0 : i32
    %dma_wait3A_888 = arith.constant 0 : i32
    %dma_wait3A_889 = tpu.memref_slice %arg10[%dma_wait3A_887, %dma_wait3A_888] : memref<32x1024xf32, #tpu.memory_space<vmem>> -> memref<16x1024xf32, #tpu.memory_space<vmem>>
    %dma_wait3A_890 = arith.constant 0 : i32
    %dma_wait3A_891 = arith.constant 0 : i32
    %dma_wait3A_892 = tpu.memref_slice %arg2[%dma_wait3A_890, %dma_wait3A_891] : memref<16384x1024xf32, #tpu.memory_space<hbm>> -> memref<16384x1024xf32, #tpu.memory_space<hbm>>
    tpu.wait_indirect_dma semaphore(%arg14 : memref<!tpu.dma_semaphore, #tpu.memory_space<semaphore_mem>>) src(%dma_wait3A_892 : memref<16384x1024xf32, #tpu.memory_space<hbm>>) dst(%dma_wait3A_889 : memref<16x1024xf32, #tpu.memory_space<vmem>>)
    %dma_wait3A_893 = arith.constant 16 : i32
    %dma_wait3A_894 = arith.constant 0 : i32
    %dma_wait3A_895 = tpu.memref_slice %arg10[%dma_wait3A_893, %dma_wait3A_894] : memref<32x1024xf32, #tpu.memory_space<vmem>> -> memref<16x1024xf32, #tpu.memory_space<vmem>>
    %dma_wait3A_896 = arith.constant 0 : i32
    %dma_wait3A_897 = arith.constant 0 : i32
    %dma_wait3A_898 = tpu.memref_slice %arg2[%dma_wait3A_896, %dma_wait3A_897] : memref<16384x1024xf32, #tpu.memory_space<hbm>> -> memref<16384x1024xf32, #tpu.memory_space<hbm>>
    tpu.wait_indirect_dma semaphore(%arg14 : memref<!tpu.dma_semaphore, #tpu.memory_space<semaphore_mem>>) src(%dma_wait3A_898 : memref<16384x1024xf32, #tpu.memory_space<hbm>>) dst(%dma_wait3A_895 : memref<16x1024xf32, #tpu.memory_space<vmem>>)
    %add3A_899 = arith.constant 480 : i32
    %add3A_900 = arith.addi %mul3A_4, %add3A_899 : i32
    %dma_start3A_901 = arith.constant 0 : i32
    %dma_start3A_902 = tpu.memref_slice %arg4[%add3A_900, %dma_start3A_901] : memref<16384x1024xf32, #tpu.memory_space<hbm>> -> memref<32x1024xf32, #tpu.memory_space<hbm>>
    %dma_start3A_903 = arith.constant 0 : i32
    %dma_start3A_904 = tpu.memref_slice %arg4[%add3A_900, %dma_start3A_903] : memref<16384x1024xf32, #tpu.memory_space<hbm>> -> memref<32x1024xf32, #tpu.memory_space<hbm>>
    tpu.enqueue_dma source(%arg10 : memref<32x1024xf32, #tpu.memory_space<vmem>>) target(%dma_start3A_904 : memref<32x1024xf32, #tpu.memory_space<hbm>>) target_semaphore(%arg17 : memref<!tpu.dma_semaphore, #tpu.memory_space<semaphore_mem>>)
    %dma_wait3A_905 = arith.constant 0 : i32
    %dma_wait3A_906 = tpu.memref_slice %arg4[%add3A_826, %dma_wait3A_905] : memref<16384x1024xf32, #tpu.memory_space<hbm>> -> memref<32x1024xf32, #tpu.memory_space<hbm>>
    %dma_wait3A_907 = arith.constant 0 : i32
    %dma_wait3A_908 = tpu.memref_slice %arg4[%add3A_826, %dma_wait3A_907] : memref<16384x1024xf32, #tpu.memory_space<hbm>> -> memref<32x1024xf32, #tpu.memory_space<hbm>>
    tpu.wait_dma2 semaphore(%arg18 : memref<!tpu.dma_semaphore, #tpu.memory_space<semaphore_mem>>) src(%arg11 : memref<32x1024xf32, #tpu.memory_space<vmem>>) dst(%dma_wait3A_908 : memref<32x1024xf32, #tpu.memory_space<hbm>>)
    %dma_wait3A_909 = arith.constant 0 : i32
    %dma_wait3A_910 = tpu.memref_slice %arg4[%add3A_882, %dma_wait3A_909] : memref<16384x1024xf32, #tpu.memory_space<hbm>> -> memref<32x1024xf32, #tpu.memory_space<hbm>>
    %dma_wait3A_911 = arith.constant 0 : i32
    %dma_wait3A_912 = tpu.memref_slice %arg4[%add3A_882, %dma_wait3A_911] : memref<16384x1024xf32, #tpu.memory_space<hbm>> -> memref<32x1024xf32, #tpu.memory_space<hbm>>
    tpu.wait_dma2 semaphore(%arg19 : memref<!tpu.dma_semaphore, #tpu.memory_space<semaphore_mem>>) src(%arg12 : memref<32x1024xf32, #tpu.memory_space<vmem>>) dst(%dma_wait3A_912 : memref<32x1024xf32, #tpu.memory_space<hbm>>)
    %dma_wait3A_913 = arith.constant 0 : i32
    %dma_wait3A_914 = tpu.memref_slice %arg4[%add3A_900, %dma_wait3A_913] : memref<16384x1024xf32, #tpu.memory_space<hbm>> -> memref<32x1024xf32, #tpu.memory_space<hbm>>
    %dma_wait3A_915 = arith.constant 0 : i32
    %dma_wait3A_916 = tpu.memref_slice %arg4[%add3A_900, %dma_wait3A_915] : memref<16384x1024xf32, #tpu.memory_space<hbm>> -> memref<32x1024xf32, #tpu.memory_space<hbm>>
    tpu.wait_dma2 semaphore(%arg17 : memref<!tpu.dma_semaphore, #tpu.memory_space<semaphore_mem>>) src(%arg10 : memref<32x1024xf32, #tpu.memory_space<vmem>>) dst(%dma_wait3A_916 : memref<32x1024xf32, #tpu.memory_space<hbm>>)
    %add3A_917 = arith.constant 0 : i32
    %add3A_918 = arith.addi %add3A_917, %squeeze3A : i32
    %add3A_919 = arith.addi %add3A_918, %squeeze3A_47 : i32
    %add3A_920 = arith.addi %add3A_919, %squeeze3A_64 : i32
    %add3A_921 = arith.addi %add3A_920, %squeeze3A_81 : i32
    %add3A_922 = arith.addi %add3A_921, %squeeze3A_115 : i32
    %add3A_923 = arith.addi %add3A_922, %squeeze3A_132 : i32
    %add3A_924 = arith.addi %add3A_923, %squeeze3A_171 : i32
    %add3A_925 = arith.addi %add3A_924, %squeeze3A_188 : i32
    %add3A_926 = arith.addi %add3A_925, %squeeze3A_227 : i32
    %add3A_927 = arith.addi %add3A_926, %squeeze3A_244 : i32
    %add3A_928 = arith.addi %add3A_927, %squeeze3A_283 : i32
    %add3A_929 = arith.addi %add3A_928, %squeeze3A_300 : i32
    %add3A_930 = arith.addi %add3A_929, %squeeze3A_339 : i32
    %add3A_931 = arith.addi %add3A_930, %squeeze3A_356 : i32
    %add3A_932 = arith.addi %add3A_931, %squeeze3A_395 : i32
    %add3A_933 = arith.addi %add3A_932, %squeeze3A_412 : i32
    %add3A_934 = arith.addi %add3A_933, %squeeze3A_451 : i32
    %add3A_935 = arith.addi %add3A_934, %squeeze3A_468 : i32
    %add3A_936 = arith.addi %add3A_935, %squeeze3A_507 : i32
    %add3A_937 = arith.addi %add3A_936, %squeeze3A_524 : i32
    %add3A_938 = arith.addi %add3A_937, %squeeze3A_563 : i32
    %add3A_939 = arith.addi %add3A_938, %squeeze3A_580 : i32
    %add3A_940 = arith.addi %add3A_939, %squeeze3A_619 : i32
    %add3A_941 = arith.addi %add3A_940, %squeeze3A_636 : i32
    %add3A_942 = arith.addi %add3A_941, %squeeze3A_675 : i32
    %add3A_943 = arith.addi %add3A_942, %squeeze3A_692 : i32
    %add3A_944 = arith.addi %add3A_943, %squeeze3A_731 : i32
    %add3A_945 = arith.addi %add3A_944, %squeeze3A_748 : i32
    %add3A_946 = arith.addi %add3A_945, %squeeze3A_787 : i32
    %add3A_947 = arith.addi %add3A_946, %squeeze3A_804 : i32
    %add3A_948 = arith.addi %add3A_947, %squeeze3A_843 : i32
    %add3A_949 = arith.addi %add3A_948, %squeeze3A_860 : i32
    %gt3A_950 = arith.constant 0 : i32
    %gt3A_951 = arith.cmpi sgt, %add3A_949, %gt3A_950 : i32
    %convert_element_type3A_952 = arith.extui %gt3A_951 : i1 to i32
    %cond3A_953 = arith.constant 0 : i32
    %cond3A_954 = arith.cmpi ne, %convert_element_type3A_952, %cond3A_953 : i32
    scf.if %cond3A_954 {
      %scan3A = arith.constant 0 : i32
      %scan3A_955 = arith.constant 0 : i32
      %scan3A_956 = arith.constant 64 : i32
      %scan3A_957 = arith.addi %scan3A_955, %scan3A_956 : i32
      %scan3A_958 = arith.constant 1 : i32
      %scan3A_959 = scf.for %scan3A_974 = %scan3A_955 to %scan3A_957 step %scan3A_958 iter_args(%scan3A_975 = %scan3A) -> (i32)  : i32 {
        %broadcast_in_dim3A = arith.constant 0.000000e+00 : f32
        %broadcast_in_dim3A_976 = vector.broadcast %broadcast_in_dim3A : f32 to vector<16xf32>
        %mul3A_977 = arith.constant 16 : i32
        %mul3A_978 = arith.muli %scan3A_974, %mul3A_977 : i32
        %swap3A = arith.index_cast %mul3A_978 : i32 to index
        %swap3A_979 = tpu.vector_load %arg13[%swap3A] {strides = array<i32>} : memref<1024xf32, #tpu.memory_space<vmem>>, vector<16xf32>,
        tpu.vector_store %arg13[%swap3A], %broadcast_in_dim3A_976 {strides = array<i32>} : memref<1024xf32, #tpu.memory_space<vmem>>, vector<16xf32>,
        %scan3A_980 = arith.constant 0 : i32
        scf.yield %scan3A_980 : i32
      }
      %scan3A_960 = arith.constant 64 : i32
      %sub3A_961 = arith.constant 512 : i32
      %sub3A_962 = arith.subi %sub3A_961, %add3A_949 : i32
      %while3A = arith.constant 512 : i32
      %while3A_963 = arith.constant 0 : i32
      %while3A_964 = arith.subi %while3A, %sub3A_962 : i32
      %while3A_965 = arith.addi %sub3A_962, %while3A_964 : i32
      %while3A_966 = arith.constant 1 : i32
      %while3A_967 = arith.divsi %while3A_964, %while3A_966 : i32
      %while3A_968 = arith.muli %while3A_967, %while3A_966 : i32
      %while3A_969 = arith.addi %sub3A_962, %while3A_968 : i32
      %while3A_970 = arith.constant 1 : i32
      %while3A_971 = scf.for %while3A_974 = %sub3A_962 to %while3A_969 step %while3A_970 iter_args(%while3A_975 = %while3A_963) -> (i32)  : i32 {
        %add3A_976 = arith.addi %mul3A_4, %while3A_974 : i32
        "tpu.region"() ({
          %run_scoped3A = tpu.sem_alloc : memref<!tpu.dma_semaphore, #tpu.memory_space<semaphore_mem>>
          %dma_start3A_978 = arith.constant 0 : i32
          %dma_start3A_979 = tpu.memref_slice %arg4[%add3A_976, %dma_start3A_978] : memref<16384x1024xf32, #tpu.memory_space<hbm>> -> memref<1x1024xf32, #tpu.memory_space<hbm>>
          %dma_start3A_980 = tpu.memref_squeeze %dma_start3A_979 : memref<1x1024xf32, #tpu.memory_space<hbm>> -> memref<1024xf32, #tpu.memory_space<hbm>>
          %dma_start3A_981 = arith.constant 0 : i32
          %dma_start3A_982 = tpu.memref_slice %arg4[%add3A_976, %dma_start3A_981] : memref<16384x1024xf32, #tpu.memory_space<hbm>> -> memref<1x1024xf32, #tpu.memory_space<hbm>>
          %dma_start3A_983 = tpu.memref_squeeze %dma_start3A_982 : memref<1x1024xf32, #tpu.memory_space<hbm>> -> memref<1024xf32, #tpu.memory_space<hbm>>
          tpu.enqueue_dma source(%arg13 : memref<1024xf32, #tpu.memory_space<vmem>>) target(%dma_start3A_983 : memref<1024xf32, #tpu.memory_space<hbm>>) target_semaphore(%run_scoped3A : memref<!tpu.dma_semaphore, #tpu.memory_space<semaphore_mem>>)
          %dma_wait3A_984 = arith.constant 0 : i32
          %dma_wait3A_985 = tpu.memref_slice %arg4[%add3A_976, %dma_wait3A_984] : memref<16384x1024xf32, #tpu.memory_space<hbm>> -> memref<1x1024xf32, #tpu.memory_space<hbm>>
          %dma_wait3A_986 = tpu.memref_squeeze %dma_wait3A_985 : memref<1x1024xf32, #tpu.memory_space<hbm>> -> memref<1024xf32, #tpu.memory_space<hbm>>
          %dma_wait3A_987 = arith.constant 0 : i32
          %dma_wait3A_988 = tpu.memref_slice %arg4[%add3A_976, %dma_wait3A_987] : memref<16384x1024xf32, #tpu.memory_space<hbm>> -> memref<1x1024xf32, #tpu.memory_space<hbm>>
          %dma_wait3A_989 = tpu.memref_squeeze %dma_wait3A_988 : memref<1x1024xf32, #tpu.memory_space<hbm>> -> memref<1024xf32, #tpu.memory_space<hbm>>
          tpu.wait_dma2 semaphore(%run_scoped3A : memref<!tpu.dma_semaphore, #tpu.memory_space<semaphore_mem>>) src(%arg13 : memref<1024xf32, #tpu.memory_space<vmem>>) dst(%dma_wait3A_989 : memref<1024xf32, #tpu.memory_space<hbm>>)
          tpu.yield
        }) : () -> ()
        %while3A_977 = arith.constant 0 : i32
        scf.yield %while3A_977 : i32
      }
      %while3A_972 = arith.constant 1 : i32
      %while3A_973 = scf.for %while3A_974 = %while3A_969 to %while3A_965 step %while3A_972 iter_args(%while3A_975 = %while3A_971) -> (i32)  : i32 {
        %add3A_976 = arith.addi %mul3A_4, %while3A_974 : i32
        "tpu.region"() ({
          %run_scoped3A = tpu.sem_alloc : memref<!tpu.dma_semaphore, #tpu.memory_space<semaphore_mem>>
          %dma_start3A_978 = arith.constant 0 : i32
          %dma_start3A_979 = tpu.memref_slice %arg4[%add3A_976, %dma_start3A_978] : memref<16384x1024xf32, #tpu.memory_space<hbm>> -> memref<1x1024xf32, #tpu.memory_space<hbm>>
          %dma_start3A_980 = tpu.memref_squeeze %dma_start3A_979 : memref<1x1024xf32, #tpu.memory_space<hbm>> -> memref<1024xf32, #tpu.memory_space<hbm>>
          %dma_start3A_981 = arith.constant 0 : i32
          %dma_start3A_982 = tpu.memref_slice %arg4[%add3A_976, %dma_start3A_981] : memref<16384x1024xf32, #tpu.memory_space<hbm>> -> memref<1x1024xf32, #tpu.memory_space<hbm>>
          %dma_start3A_983 = tpu.memref_squeeze %dma_start3A_982 : memref<1x1024xf32, #tpu.memory_space<hbm>> -> memref<1024xf32, #tpu.memory_space<hbm>>
          tpu.enqueue_dma source(%arg13 : memref<1024xf32, #tpu.memory_space<vmem>>) target(%dma_start3A_983 : memref<1024xf32, #tpu.memory_space<hbm>>) target_semaphore(%run_scoped3A : memref<!tpu.dma_semaphore, #tpu.memory_space<semaphore_mem>>)
          %dma_wait3A_984 = arith.constant 0 : i32
          %dma_wait3A_985 = tpu.memref_slice %arg4[%add3A_976, %dma_wait3A_984] : memref<16384x1024xf32, #tpu.memory_space<hbm>> -> memref<1x1024xf32, #tpu.memory_space<hbm>>
          %dma_wait3A_986 = tpu.memref_squeeze %dma_wait3A_985 : memref<1x1024xf32, #tpu.memory_space<hbm>> -> memref<1024xf32, #tpu.memory_space<hbm>>
          %dma_wait3A_987 = arith.constant 0 : i32
          %dma_wait3A_988 = tpu.memref_slice %arg4[%add3A_976, %dma_wait3A_987] : memref<16384x1024xf32, #tpu.memory_space<hbm>> -> memref<1x1024xf32, #tpu.memory_space<hbm>>
          %dma_wait3A_989 = tpu.memref_squeeze %dma_wait3A_988 : memref<1x1024xf32, #tpu.memory_space<hbm>> -> memref<1024xf32, #tpu.memory_space<hbm>>
          tpu.wait_dma2 semaphore(%run_scoped3A : memref<!tpu.dma_semaphore, #tpu.memory_space<semaphore_mem>>) src(%arg13 : memref<1024xf32, #tpu.memory_space<vmem>>) dst(%dma_wait3A_989 : memref<1024xf32, #tpu.memory_space<hbm>>)
          tpu.yield
        }) : () -> ()
        %while3A_977 = arith.constant 0 : i32
        scf.yield %while3A_977 : i32
      }
    } else {
    }
    return
  }
}

</mosaic_0001>

<sc_bundles>
// kernel: kernel.3.cloned.1.call-start
scs
__scs_entry_jumppad:
0x0: {  	(pc) =	sbr.rel $0x88, $3  }
0x1: {  	(tag) =	ssettag $0x0;
	lr =	simm.s32 $0x1  }
0x2: {  	[smem:$0x3F9F] =	sst lr;
	_ =	strace $0xD0000000  }
0x3: {  	_ = 	snop  }
0x4: {  	_ = 	snop  }
0x5: {  	_ = 	snop  }
0x6: {  	_ = 	snop  }
0x7: {  	_ = 	snop  }
__scs_overlays_trampoline_lowered:
0x8: {  	[smem:$0x3FAE] =	sst s0  }
0x9: {  	[smem:$0x3FAF] =	sst s1  }
0xa: {  	[smem:$0x3FB0] =	sst s2  }
0xb: {  	[smem:$0x3FB1] =	sst s3  }
0xc: {  	[smem:$0x3FB2] =	sst s4  }
0xd: {  	[smem:$0x3FB3] =	sst s5  }
0xe: {  	[smem:$0x3FB4] =	sst s6  }
0xf: {  	[smem:$0x3FB5] =	sst s7  }
0x10: {  	[smem:$0x3FB6] =	sst s8  }
0x11: {  	[smem:$0x3FB7] =	sst s9;
	s0 =	simm.s32 @!p0 $0x0  }
0x12: {  	s1 =	sld [smem:$0x3F9D];
	s0 =	simm.s32 @p0 $0x1  }
0x13: {  	[smem:$0x3FB8] =	sst s0;
	s0 =	simm.s32 @!p1 $0x0  }
0x14: {  	s2 =	sld [smem:$0x3F9C];
	s0 =	simm.s32 @p1 $0x1  }
0x15: {  	[smem:$0x3FB9] =	sst s0;
	s0 =	simm.s32 @!p2 $0x0  }
0x16: {  	s3 =	sld [smem:$0x3FDB];
	s0 =	simm.s32 @p2 $0x1  }
0x17: {  	s4 =	simm.s32 $0x1BF5;
	[smem:$0x3FBB] =	sst s0  }
0x18: {  	s0 =	sld [smem:$0x3F9E];
	_ =	swait.ge [sflag:s4], $0x0  }
0x19: {  	s7 =	sld [smem:$0x3F9F]  }
0x1a: {  	s8 =	sadd.s32 $0xFFFFE003, lr  }
0x1b: {  	s9 =	sadd.s32 $0xFFFFFEF7, lr;
	s5 =	simm.s32 $0xFFFFFFFF;
	p2 =	slt.u32 s8, $0xFFFFF086  }
0x1c: {  	p1 =	slt.u32 s9, $0xF7A;
	s5 =	simm.s32 @!p2 $0x0  }
0x1d: {  	s5 =	simm.s32 @p1 $0x1;
	p0 =	seq.s32 s7, s2  }
0x1e: {  	s7 =	smul.u32 @!p0 $0xF7A, s2;
	p2 =	seq.s32 @!p0 s5, $0x0  }
0x1f: {  	s9 =	smul.u32 $0xF7A, s1;
	s8 =	simm.s32 @!p0 $0x1BF5;
	p2 =	por !p2, p0  }
0x20: {  	[sflag:s8] =	ssyncset.s32 @!p0 $0xFFFFF086;
	s6 =	sadd.s32 @!p0 s3, s7;
	s7 =	simm.s32 @!p0 $0x108  }
0x21: {  	s3 =	sadd.s32 s3, s9;
	s6 =	sadd.s32 @!p0 $0x88, s6;
	s7 =	simm.s32 @p2 $0x1082  }
0x22: {  	[simem:s7], [sflag:s8] =	dma.local @!p0 [hbm:s6], $0xF7A  }
0x23: {  	s9 =	sor.u32 $0xD0000000, s2;
	s6 =	simm.s32 $0x108;
	_ =	swait.ge @!p0 [sflag:s8], $0x0  }
0x24: {  	s3 =	sadd.s32 $0x88, s3;
	s6 =	simm.s32 @!p1 $0x1082;
	[sflag:s4] =	ssyncset.s32 $0xFFFFF086  }
0x25: {  	[simem:s6], [sflag:s4] =	dma.local [hbm:s3], $0xF7A  }
0x26: {  	[smem:$0x3F9F] =	sst s1;
	(tag) =	ssettag s2;
	_ =	strace s9  }
0x27: {  	s1 =	sld [smem:$0x3FAF]  }
0x28: {  	s2 =	sld [smem:$0x3FB0]  }
0x29: {  	s4 =	sld [smem:$0x3FB2]  }
0x2a: {  	p0 =	seq.s32 s5, $0x0;
	s5 =	sld [smem:$0x3FB3]  }
0x2b: {  	s6 =	sld [smem:$0x3FB4]  }
0x2c: {  	s7 =	sld [smem:$0x3FB5]  }
0x2d: {  	s3 =	simm.s32 $0x108;
	s8 =	sld [smem:$0x3FB6]  }
0x2e: {  	s3 =	simm.s32 @!p0 $0x1082;
	s9 =	sld [smem:$0x3FB7]  }
0x2f: {  	lr =	sadd.s32 s0, s3;
	s0 =	sld [smem:$0x3FAE]  }
0x30: {  	s3 =	sld [smem:$0x3FB1]  }
0x31: {  	[smem:$0x3FBA] =	sst s10  }
0x32: {  	s10 =	sld [smem:$0x3FB8];
	_ =	sdelay $0x3  }
0x33: {  	p0 =	seq.s32 s10, $0x1;
	s10 =	sld [smem:$0x3FBA];
	_ =	sdelay $0x3  }
0x34: {  	[smem:$0x3FBA] =	sst s10  }
0x35: {  	s10 =	sld [smem:$0x3FB9];
	_ =	sdelay $0x3  }
0x36: {  	p1 =	seq.s32 s10, $0x1;
	s10 =	sld [smem:$0x3FBA];
	_ =	sdelay $0x3  }
0x37: {  	[smem:$0x3FBA] =	sst s10  }
0x38: {  	s10 =	sld [smem:$0x3FBB]  }
0x39: {  	_ = 	snop;
	(pc) =	sbr.ind lr, $3  }
0x3a: {  	_ = 	snop  }
0x3b: {  	_ = 	snop  }
0x3c: {  	p2 =	seq.s32 s10, $0x1;
	s10 =	sld [smem:$0x3FBA]  }
0x3d: {  	_ =	shalt  }
0x3e: {  	_ =	shalt  }
0x3f: {  	_ =	shalt  }
0x40: {  	_ =	shalt  }
0x41: {  	_ =	shalt  }
0x42: {  	_ =	shalt  }
0x43: {  	_ =	shalt  }
0x44: {  	_ =	shalt  }
0x45: {  	_ =	shalt  }
0x46: {  	_ =	shalt  }
0x47: {  	_ =	shalt  }
0x48: {  	_ =	shalt  }
0x49: {  	_ =	shalt  }
0x4a: {  	_ =	shalt  }
0x4b: {  	_ =	shalt  }
0x4c: {  	_ =	shalt  }
0x4d: {  	_ =	shalt  }
0x4e: {  	_ =	shalt  }
0x4f: {  	_ =	shalt  }
0x50: {  	_ =	shalt  }
0x51: {  	_ =	shalt  }
0x52: {  	_ =	shalt  }
0x53: {  	_ =	shalt  }
0x54: {  	_ =	shalt  }
0x55: {  	_ =	shalt  }
0x56: {  	_ =	shalt  }
0x57: {  	_ =	shalt  }
0x58: {  	_ =	shalt  }
0x59: {  	_ =	shalt  }
0x5a: {  	_ =	shalt  }
0x5b: {  	_ =	shalt  }
0x5c: {  	_ =	shalt  }
0x5d: {  	_ =	shalt  }
0x5e: {  	_ =	shalt  }
0x5f: {  	_ =	shalt  }
0x60: {  	_ =	shalt  }
0x61: {  	_ =	shalt  }
0x62: {  	_ =	shalt  }
0x63: {  	_ =	shalt  }
0x64: {  	_ =	shalt  }
0x65: {  	_ =	shalt  }
0x66: {  	_ =	shalt  }
0x67: {  	_ =	shalt  }
0x68: {  	_ =	shalt  }
0x69: {  	_ =	shalt  }
0x6a: {  	_ =	shalt  }
0x6b: {  	_ =	shalt  }
0x6c: {  	_ =	shalt  }
0x6d: {  	_ =	shalt  }
0x6e: {  	_ =	shalt  }
0x6f: {  	_ =	shalt  }
0x70: {  	_ =	shalt  }
0x71: {  	_ =	shalt  }
0x72: {  	_ =	shalt  }
0x73: {  	_ =	shalt  }
0x74: {  	_ =	shalt  }
0x75: {  	_ =	shalt  }
0x76: {  	_ =	shalt  }
0x77: {  	_ =	shalt  }
0x78: {  	_ =	shalt  }
0x79: {  	_ =	shalt  }
0x7a: {  	_ =	shalt  }
0x7b: {  	_ =	shalt  }
0x7c: {  	_ =	shalt  }
0x7d: {  	_ =	shalt  }
0x7e: {  	_ =	shalt  }
0x7f: {  	_ =	shalt  }
0x80: {  	_ =	shalt  }
0x81: {  	_ =	shalt  }
0x82: {  	_ =	shalt  }
0x83: {  	_ =	shalt  }
0x84: {  	_ =	shalt  }
0x85: {  	_ =	shalt  }
0x86: {  	_ =	shalt  }
0x87: {  	_ =	shalt  }
.Lfunc_end0:
.L_simem_size_0:
called_computation_lowered:
.L_overlay_start_0:
0x88: {  	s2 =	sld [smem:$0x3FD9]  }
0x89: {  	s3 =	sld [smem:$0x3FFE];
	_ =	sdelay $0x1  }
0x8a: {  	s1 =	srdreg.scid  }
0x8b: {  	s0 =	sand.u32 $0x1, s1  }
0x8c: {  	s17 =	sshll.u32 s0, $0xA;
	s2 =	sadd.s32 s3, s2  }
0x8d: {  	s2 =	sadd.s32 s2, s17  }
0x8e: {  	[smem:$0x3FC6] =	sst s2  }
0x8f: {  	_ = 	snop  }
0x90: {  	s2 =	sld [smem:$0x3FC9]  }
0x91: {  	s18 =	sld [smem:$0x3FC8]  }
0x92: {  	s4 =	sld [smem:$0x3FD0];
	(tm) =	ssettm $0x1  }
0x93: {  	s5 =	sld [smem:$0x3FFB];
	_ =	sdelay $0x3  }
0x94: {  	_ =	strace s5  }
0x95: {  	s5 =	sld [smem:$0x3FFC];
	_ =	sdelay $0x3  }
0x96: {  	_ =	strace s5  }
0x97: {  	s5 =	sld [smem:$0x3FFD];
	_ =	sdelay $0x3  }
0x98: {  	_ =	strace s5  }
0x99: {  	_ =	strace $0x8FFFFFFF  }
0x9a: {  	s19 =	sld [smem:$0x3FDB];
	_ =	sdelay $0x1  }
0x9b: {  	s6 =	simm.s32 $_scs_section_size  }
0x9c: {  	s7 =	simm.s32 $_size__tile_overlayer_lowered;
	s8 =	simm.s32 $_tile_overlayer_lowered  }
0x9d: {  	s22 =	simm.s32 $0x1BFF;
	s21 =	sshll.u32 s8, $0x1;
	s5 =	sadd.s32 s6, s19  }
0x9e: {  	s9 =	simm.s32 $0x0;
	s20 =	sshll.u32 s7, $0x1;
	s7 =	sadd.s32 s21, s5  }
0x9f: {  	[timem:s9], [sflag:s22] =	dma.local [hbm:s7], s20  }
0xa0: {  	_ =	swait.ge [sflag:s22], s20  }
0xa1: {  	s6 =	ssub.s32 $0x0, s20;
	[sflag:s22] =	ssyncset.done $0x0  }
0xa2: {  	[sflag:s22] =	ssyncadd.s32 s6;
	_ =	sdelay $0x1  }
0xa3: {  	s23 =	simm.s32 $0x1B8B  }
0xa4: {  	_ =	swait.ge [sflag:s23], $0x1  }
0xa5: {  	[sflag:s23] =	ssyncset.done $0x0  }
0xa6: {  	s25 =	simm.s32 $0x1B8E;
	s24 =	sld [smem:$0x3FFE];
	[sflag:s23] =	ssyncadd.s32 $0xFFFFFFFF  }
0xa7: {  	s26 =	simm.s32 $execute0_lowered;
	[smem:$0x3FD2] =	sst s25  }
0xa8: {  	s7 =	sshll.u32 s26, $0x1;
	_ =	strace $0x80000046;
	[dreg:$0x1] =	wrdreg $0xFFFFFFFF  }
0xa9: {  	s28 =	simm.s32 $_size_execute0_lowered;
	s5 =	sadd.s32 s5, s7;
	[dreg:$0x0] =	wrdreg $0x0  }
0xaa: {  	s7 =	sshll.u32 s28, $0x1;
	[dreg:$0x2] =	wrdreg s5  }
0xab: {  	[dreg:$0x3] =	wrdreg s7  }
0xac: {  	[dreg:$0x4] =	wrdreg $0xC0  }
0xad: {  	_ =	task [dreg:s9], $0x5FFFF  }
0xae: {  	[dreg:$0x1] =	wrdreg $0xFFFFFFFF  }
0xaf: {  	[dreg:$0x0] =	wrdreg $0x60  }
0xb0: {  	[dreg:$0x2] =	wrdreg s2  }
0xb1: {  	[dreg:$0x3] =	wrdreg s18  }
0xb2: {  	[dreg:$0x4] =	wrdreg s4  }
0xb3: {  	[dreg:$0x5] =	wrdreg s24  }
0xb4: {  	[dreg:$0x6] =	wrdreg $0x9  }
0xb5: {  	_ =	task.clear_ibuf [dreg:s9], $0x7FFFF;
	_ =	strace $0x90000046  }
0xb6: {  	s29 =	simm.s32 $0x9;
	_ =	strace $0x80000048  }
0xb7: {  	_ =	swait.ge [sflag:s29], $0x1  }
0xb8: {  	[sflag:s29] =	ssyncadd.s32 $0xFFFFFFFF  }
0xb9: {  	_ =	strace $0x90000048  }
0xba: {  	_ =	sfence  }
0xbb: {  	s30 =	sld [smem:$0x0];
	_ =	sdelay $0x2  }
0xbc: {  	s31 =	sshll.u32 s1, $0xD;
	s1 =	sshrl.u32 s1, $0x2  }
0xbd: {  	s3 =	sand.u32 $0x4000, s31;
	s1 =	sadd.s32 s1, s30  }
0xbe: {  	s0 =	sor.u32 s3, s0;
	s1 =	sshll.u32 s1, $0x11  }
0xbf: {  	s0 =	sor.u32 s1, s0  }
0xc0: {  	s0 =	sadd.s32 $0x8F2B, s0  }
0xc1: {  	[sflag:s0] =	ssyncadd.remote.s32 $0x1  }
0xc2: {  	_ =	sfence.sel $0xFFFF  }
0xc3: {  	[dreg:$0x0] =	wrdreg $0xFFFFFFFF;
	(pc) =	sbr.abs _section_cstart, $3  }
0xc4: {  	[dreg:$0x1] =	wrdreg $0xFFFFFFFF  }
0xc5: {  	_ =	task.clear_ibuf [dreg:s9], $0x2FFFF;
	_ =	strace $0x9FFFFFFF  }
0xc6: {  	(tm) =	ssettm $0x7FFFFFFF  }
0xc7: {  	_ =	shalt  }
tec
execute0_lowered:
.L_overlay_start_1:
0x0: {  	(tag) =	ssettag $0x1  }
0x1: {  	s1 =	rddreg [dreg:$0x0]  }
0x2: {  	s0 =	rddreg [dreg:$0x1]  }
0x3: {  	s2 =	rddreg [dreg:$0x2]  }
0x4: {  	s3 =	rddreg [dreg:$0x3]  }
0x5: {  	s5 =	simm.s32 $0x0;
	s4 =	srdreg.scid;
	s13 =	stileid.u32  }
0x6: {  	s31 =	simm.s32 $0x80;
	s28 =	simm.s32 $0x2;
	s30 =	simm.s32 $0x3  }
0x7: {  	[smem:$0x7FF] =	sst s5;
	s4 =	sand.u32 $0x1, s4;
	s3 =	sadd.s32 $0x800, s3  }
0x8: {  	s9 =	sand.u32 $0x3, s13;
	s11 =	sadd.s32 $0x200, s1;
	_ =	strace $0x80000047  }
0x9: {  	s20 =	ssub.s32 $0x2, s4;
	s7 =	sshll.u32 s4, $0x4;
	s21 =	sshll.u32 s4, $0x2  }
0xa: {  	s6 =	sshrl.u32 s20, $0x1;
	s8 =	sor.u32 s13, s7;
	s7 =	sadd.s32 s13, s21  }
0xb: {  	p0 =	seq.s32 s8, $0x0;
	s10 =	ssub.s32 s20, s6;
	s22 =	sshll.u32 s7, $0x4  }
0xc: {  	s5 =	sshll.u32 s7, $0xB;
	s23 =	sshrl.u32 s8, $0x2;
	s0 =	sadd.s32 s0, s22  }
0xd: {  	s24 =	sshll.u32 s8, $0x9;
	s7 =	sadd.s32 s3, s5;
	[dreg:$0x5] =	wrdreg s0  }
0xe: {  	s8 =	sshll.u32 s8, $0x10;
	s21 =	smax.u32 s10, $0x1;
	[dreg:$0x6] =	wrdreg s7  }
0xf: {  	s12 =	sadd.s32 $0x300, s1;
	s8 =	sadd.s32 s2, s8;
	[dreg:$0x12] =	wrdreg s21  }
0x10: {  	s19 =	sshll.u32 s13, $0x13;
	s25 =	sadd.s32 $0x1000, s8;
	[dreg:$0x8] =	wrdreg s8  }
0x11: {  	p1 =	sne.s32 s9, $0x0;
	s26 =	sadd.s32 $0x2000, s8;
	[dreg:$0x9] =	wrdreg s25  }
0x12: {  	s9 =	sadd.s32 $0x100, s1;
	s29 =	sadd.s32 $0x3000, s8;
	[dreg:$0xa] =	wrdreg s26  }
0x13: {  	s18 =	sshll.u32 s4, $0x17;
	s14 =	sadd.s32 $0x5000, s8;
	[dreg:$0xb] =	wrdreg s29  }
0x14: {  	s4 =	simm.s32 $0x7;
	s15 =	sadd.s32 $0x6000, s8;
	[dreg:$0xd] =	wrdreg s14  }
0x15: {  	p0 =	por !p1, !p0;
	s16 =	sadd.s32 $0x7000, s8;
	[dreg:$0xe] =	wrdreg s15  }
0x16: {  	p0 =	por !p0, !p0;
	s17 =	sadd.s32 $0x8000, s8;
	[dreg:$0xf] =	wrdreg s16  }
0x17: {  	s0 =	simm.s32 $0x1;
	s20 =	sadd.s32 $0x9000, s8;
	[dreg:$0x10] =	wrdreg s17  }
0x18: {  	s7 =	simm.s32 $0x1;
	s22 =	sadd.s32 $0xA000, s8;
	[dreg:$0x11] =	wrdreg s20  }
0x19: {  	s0 =	simm.s32 @!p0 $0x0;
	[dreg:$0x14] =	wrdreg s22;
	s25 =	sadd.s32 $0xD000, s8  }
0x1a: {  	p0 =	sgt.u32 s13, $0x3;
	s26 =	sadd.s32 $0xE000, s8;
	[dreg:$0x17] =	wrdreg s25  }
0x1b: {  	s29 =	sadd.s32 $0xF000, s8;
	s16 =	simm.s32 $0x4;
	[dreg:$0x18] =	wrdreg s26  }
0x1c: {  	s0 =	ssub.s32 s23, s0;
	s23 =	sadd.s32 $0xB000, s8;
	[dreg:$0x19] =	wrdreg s29  }
0x1d: {  	s6 =	sshllo.u32 s0, $0xB;
	s0 =	sadd.s32 s3, s24;
	[dreg:$0x15] =	wrdreg s23  }
.Ltmp0:
0x1e: {  	s3 =	sadd.s32 $0x4000, s8;
	[dreg:$0x7] =	wrdreg s0;
	(pc) =	sbr.rel .LBB2_1-.Ltmp0, $4  }
0x1f: {  	v6 =	vlaneseq.u32;
	v2 =	vimm.s32 $0x0;
	s24 =	sadd.s32 $0xC000, s8;
	s8 =	simm.s32 $0x1E000;
	[dreg:$0xc] =	wrdreg s3  }
0x20: {  	v3 =	vimm.s32 $0x1;
	vm0 =	vmmov $0xffff;
	v7 =	vimm.f32 $0.0e+00;
	s23 =	simm.s32 $0x16000;
	s0 =	sor.u32 s19, s18;
	[dreg:$0x16] =	wrdreg s24  }
0x21: {  	v5 =	vshrl.u32 v6, $0x3;
	v4 =	vand.u32 $0x7, v6;
	s3 =	simm.s32 $0x800;
	v1 =	vmov s6;
	s6 =	simm.s32 $0x0;
	s0 =	sadd.s32 $0x80000, s0  }
0x22: {  	v6 =	vor.u32 $0x8, v6;
	v5 =	vmul.u32 $0x8, v5;
	v0 =	vmov s5;
	s24 =	simm.s32 $0xE000;
	[dreg:$0x13] =	wrdreg s0;
	s0 =	simm.s32 $0x400  }
.LBB2_15:
0x23: {  	s5 =	sor.u32 s15, s14  }
0x24: {  	s5 =	sshrl.u32 s5, $0x3  }
0x25: {  	[sflag:s4] =	ssyncadd.s32 @p1 $0xFFFFFC00;
	s5 =	sadd.s32 s2, s5  }
0x26: {  	[hbm4b:s5+s31] =	stream.strided.scatter [tilespmem:s8], [sflag:$0x7], $0x400, s0, s31, $0x38;
	[tilespmem:$0x1E400] =	vst v63  }
0x27: {  	_ =	swait.ge [sflag:s4], $0x400  }
0x28: {  	[sflag:s4] =	ssyncset.done $0x0  }
0x29: {  	[sflag:s4] =	ssyncadd.s32 $0xFFFFFC00  }
.LBB2_16:
0x2a: {  	s6 =	sadd.s32 $0x1, s6;
	s5 =	rddreg [dreg:$0x12]  }
0x2b: {  	p1 =	sne.s32 s6, s5  }
.Ltmp1:
0x2c: {  	_ = 	snop;
	(pc) =	sbr.rel @!p1 .LBB2_17-.Ltmp1, $1  }
0x2d: {  	_ =	sdelay $0x3  }
.LBB2_1:
.Ltmp2:
0x2e: {  	(pc) =	sbr.rel @p0 .LBB2_9-.Ltmp2, $2  }
0x2f: {  	_ =	sdelay $0x2  }
0x30: {  	[dreg:$0x1a] =	wrdreg s6  }
0x31: {  	s5 =	simm.s32 $0x0;
	s10 =	rddreg [dreg:$0x5]  }
0x32: {  	[tilespmem:s5], [sflag:$0x7] =	stream.strided.gather [hbm4b:s10+s31], $0x800, s0, s31, $0x38;
	[tilespmem:$0x1E400] =	vst v63  }
0x33: {  	_ =	swait.ge [sflag:s4], $0x800  }
0x34: {  	[sflag:s4] =	ssyncset.done $0x0  }
0x35: {  	s13 =	simm.s32 $0x200;
	s10 =	simm.s32 $0x0;
	[sflag:s4] =	ssyncadd.s32 $0xFFFFF800  }
.LBB2_3:
0x36: {  	p1 =	sne.s32 s13, $0x1E00;
	[tilespmem:s10+$0x870] =	vst v2  }
0x37: {  	[tilespmem:s10+$0x800] =	vst v2  }
0x38: {  	[tilespmem:s10+$0x810] =	vst v2  }
.Ltmp3:
0x39: {  	[tilespmem:s10+$0x820] =	vst v2;
	(pc) =	sbr.rel @p1 .LBB2_3-.Ltmp3, $4  }
0x3a: {  	[tilespmem:s10+$0x830] =	vst v2  }
0x3b: {  	[tilespmem:s10+$0x840] =	vst v2  }
0x3c: {  	[tilespmem:s10+$0x850] =	vst v2  }
0x3d: {  	[tilespmem:s10+$0x860] =	vst v2;
	s10 =	sshra.s32 s13, $0x2;
	s13 =	sadd.s32 $0x200, s13  }
0x3e: {  	[tilespmem:s10+$0x870] =	vst v2  }
0x3f: {  	[tilespmem:s10+$0x800] =	vst v2  }
0x40: {  	[tilespmem:s10+$0x810] =	vst v2  }
0x41: {  	[tilespmem:s10+$0x820] =	vst v2  }
0x42: {  	[tilespmem:s10+$0x830] =	vst v2  }
0x43: {  	[tilespmem:s10+$0x840] =	vst v2  }
0x44: {  	[tilespmem:s10+$0x850] =	vst v2  }
0x45: {  	[tilespmem:s10+$0x860] =	vst v2;
	s29 =	simm.s32 $0x0  }
0x46: {  	v8 =	vld [tilespmem:s29+$0x0];
	_ =	sdelay $0x2  }
0x47: {  	v9 =	vld [tilespmem:s29+$0x10];
	_ =	sdelay $0x1  }
0x48: {  	v8 =	vadd.f32 $5.000000000e-01, v8  }
0x49: {  	v10 =	vld [tilespmem:s29+$0x20]  }
0x4a: {  	v8 =	vtrunc.f32 v8  }
0x4b: {  	v9 =	vadd.f32 $5.000000000e-01, v9;
	v8 =	vcvt.f32.s32 v8  }
0x4c: {  	v11 =	vld [tilespmem:s29+$0x30]  }
0x4d: {  	v9 =	vtrunc.f32 v9;
	(xrf0) =	vadd.scan.msk.s32 $0xffff, v8  }
0x4e: {  	v58 =	vadd.f32 $5.000000000e-01, v10;
	v8 =	vcvt.f32.s32 v9;
	_ =	sdelay $0x1  }
0x4f: {  	v9 =	vtrunc.f32 v58;
	(xrf0) =	vadd.scan.msk.s32 $0xffff, v8  }
0x50: {  	v59 =	vadd.f32 $5.000000000e-01, v11;
	v8 =	vcvt.f32.s32 v9;
	_ =	sdelay $0x1  }
0x51: {  	v9 =	vtrunc.f32 v59;
	v60, _, _ =	vpop (xrf0);
	(xrf0) =	vadd.scan.msk.s32 $0xffff, v8  }
0x52: {  	v8 =	vcvt.f32.s32 v9;
	v61 =	vadd.s32 s5, v60  }
0x53: {  	v10 =	vbroadcast v61, $0xF  }
0x54: {  	v62, _, _ =	vpop (xrf0);
	(xrf0) =	vadd.scan.msk.s32 $0xffff, v8  }
0x55: {  	v8 =	vadd.s32 v62, v10  }
0x56: {  	v10 =	vbroadcast v8, $0xF  }
0x57: {  	v63, _, _ =	vpop (xrf0)  }
0x58: {  	v10 =	vadd.s32 v63, v10  }
0x59: {  	vm1 =	vlt.u32 v61, $0x800;
	v11 =	vbroadcast v10, $0xF  }
0x5a: {  	vm2 =	vlt.u32 v8, $0x800;
	v12, _, _ =	vpop (xrf0)  }
0x5b: {  	vm3 =	vlt.u32 v10, $0x800;
	v11 =	vadd.s32 v12, v11  }
0x5c: {  	vm4 =	vlt.u32 v11, $0x800;
	(v2sf) =	vpush v11, $0xF;
	_ =	sdelay $0x2  }
0x5d: {  	[tilespmem:v61+s3+$0x0] =	vst.idx.add.s32.msk vm1, v3  }
0x5e: {  	[tilespmem:v8+s3+$0x0] =	vst.idx.add.s32.msk vm2, v3  }
0x5f: {  	[tilespmem:v10+s3+$0x0] =	vst.idx.add.s32.msk vm3, v3  }
0x60: {  	s10 =	simm.s32 $0x40;
	s5 =	simm.s32 $0x200;
	[tilespmem:v11+s3+$0x0] =	vst.idx.add.s32.msk vm4, v3  }
.LBB2_5:
0x61: {  	p1 =	sne.s32 s5, $0x1F00;
	v8 =	vld [tilespmem:s10+$0x0]  }
0x62: {  	v9 =	vld [tilespmem:s10+$0x30]  }
0x63: {  	v10 =	vld [tilespmem:s10+$0x20]  }
0x64: {  	v11 =	vld [tilespmem:s10+$0x10];
	_ =	sdelay $0x1  }
0x65: {  	v8 =	vadd.f32 $5.000000000e-01, v8;
	_ =	sdelay $0x1  }
0x66: {  	v8 =	vtrunc.f32 v8  }
0x67: {  	v8 =	vcvt.f32.s32 v8;
	v11 =	vadd.f32 $5.000000000e-01, v11;
	s10 =	spop (v2sf);
	_ =	sdelay $0x1  }
0x68: {  	v11 =	vtrunc.f32 v11;
	(xrf0) =	vadd.scan.msk.s32 $0xffff, v8  }
0x69: {  	v10 =	vadd.f32 $5.000000000e-01, v10;
	v8 =	vcvt.f32.s32 v11;
	_ =	sdelay $0x1  }
0x6a: {  	v10 =	vtrunc.f32 v10;
	(xrf0) =	vadd.scan.msk.s32 $0xffff, v8  }
0x6b: {  	v9 =	vadd.f32 $5.000000000e-01, v9;
	v8 =	vcvt.f32.s32 v10;
	_ =	sdelay $0x1  }
0x6c: {  	v9 =	vtrunc.f32 v9;
	v10, _, _ =	vpop (xrf0);
	(xrf0) =	vadd.scan.msk.s32 $0xffff, v8  }
0x6d: {  	v8 =	vcvt.f32.s32 v9;
	v9 =	vadd.s32 s10, v10  }
0x6e: {  	v10 =	vbroadcast v9, $0xF  }
0x6f: {  	v11, _, _ =	vpop (xrf0);
	(xrf0) =	vadd.scan.msk.s32 $0xffff, v8  }
0x70: {  	v8 =	vadd.s32 v11, v10  }
0x71: {  	v10 =	vbroadcast v8, $0xF  }
0x72: {  	v11, _, _ =	vpop (xrf0)  }
0x73: {  	v10 =	vadd.s32 v11, v10  }
0x74: {  	vm1 =	vlt.u32 v9, $0x800;
	v11 =	vbroadcast v10, $0xF  }
0x75: {  	vm2 =	vlt.u32 v8, $0x800;
	v12, _, _ =	vpop (xrf0)  }
0x76: {  	vm3 =	vlt.u32 v10, $0x800;
	v11 =	vadd.s32 v12, v11  }
0x77: {  	vm4 =	vlt.u32 v11, $0x800;
	(v2sf) =	vpush v11, $0xF;
	_ =	sdelay $0x1  }
.Ltmp4:
0x78: {  	(pc) =	sbr.rel @p1 .LBB2_5-.Ltmp4, $4  }
0x79: {  	[tilespmem:v9+s3+$0x0] =	vst.idx.add.s32.msk vm1, v3  }
0x7a: {  	[tilespmem:v8+s3+$0x0] =	vst.idx.add.s32.msk vm2, v3  }
0x7b: {  	[tilespmem:v10+s3+$0x0] =	vst.idx.add.s32.msk vm3, v3  }
0x7c: {  	s10 =	sshra.s32 s5, $0x2;
	s5 =	sadd.s32 $0x100, s5;
	[tilespmem:v11+s3+$0x0] =	vst.idx.add.s32.msk vm4, v3  }
0x7d: {  	v8 =	vld [tilespmem:s10+$0x0];
	_ =	sdelay $0x2  }
0x7e: {  	v9 =	vld [tilespmem:s10+$0x10];
	_ =	sdelay $0x1  }
0x7f: {  	v8 =	vadd.f32 $5.000000000e-01, v8  }
0x80: {  	v10 =	vld [tilespmem:s10+$0x20]  }
0x81: {  	v8 =	vtrunc.f32 v8  }
0x82: {  	v9 =	vadd.f32 $5.000000000e-01, v9;
	v8 =	vcvt.f32.s32 v8  }
0x83: {  	v11 =	vld [tilespmem:s10+$0x30]  }
0x84: {  	v9 =	vtrunc.f32 v9;
	(xrf0) =	vadd.scan.msk.s32 $0xffff, v8  }
0x85: {  	v52 =	vadd.f32 $5.000000000e-01, v10;
	v8 =	vcvt.f32.s32 v9;
	_ =	sdelay $0x1  }
0x86: {  	v9 =	vtrunc.f32 v52;
	(xrf0) =	vadd.scan.msk.s32 $0xffff, v8  }
0x87: {  	v53 =	vadd.f32 $5.000000000e-01, v11;
	v8 =	vcvt.f32.s32 v9;
	_ =	sdelay $0x1  }
0x88: {  	s5 =	spop (v2sf);
	v9 =	vtrunc.f32 v53;
	v54, _, _ =	vpop (xrf0);
	(xrf0) =	vadd.scan.msk.s32 $0xffff, v8  }
0x89: {  	v8 =	vcvt.f32.s32 v9;
	v55 =	vadd.s32 s5, v54  }
0x8a: {  	v10 =	vbroadcast v55, $0xF  }
0x8b: {  	v56, _, _ =	vpop (xrf0);
	(xrf0) =	vadd.scan.msk.s32 $0xffff, v8  }
0x8c: {  	v8 =	vadd.s32 v56, v10  }
0x8d: {  	v10 =	vbroadcast v8, $0xF  }
0x8e: {  	v57, _, _ =	vpop (xrf0)  }
0x8f: {  	v10 =	vadd.s32 v57, v10  }
0x90: {  	vm1 =	vlt.u32 v55, $0x800;
	v11 =	vbroadcast v10, $0xF  }
0x91: {  	vm2 =	vlt.u32 v8, $0x800;
	v12, _, _ =	vpop (xrf0)  }
0x92: {  	vm3 =	vlt.u32 v10, $0x800;
	v11 =	vadd.s32 v12, v11  }
0x93: {  	vm4 =	vlt.u32 v11, $0x800;
	_ =	sdelay $0x2  }
0x94: {  	[tilespmem:v55+s3+$0x0] =	vst.idx.add.s32.msk vm1, v3  }
0x95: {  	[tilespmem:v8+s3+$0x0] =	vst.idx.add.s32.msk vm2, v3  }
0x96: {  	[tilespmem:v10+s3+$0x0] =	vst.idx.add.s32.msk vm3, v3  }
0x97: {  	s25 =	simm.s32 $0x0;
	[tilespmem:v11+s3+$0x0] =	vst.idx.add.s32.msk vm4, v3  }
0x98: {  	v8 =	vld [tilespmem:s25+$0x800];
	_ =	sdelay $0x2  }
0x99: {  	v9 =	vld [tilespmem:s25+$0x810];
	_ =	sdelay $0x1  }
0x9a: {  	(xrf0) =	vadd.scan.msk.s32 $0xffff, v8  }
0x9b: {  	v8 =	vld [tilespmem:s25+$0x820]  }
0x9c: {  	(v2sf) =	vpush v11, $0xF  }
0x9d: {  	(xrf0) =	vadd.scan.msk.s32 $0xffff, v9  }
0x9e: {  	v58 =	vld [tilespmem:s25+$0x830];
	_ =	sdelay $0x1  }
0x9f: {  	s26 =	simm.s32 $0x0;
	v59, _, _ =	vpop (xrf0);
	(xrf0) =	vadd.scan.msk.s32 $0xffff, v8  }
0xa0: {  	v8 =	vadd.s32 s26, v59  }
0xa1: {  	v10 =	vbroadcast v8, $0xF  }
0xa2: {  	v60, _, _ =	vpop (xrf0);
	(xrf0) =	vadd.scan.msk.s32 $0xffff, v58  }
0xa3: {  	v61 =	vadd.s32 v60, v10  }
0xa4: {  	v10 =	vbroadcast v61, $0xF  }
0xa5: {  	v62, _, _ =	vpop (xrf0)  }
0xa6: {  	v10 =	vadd.s32 v62, v10  }
0xa7: {  	v11 =	vbroadcast v10, $0xF  }
0xa8: {  	v63, _, _ =	vpop (xrf0)  }
0xa9: {  	s5 =	simm.s32 $0x1100;
	v8 =	vadd.s32 v0, v8;
	v9 =	vadd.s32 v63, v11  }
0xaa: {  	s29 =	spop (v2sf);
	[tilespmem:s5+$0xFFFFFF00] =	vst v8;
	v8 =	vadd.s32 v0, v61;
	(v2sf) =	vpush v9, $0xF  }
0xab: {  	[tilespmem:s5+$0xFFFFFF80] =	vst v8;
	v8 =	vadd.s32 v0, v10  }
0xac: {  	[tilespmem:s5+$0x0] =	vst v8;
	v8 =	vadd.s32 v0, v9  }
0xad: {  	s13 =	simm.s32 $0x40;
	s10 =	simm.s32 $0x200;
	[tilespmem:s5+$0x80] =	vst v8  }
.LBB2_7:
0xae: {  	p1 =	sne.s32 s10, $0x1F00;
	v8 =	vld [tilespmem:s13+$0x800];
	_ =	sdelay $0x2  }
0xaf: {  	v9 =	vld [tilespmem:s13+$0x810];
	_ =	sdelay $0x1  }
0xb0: {  	(xrf0) =	vadd.scan.msk.s32 $0xffff, v8  }
0xb1: {  	v8 =	vld [tilespmem:s13+$0x820];
	_ =	sdelay $0x1  }
0xb2: {  	(xrf0) =	vadd.scan.msk.s32 $0xffff, v9  }
0xb3: {  	v9 =	vld [tilespmem:s13+$0x830];
	_ =	sdelay $0x1  }
0xb4: {  	v10, _, _ =	vpop (xrf0);
	(xrf0) =	vadd.scan.msk.s32 $0xffff, v8;
	s13 =	spop (v2sf)  }
0xb5: {  	v8 =	vadd.s32 s13, v10  }
0xb6: {  	s5 =	sadd.s32 $0x200, s5;
	v11 =	vadd.s32 v0, v8;
	v8 =	vbroadcast v8, $0xF  }
0xb7: {  	[tilespmem:s5+$0xFFFFFF00] =	vst v11;
	v10, _, _ =	vpop (xrf0);
	(xrf0) =	vadd.scan.msk.s32 $0xffff, v9  }
0xb8: {  	v8 =	vadd.s32 v10, v8  }
0xb9: {  	v10 =	vadd.s32 v0, v8;
	v8 =	vbroadcast v8, $0xF  }
0xba: {  	[tilespmem:s5+$0xFFFFFF80] =	vst v10;
	v9, _, _ =	vpop (xrf0)  }
0xbb: {  	v8 =	vadd.s32 v9, v8  }
0xbc: {  	v10 =	vadd.s32 v0, v8;
	v8 =	vbroadcast v8, $0xF  }
0xbd: {  	[tilespmem:s5+$0x0] =	vst v10;
	v9, _, _ =	vpop (xrf0)  }
.Ltmp5:
0xbe: {  	v8 =	vadd.s32 v9, v8;
	(pc) =	sbr.rel @p1 .LBB2_7-.Ltmp5, $3  }
0xbf: {  	v9 =	vadd.s32 v0, v8;
	(v2sf) =	vpush v8, $0xF  }
0xc0: {  	[tilespmem:s5+$0x80] =	vst v9;
	_ =	sdelay $0x1  }
0xc1: {  	s13 =	sshra.s32 s10, $0x2;
	s10 =	sadd.s32 $0x100, s10  }
0xc2: {  	v8 =	vld [tilespmem:s13+$0x800];
	_ =	sdelay $0x2  }
0xc3: {  	v9 =	vld [tilespmem:s13+$0x810];
	_ =	sdelay $0x1  }
0xc4: {  	(xrf0) =	vadd.scan.msk.s32 $0xffff, v8  }
0xc5: {  	v8 =	vld [tilespmem:s13+$0x820];
	_ =	sdelay $0x1  }
0xc6: {  	(xrf0) =	vadd.scan.msk.s32 $0xffff, v9  }
0xc7: {  	v61 =	vld [tilespmem:s13+$0x830];
	_ =	sdelay $0x1  }
0xc8: {  	v10, _, _ =	vpop (xrf0);
	(xrf0) =	vadd.scan.msk.s32 $0xffff, v8;
	s10 =	spop (v2sf)  }
0xc9: {  	v8 =	vadd.s32 s10, v10  }
0xca: {  	v10 =	vbroadcast v8, $0xF  }
0xcb: {  	v11, _, _ =	vpop (xrf0);
	(xrf0) =	vadd.scan.msk.s32 $0xffff, v61  }
0xcc: {  	v62 =	vadd.s32 v11, v10  }
0xcd: {  	v10 =	vbroadcast v62, $0xF  }
0xce: {  	v63, _, _ =	vpop (xrf0)  }
0xcf: {  	v10 =	vadd.s32 v63, v10  }
0xd0: {  	v11 =	vbroadcast v10, $0xF  }
0xd1: {  	v12, _, _ =	vpop (xrf0)  }
0xd2: {  	v11 =	vadd.s32 v12, v11  }
0xd3: {  	(v2sf) =	vpush v11, $0xF;
	_ =	sdelay $0x8  }
0xd4: {  	s5 =	sadd.s32 $0x200, s5;
	v8 =	vadd.s32 v0, v8  }
0xd5: {  	[tilespmem:s5+$0xFFFFFF00] =	vst v8;
	v8 =	vadd.s32 v0, v62  }
0xd6: {  	[tilespmem:s5+$0xFFFFFF80] =	vst v8;
	v8 =	vadd.s32 v0, v10  }
0xd7: {  	[tilespmem:s5+$0x0] =	vst v8;
	v8 =	vadd.s32 v0, v11  }
0xd8: {  	s26 =	rddreg [dreg:$0x6];
	s29 =	simm.s32 $0x1000;
	[tilespmem:s5+$0x80] =	vst v8;
	s5 =	simm.s32 $0x0  }
0xd9: {  	[hbm4b:s26+s5] =	stream.linear.scatter [tilespmem:s29], [sflag:$0x7], $0x4000, $0x38;
	[tilespmem:$0x1E400] =	vst v63  }
0xda: {  	s25 =	spop (v2sf)  }
0xdb: {  	_ =	swait.ge [sflag:s4], $0x4000  }
0xdc: {  	[sflag:s4] =	ssyncset.done $0x0  }
0xdd: {  	[sflag:s4] =	ssyncadd.s32 $0xFFFFC000  }
.LBB2_9:
0xde: {  	[bflag:$0x0] =	sbarrier.arrive $0xFFFF  }
0xdf: {  	s14 =	simm.s32 $0x0;
	s10 =	simm.s32 $0x5000;
	s5 =	rddreg [dreg:$0x7]  }
0xe0: {  	[tilespmem:s10], [sflag:$0x7] =	stream.linear.gather [hbm4b:s5+s14], $0x1000, $0x38;
	[tilespmem:$0x1E400] =	vst v63  }
0xe1: {  	_ =	swait.ge [sflag:s4], $0x1000  }
0xe2: {  	[sflag:s4] =	ssyncset.done $0x0  }
0xe3: {  	[sflag:s4] =	ssyncadd.s32 $0xFFFFF000  }
0xe4: {  	v8 =	vld [tilespmem:$0x5000];
	_ =	sdelay $0x4  }
0xe5: {  	vm1 =	vgt.s32 v8, v1  }
0xe6: {  	v8 =	vsel vm1, v1, v8  }
0xe7: {  	v9 =	vshll.u32 v8, $0x3  }
0xe8: {  	v8 =	vand.u32 $0x7, v8;
	v9 =	vand.u32 $0xFFFFFFC0, v9  }
0xe9: {  	v8 =	vor.u32 v8, v9  }
0xea: {  	v9 =	vperm.xlane v8, v4;
	_ =	sdelay $0x1  }
0xeb: {  	v9 =	vadd.s32 v5, v9;
	_ =	sdelay $0x3  }
0xec: {  	s6 =	simm.s32 $0x6000  }
0xed: {  	[tilespmem:s6], [sflag:$0x1] =	stream.indirect_vreg.gather [hbm4b:s1+s14], $0x80, v9, vm0, $0xb8;
	[tilespmem:$0x1E400] =	vst v63  }
0xee: {  	s13 =	simm.s32 $0x6800;
	v8 =	vperm.xlane v8, v6  }
0xef: {  	[tilespmem:s13], [sflag:$0x1] =	stream.indirect_vreg.gather [hbm4b:s9+s14], $0x80, v9, vm0, $0xb8;
	[tilespmem:$0x1E400] =	vst v63  }
0xf0: {  	s15 =	simm.s32 $0x7000;
	v8 =	vadd.s32 v5, v8  }
0xf1: {  	[tilespmem:s15], [sflag:$0x1] =	stream.indirect_vreg.gather [hbm4b:s11+s14], $0x80, v9, vm0, $0xb8;
	[tilespmem:$0x1E400] =	vst v63  }
0xf2: {  	s17 =	simm.s32 $0x7800  }
0xf3: {  	[tilespmem:s17], [sflag:$0x1] =	stream.indirect_vreg.gather [hbm4b:s12+s14], $0x80, v9, vm0, $0xb8;
	[tilespmem:$0x1E400] =	vst v63  }
0xf4: {  	s18 =	simm.s32 $0x8000  }
0xf5: {  	[tilespmem:s18], [sflag:$0x1] =	stream.indirect_vreg.gather [hbm4b:s1+s14], $0x80, v8, vm0, $0xb8;
	[tilespmem:$0x1E400] =	vst v63  }
0xf6: {  	s21 =	simm.s32 $0x8800  }
0xf7: {  	[tilespmem:s21], [sflag:$0x1] =	stream.indirect_vreg.gather [hbm4b:s9+s14], $0x80, v8, vm0, $0xb8;
	[tilespmem:$0x1E400] =	vst v63  }
0xf8: {  	s22 =	simm.s32 $0x9000  }
0xf9: {  	[tilespmem:s22], [sflag:$0x1] =	stream.indirect_vreg.gather [hbm4b:s11+s14], $0x80, v8, vm0, $0xb8;
	[tilespmem:$0x1E400] =	vst v63  }
0xfa: {  	s25 =	simm.s32 $0x9800  }
0xfb: {  	[tilespmem:s25], [sflag:$0x1] =	stream.indirect_vreg.gather [hbm4b:s12+s14], $0x80, v8, vm0, $0xb8;
	[tilespmem:$0x1E400] =	vst v63  }
0xfc: {  	v8 =	vld [tilespmem:$0x5080];
	_ =	sdelay $0x4  }
0xfd: {  	vm2 =	vgt.s32 v8, v1  }
0xfe: {  	v8 =	vsel vm2, v1, v8  }
0xff: {  	v54 =	vshll.u32 v8, $0x3  }
0x100: {  	v8 =	vand.u32 $0x7, v8;
	v9 =	vand.u32 $0xFFFFFFC0, v54  }
0x101: {  	v8 =	vor.u32 v8, v9  }
0x102: {  	v9 =	vperm.xlane v8, v4;
	_ =	sdelay $0x1  }
0x103: {  	v9 =	vadd.s32 v5, v9;
	_ =	sdelay $0x3  }
0x104: {  	s26 =	simm.s32 $0xA000  }
0x105: {  	[tilespmem:s26], [sflag:$0x1] =	stream.indirect_vreg.gather [hbm4b:s1+s14], $0x80, v9, vm0, $0xb8;
	[tilespmem:$0x1E400] =	vst v63  }
0x106: {  	s29 =	simm.s32 $0xA800;
	v8 =	vperm.xlane v8, v6  }
0x107: {  	[tilespmem:s29], [sflag:$0x1] =	stream.indirect_vreg.gather [hbm4b:s9+s14], $0x80, v9, vm0, $0xb8;
	[tilespmem:$0x1E400] =	vst v63  }
0x108: {  	s22 =	simm.s32 $0xB000;
	v8 =	vadd.s32 v5, v8  }
0x109: {  	[tilespmem:s22], [sflag:$0x1] =	stream.indirect_vreg.gather [hbm4b:s11+s14], $0x80, v9, vm0, $0xb8;
	[tilespmem:$0x1E400] =	vst v63  }
0x10a: {  	s25 =	simm.s32 $0xB800  }
0x10b: {  	[tilespmem:s25], [sflag:$0x1] =	stream.indirect_vreg.gather [hbm4b:s12+s14], $0x80, v9, vm0, $0xb8;
	[tilespmem:$0x1E400] =	vst v63  }
0x10c: {  	s22 =	simm.s32 $0xC000  }
0x10d: {  	[tilespmem:s22], [sflag:$0x1] =	stream.indirect_vreg.gather [hbm4b:s1+s14], $0x80, v8, vm0, $0xb8;
	[tilespmem:$0x1E400] =	vst v63  }
0x10e: {  	s25 =	simm.s32 $0xC800  }
0x10f: {  	[tilespmem:s25], [sflag:$0x1] =	stream.indirect_vreg.gather [hbm4b:s9+s14], $0x80, v8, vm0, $0xb8;
	[tilespmem:$0x1E400] =	vst v63  }
0x110: {  	s5 =	simm.s32 $0xD000  }
0x111: {  	[tilespmem:s5], [sflag:$0x1] =	stream.indirect_vreg.gather [hbm4b:s11+s14], $0x80, v8, vm0, $0xb8;
	[tilespmem:$0x1E400] =	vst v63  }
0x112: {  	s5 =	simm.s32 $0xD800  }
0x113: {  	[tilespmem:s5], [sflag:$0x1] =	stream.indirect_vreg.gather [hbm4b:s12+s14], $0x80, v8, vm0, $0xb8;
	[tilespmem:$0x1E400] =	vst v63  }
0x114: {  	v8 =	vld [tilespmem:$0x5100];
	_ =	sdelay $0x4  }
0x115: {  	vm3 =	vgt.s32 v8, v1  }
0x116: {  	v8 =	vsel vm3, v1, v8  }
0x117: {  	v55 =	vshll.u32 v8, $0x3  }
0x118: {  	v8 =	vand.u32 $0x7, v8;
	v9 =	vand.u32 $0xFFFFFFC0, v55  }
0x119: {  	v8 =	vor.u32 v8, v9  }
0x11a: {  	v9 =	vperm.xlane v8, v4;
	_ =	sdelay $0x1  }
0x11b: {  	v9 =	vadd.s32 v5, v9;
	_ =	sdelay $0x4  }
0x11c: {  	[tilespmem:s24], [sflag:$0x2] =	stream.indirect_vreg.gather [hbm4b:s1+s14], $0x80, v9, vm0, $0xb8;
	[tilespmem:$0x1E400] =	vst v63  }
0x11d: {  	s5 =	simm.s32 $0xE800;
	v8 =	vperm.xlane v8, v6  }
0x11e: {  	[tilespmem:s5], [sflag:$0x2] =	stream.indirect_vreg.gather [hbm4b:s9+s14], $0x80, v9, vm0, $0xb8;
	[tilespmem:$0x1E400] =	vst v63  }
0x11f: {  	v8 =	vadd.s32 v5, v8;
	s5 =	simm.s32 $0xF000  }
0x120: {  	[tilespmem:s5], [sflag:$0x2] =	stream.indirect_vreg.gather [hbm4b:s11+s14], $0x80, v9, vm0, $0xb8;
	[tilespmem:$0x1E400] =	vst v63  }
0x121: {  	s5 =	simm.s32 $0xF800  }
0x122: {  	[tilespmem:s5], [sflag:$0x2] =	stream.indirect_vreg.gather [hbm4b:s12+s14], $0x80, v9, vm0, $0xb8;
	[tilespmem:$0x1E400] =	vst v63  }
0x123: {  	s5 =	simm.s32 $0x10000  }
0x124: {  	[tilespmem:s5], [sflag:$0x2] =	stream.indirect_vreg.gather [hbm4b:s1+s14], $0x80, v8, vm0, $0xb8;
	[tilespmem:$0x1E400] =	vst v63  }
0x125: {  	s5 =	simm.s32 $0x10800  }
0x126: {  	[tilespmem:s5], [sflag:$0x2] =	stream.indirect_vreg.gather [hbm4b:s9+s14], $0x80, v8, vm0, $0xb8;
	[tilespmem:$0x1E400] =	vst v63  }
0x127: {  	s5 =	simm.s32 $0x11000  }
0x128: {  	[tilespmem:s5], [sflag:$0x2] =	stream.indirect_vreg.gather [hbm4b:s11+s14], $0x80, v8, vm0, $0xb8;
	[tilespmem:$0x1E400] =	vst v63  }
0x129: {  	s5 =	simm.s32 $0x11800  }
0x12a: {  	[tilespmem:s5], [sflag:$0x2] =	stream.indirect_vreg.gather [hbm4b:s12+s14], $0x80, v8, vm0, $0xb8;
	[tilespmem:$0x1E400] =	vst v63  }
0x12b: {  	v8 =	vld [tilespmem:$0x5180];
	_ =	sdelay $0x4  }
0x12c: {  	vm4 =	vgt.s32 v8, v1  }
0x12d: {  	v8 =	vsel vm4, v1, v8  }
0x12e: {  	v56 =	vmpcnt.ones.xlane vm1;
	v10 =	vshll.u32 v8, $0x3  }
0x12f: {  	v8 =	vand.u32 $0x7, v8;
	v10 =	vand.u32 $0xFFFFFFC0, v10  }
0x130: {  	(v2sf) =	vpush v56, $0x0;
	v8 =	vor.u32 v8, v10  }
0x131: {  	v11 =	vmpcnt.ones.xlane vm2;
	v57 =	vperm.xlane v8, v4;
	_ =	sdelay $0x1  }
0x132: {  	(v2sf) =	vpush v11, $0x0;
	v9 =	vadd.s32 v5, v57  }
0x133: {  	v58 =	vmpcnt.ones.xlane vm3;
	_ =	sdelay $0x1  }
0x134: {  	(v2sf) =	vpush v58, $0x0  }
0x135: {  	s5 =	simm.s32 $0x12000;
	v59 =	vmpcnt.ones.xlane vm4  }
0x136: {  	[tilespmem:s5], [sflag:$0x2] =	stream.indirect_vreg.gather [hbm4b:s1+s14], $0x80, v9, vm0, $0xb8;
	[tilespmem:$0x1E400] =	vst v63  }
0x137: {  	(v2sf) =	vpush v59, $0x0;
	s5 =	simm.s32 $0x12800  }
0x138: {  	v8 =	vperm.xlane v8, v6;
	[tilespmem:s5], [sflag:$0x2] =	stream.indirect_vreg.gather [hbm4b:s9+s14], $0x80, v9, vm0, $0xb8;
	[tilespmem:$0x1E400] =	vst v63  }
0x139: {  	s5 =	simm.s32 $0x13000  }
0x13a: {  	v8 =	vadd.s32 v5, v8;
	[tilespmem:s5], [sflag:$0x2] =	stream.indirect_vreg.gather [hbm4b:s11+s14], $0x80, v9, vm0, $0xb8;
	[tilespmem:$0x1E400] =	vst v63  }
0x13b: {  	s5 =	simm.s32 $0x13800  }
0x13c: {  	[tilespmem:s5], [sflag:$0x2] =	stream.indirect_vreg.gather [hbm4b:s12+s14], $0x80, v9, vm0, $0xb8;
	[tilespmem:$0x1E400] =	vst v63  }
0x13d: {  	s5 =	spop (v2sf)  }
0x13e: {  	[dreg:$0x1b] =	wrdreg s5;
	s5 =	simm.s32 $0x14000  }
0x13f: {  	[tilespmem:s5], [sflag:$0x2] =	stream.indirect_vreg.gather [hbm4b:s1+s14], $0x80, v8, vm0, $0xb8;
	[tilespmem:$0x1E400] =	vst v63  }
0x140: {  	s5 =	spop (v2sf)  }
0x141: {  	[dreg:$0x1c] =	wrdreg s5;
	s5 =	simm.s32 $0x14800  }
0x142: {  	[tilespmem:s5], [sflag:$0x2] =	stream.indirect_vreg.gather [hbm4b:s9+s14], $0x80, v8, vm0, $0xb8;
	[tilespmem:$0x1E400] =	vst v63  }
0x143: {  	s5 =	spop (v2sf)  }
0x144: {  	[dreg:$0x1d] =	wrdreg s5;
	s5 =	simm.s32 $0x15000  }
0x145: {  	[tilespmem:s5], [sflag:$0x2] =	stream.indirect_vreg.gather [hbm4b:s11+s14], $0x80, v8, vm0, $0xb8;
	[tilespmem:$0x1E400] =	vst v63  }
0x146: {  	s5 =	spop (v2sf)  }
0x147: {  	[dreg:$0x1e] =	wrdreg s5;
	s5 =	simm.s32 $0x15800  }
0x148: {  	[tilespmem:s5], [sflag:$0x2] =	stream.indirect_vreg.gather [hbm4b:s12+s14], $0x80, v8, vm0, $0xb8;
	[tilespmem:$0x1E400] =	vst v63  }
0x149: {  	_ =	swait.ge [sflag:s7], $0x4000  }
0x14a: {  	[sflag:s7] =	ssyncset.done $0x0  }
0x14b: {  	[sflag:s7] =	ssyncadd.s32 $0xFFFFC000  }
0x14c: {  	_ =	swait.ge [sflag:s7], $0x4000  }
0x14d: {  	[sflag:s7] =	ssyncset.done $0x0  }
0x14e: {  	s5 =	rddreg [dreg:$0x8];
	[sflag:s7] =	ssyncadd.s32 $0xFFFFC000  }
0x14f: {  	[hbm4b:s5+s14] =	stream.linear.scatter [tilespmem:s6], [sflag:$0x4], $0x8000, $0x38;
	[tilespmem:$0x1E400] =	vst v63  }
0x150: {  	v8 =	vld [tilespmem:$0x5200];
	_ =	sdelay $0x4  }
0x151: {  	vm1 =	vgt.s32 v8, v1  }
0x152: {  	v8 =	vsel vm1, v1, v8  }
0x153: {  	v60 =	vshll.u32 v8, $0x3  }
0x154: {  	v8 =	vand.u32 $0x7, v8;
	v9 =	vand.u32 $0xFFFFFFC0, v60  }
0x155: {  	v8 =	vor.u32 v8, v9  }
0x156: {  	v9 =	vperm.xlane v8, v4;
	_ =	sdelay $0x1  }
0x157: {  	v9 =	vadd.s32 v5, v9;
	_ =	sdelay $0x4  }
0x158: {  	[tilespmem:s23], [sflag:$0x3] =	stream.indirect_vreg.gather [hbm4b:s1+s14], $0x80, v9, vm0, $0xb8;
	[tilespmem:$0x1E400] =	vst v63  }
0x159: {  	s5 =	simm.s32 $0x16800;
	v8 =	vperm.xlane v8, v6  }
0x15a: {  	[tilespmem:s5], [sflag:$0x3] =	stream.indirect_vreg.gather [hbm4b:s9+s14], $0x80, v9, vm0, $0xb8;
	[tilespmem:$0x1E400] =	vst v63  }
0x15b: {  	v8 =	vadd.s32 v5, v8;
	s5 =	simm.s32 $0x17000  }
0x15c: {  	[tilespmem:s5], [sflag:$0x3] =	stream.indirect_vreg.gather [hbm4b:s11+s14], $0x80, v9, vm0, $0xb8;
	[tilespmem:$0x1E400] =	vst v63  }
0x15d: {  	s5 =	simm.s32 $0x17800  }
0x15e: {  	[tilespmem:s5], [sflag:$0x3] =	stream.indirect_vreg.gather [hbm4b:s12+s14], $0x80, v9, vm0, $0xb8;
	[tilespmem:$0x1E400] =	vst v63  }
0x15f: {  	s5 =	simm.s32 $0x18000  }
0x160: {  	[tilespmem:s5], [sflag:$0x3] =	stream.indirect_vreg.gather [hbm4b:s1+s14], $0x80, v8, vm0, $0xb8;
	[tilespmem:$0x1E400] =	vst v63  }
0x161: {  	s5 =	simm.s32 $0x18800  }
0x162: {  	[tilespmem:s5], [sflag:$0x3] =	stream.indirect_vreg.gather [hbm4b:s9+s14], $0x80, v8, vm0, $0xb8;
	[tilespmem:$0x1E400] =	vst v63  }
0x163: {  	s5 =	simm.s32 $0x19000  }
0x164: {  	[tilespmem:s5], [sflag:$0x3] =	stream.indirect_vreg.gather [hbm4b:s11+s14], $0x80, v8, vm0, $0xb8;
	[tilespmem:$0x1E400] =	vst v63  }
0x165: {  	s5 =	simm.s32 $0x19800  }
0x166: {  	[tilespmem:s5], [sflag:$0x3] =	stream.indirect_vreg.gather [hbm4b:s12+s14], $0x80, v8, vm0, $0xb8;
	[tilespmem:$0x1E400] =	vst v63  }
0x167: {  	v8 =	vld [tilespmem:$0x5280];
	_ =	sdelay $0x4  }
0x168: {  	vm2 =	vgt.s32 v8, v1  }
0x169: {  	v8 =	vsel vm2, v1, v8  }
0x16a: {  	v61 =	vshll.u32 v8, $0x3  }
0x16b: {  	v8 =	vand.u32 $0x7, v8;
	v9 =	vand.u32 $0xFFFFFFC0, v61  }
0x16c: {  	v8 =	vor.u32 v8, v9  }
0x16d: {  	v9 =	vperm.xlane v8, v4  }
0x16e: {  	v62 =	vmpcnt.ones.xlane vm1  }
0x16f: {  	v9 =	vadd.s32 v5, v9  }
0x170: {  	(v2sf) =	vpush v62, $0x0  }
0x171: {  	v63 =	vmpcnt.ones.xlane vm2;
	_ =	sdelay $0x1  }
0x172: {  	s5 =	simm.s32 $0x1A000;
	(v2sf) =	vpush v63, $0x0  }
0x173: {  	[tilespmem:s5], [sflag:$0x3] =	stream.indirect_vreg.gather [hbm4b:s1+s14], $0x80, v9, vm0, $0xb8;
	[tilespmem:$0x1E400] =	vst v63  }
0x174: {  	v8 =	vperm.xlane v8, v6;
	s5 =	simm.s32 $0x1A800  }
0x175: {  	[tilespmem:s5], [sflag:$0x3] =	stream.indirect_vreg.gather [hbm4b:s9+s14], $0x80, v9, vm0, $0xb8;
	[tilespmem:$0x1E400] =	vst v63  }
0x176: {  	v8 =	vadd.s32 v5, v8;
	s5 =	simm.s32 $0x1B000  }
0x177: {  	[tilespmem:s5], [sflag:$0x3] =	stream.indirect_vreg.gather [hbm4b:s11+s14], $0x80, v9, vm0, $0xb8;
	[tilespmem:$0x1E400] =	vst v63  }
0x178: {  	s5 =	simm.s32 $0x1B800  }
0x179: {  	[tilespmem:s5], [sflag:$0x3] =	stream.indirect_vreg.gather [hbm4b:s12+s14], $0x80, v9, vm0, $0xb8;
	[tilespmem:$0x1E400] =	vst v63  }
0x17a: {  	s5 =	simm.s32 $0x1C000  }
0x17b: {  	[tilespmem:s5], [sflag:$0x3] =	stream.indirect_vreg.gather [hbm4b:s1+s14], $0x80, v8, vm0, $0xb8;
	[tilespmem:$0x1E400] =	vst v63  }
0x17c: {  	s5 =	simm.s32 $0x1C800  }
0x17d: {  	[tilespmem:s5], [sflag:$0x3] =	stream.indirect_vreg.gather [hbm4b:s9+s14], $0x80, v8, vm0, $0xb8;
	[tilespmem:$0x1E400] =	vst v63  }
0x17e: {  	s5 =	spop (v2sf)  }
0x17f: {  	[dreg:$0x1f] =	wrdreg s5;
	s5 =	simm.s32 $0x1D000  }
0x180: {  	[tilespmem:s5], [sflag:$0x3] =	stream.indirect_vreg.gather [hbm4b:s11+s14], $0x80, v8, vm0, $0xb8;
	[tilespmem:$0x1E400] =	vst v63  }
0x181: {  	s5 =	spop (v2sf)  }
0x182: {  	[smem:$0x7ED] =	sst s5;
	s5 =	simm.s32 $0x1D800  }
0x183: {  	[tilespmem:s5], [sflag:$0x3] =	stream.indirect_vreg.gather [hbm4b:s12+s14], $0x80, v8, vm0, $0xb8;
	[tilespmem:$0x1E400] =	vst v63  }
0x184: {  	_ =	swait.ge [sflag:s28], $0x4000  }
0x185: {  	[sflag:s28] =	ssyncset.done $0x0  }
0x186: {  	[sflag:s28] =	ssyncadd.s32 $0xFFFFC000  }
0x187: {  	_ =	swait.ge [sflag:s28], $0x4000  }
0x188: {  	[sflag:s28] =	ssyncset.done $0x0  }
0x189: {  	s5 =	rddreg [dreg:$0x9];
	[sflag:s28] =	ssyncadd.s32 $0xFFFFC000  }
0x18a: {  	[hbm4b:s5+s14] =	stream.linear.scatter [tilespmem:s24], [sflag:$0x5], $0x8000, $0x38;
	[tilespmem:$0x1E400] =	vst v63  }
0x18b: {  	_ =	swait.ge [sflag:s16], $0x8000  }
0x18c: {  	[sflag:s16] =	ssyncset.done $0x0  }
0x18d: {  	[sflag:s16] =	ssyncadd.s32 $0xFFFF8000  }
0x18e: {  	v8 =	vld [tilespmem:$0x5300];
	_ =	sdelay $0x4  }
0x18f: {  	vm1 =	vgt.s32 v8, v1  }
0x190: {  	v8 =	vsel vm1, v1, v8  }
0x191: {  	v12 =	vshll.u32 v8, $0x3  }
0x192: {  	v8 =	vand.u32 $0x7, v8;
	v9 =	vand.u32 $0xFFFFFFC0, v12  }
0x193: {  	v8 =	vor.u32 v8, v9  }
0x194: {  	v9 =	vperm.xlane v8, v4;
	_ =	sdelay $0x1  }
0x195: {  	v9 =	vadd.s32 v5, v9;
	_ =	sdelay $0x4  }
0x196: {  	[tilespmem:s6], [sflag:$0x1] =	stream.indirect_vreg.gather [hbm4b:s1+s14], $0x80, v9, vm0, $0xb8;
	[tilespmem:$0x1E400] =	vst v63  }
0x197: {  	s10 =	simm.s32 $0x6800;
	v8 =	vperm.xlane v8, v6  }
0x198: {  	[tilespmem:s10], [sflag:$0x1] =	stream.indirect_vreg.gather [hbm4b:s9+s14], $0x80, v9, vm0, $0xb8;
	[tilespmem:$0x1E400] =	vst v63  }
0x199: {  	s19 =	simm.s32 $0x7000;
	v8 =	vadd.s32 v5, v8  }
0x19a: {  	[tilespmem:s19], [sflag:$0x1] =	stream.indirect_vreg.gather [hbm4b:s11+s14], $0x80, v9, vm0, $0xb8;
	[tilespmem:$0x1E400] =	vst v63  }
0x19b: {  	s20 =	simm.s32 $0x7800  }
0x19c: {  	[tilespmem:s20], [sflag:$0x1] =	stream.indirect_vreg.gather [hbm4b:s12+s14], $0x80, v9, vm0, $0xb8;
	[tilespmem:$0x1E400] =	vst v63  }
0x19d: {  	s15 =	simm.s32 $0x8000  }
0x19e: {  	[tilespmem:s15], [sflag:$0x1] =	stream.indirect_vreg.gather [hbm4b:s1+s14], $0x80, v8, vm0, $0xb8;
	[tilespmem:$0x1E400] =	vst v63  }
0x19f: {  	s17 =	simm.s32 $0x8800  }
0x1a0: {  	[tilespmem:s17], [sflag:$0x1] =	stream.indirect_vreg.gather [hbm4b:s9+s14], $0x80, v8, vm0, $0xb8;
	[tilespmem:$0x1E400] =	vst v63  }
0x1a1: {  	s18 =	simm.s32 $0x9000  }
0x1a2: {  	[tilespmem:s18], [sflag:$0x1] =	stream.indirect_vreg.gather [hbm4b:s11+s14], $0x80, v8, vm0, $0xb8;
	[tilespmem:$0x1E400] =	vst v63  }
0x1a3: {  	s13 =	simm.s32 $0x9800  }
0x1a4: {  	[tilespmem:s13], [sflag:$0x1] =	stream.indirect_vreg.gather [hbm4b:s12+s14], $0x80, v8, vm0, $0xb8;
	[tilespmem:$0x1E400] =	vst v63  }
0x1a5: {  	v8 =	vld [tilespmem:$0x5380];
	_ =	sdelay $0x4  }
0x1a6: {  	vm2 =	vgt.s32 v8, v1  }
0x1a7: {  	v8 =	vsel vm2, v1, v8  }
0x1a8: {  	v13 =	vshll.u32 v8, $0x3  }
0x1a9: {  	v8 =	vand.u32 $0x7, v8;
	v9 =	vand.u32 $0xFFFFFFC0, v13  }
0x1aa: {  	v14 =	vmpcnt.ones.xlane vm1;
	v8 =	vor.u32 v8, v9  }
0x1ab: {  	v9 =	vperm.xlane v8, v4  }
0x1ac: {  	(v2sf) =	vpush v14, $0x0;
	v15 =	vmpcnt.ones.xlane vm2  }
0x1ad: {  	v9 =	vadd.s32 v5, v9  }
0x1ae: {  	(v2sf) =	vpush v15, $0x0;
	_ =	sdelay $0x2  }
0x1af: {  	s21 =	simm.s32 $0xA000  }
0x1b0: {  	[tilespmem:s21], [sflag:$0x1] =	stream.indirect_vreg.gather [hbm4b:s1+s14], $0x80, v9, vm0, $0xb8;
	[tilespmem:$0x1E400] =	vst v63  }
0x1b1: {  	s29 =	simm.s32 $0xA800;
	v8 =	vperm.xlane v8, v6  }
0x1b2: {  	[tilespmem:s29], [sflag:$0x1] =	stream.indirect_vreg.gather [hbm4b:s9+s14], $0x80, v9, vm0, $0xb8;
	[tilespmem:$0x1E400] =	vst v63  }
0x1b3: {  	s26 =	simm.s32 $0xB000;
	v8 =	vadd.s32 v5, v8  }
0x1b4: {  	[tilespmem:s26], [sflag:$0x1] =	stream.indirect_vreg.gather [hbm4b:s11+s14], $0x80, v9, vm0, $0xb8;
	[tilespmem:$0x1E400] =	vst v63  }
0x1b5: {  	s26 =	simm.s32 $0xB800  }
0x1b6: {  	[tilespmem:s26], [sflag:$0x1] =	stream.indirect_vreg.gather [hbm4b:s12+s14], $0x80, v9, vm0, $0xb8;
	[tilespmem:$0x1E400] =	vst v63  }
0x1b7: {  	s22 =	simm.s32 $0xC000  }
0x1b8: {  	[tilespmem:s22], [sflag:$0x1] =	stream.indirect_vreg.gather [hbm4b:s1+s14], $0x80, v8, vm0, $0xb8;
	[tilespmem:$0x1E400] =	vst v63  }
0x1b9: {  	s25 =	simm.s32 $0xC800;
	s29 =	spop (v2sf)  }
0x1ba: {  	[tilespmem:s25], [sflag:$0x1] =	stream.indirect_vreg.gather [hbm4b:s9+s14], $0x80, v8, vm0, $0xb8;
	[tilespmem:$0x1E400] =	vst v63  }
0x1bb: {  	s21 =	simm.s32 $0xD000;
	[smem:$0x7EE] =	sst s29;
	s22 =	spop (v2sf)  }
0x1bc: {  	[tilespmem:s21], [sflag:$0x1] =	stream.indirect_vreg.gather [hbm4b:s11+s14], $0x80, v8, vm0, $0xb8;
	[tilespmem:$0x1E400] =	vst v63  }
0x1bd: {  	[smem:$0x7EF] =	sst s22;
	s25 =	simm.s32 $0xD800  }
0x1be: {  	[tilespmem:s25], [sflag:$0x1] =	stream.indirect_vreg.gather [hbm4b:s12+s14], $0x80, v8, vm0, $0xb8;
	[tilespmem:$0x1E400] =	vst v63  }
0x1bf: {  	_ =	swait.ge [sflag:s30], $0x4000  }
0x1c0: {  	[sflag:s30] =	ssyncset.done $0x0  }
0x1c1: {  	[sflag:s30] =	ssyncadd.s32 $0xFFFFC000  }
0x1c2: {  	_ =	swait.ge [sflag:s30], $0x4000  }
0x1c3: {  	[sflag:s30] =	ssyncset.done $0x0  }
0x1c4: {  	s29 =	rddreg [dreg:$0xa];
	[sflag:s30] =	ssyncadd.s32 $0xFFFFC000  }
0x1c5: {  	[hbm4b:s29+s14] =	stream.linear.scatter [tilespmem:s23], [sflag:$0x6], $0x8000, $0x38;
	[tilespmem:$0x1E400] =	vst v63  }
0x1c6: {  	s29 =	simm.s32 $0x5  }
0x1c7: {  	_ =	swait.ge [sflag:s29], $0x8000  }
0x1c8: {  	[sflag:s29] =	ssyncset.done $0x0  }
0x1c9: {  	[sflag:s29] =	ssyncadd.s32 $0xFFFF8000  }
0x1ca: {  	v8 =	vld [tilespmem:$0x5400];
	_ =	sdelay $0x4  }
0x1cb: {  	vm1 =	vgt.s32 v8, v1  }
0x1cc: {  	v8 =	vsel vm1, v1, v8  }
0x1cd: {  	v16 =	vshll.u32 v8, $0x3  }
0x1ce: {  	v8 =	vand.u32 $0x7, v8;
	v9 =	vand.u32 $0xFFFFFFC0, v16  }
0x1cf: {  	v8 =	vor.u32 v8, v9  }
0x1d0: {  	v9 =	vperm.xlane v8, v4;
	_ =	sdelay $0x1  }
0x1d1: {  	v9 =	vadd.s32 v5, v9;
	_ =	sdelay $0x4  }
0x1d2: {  	[tilespmem:s24], [sflag:$0x2] =	stream.indirect_vreg.gather [hbm4b:s1+s14], $0x80, v9, vm0, $0xb8;
	[tilespmem:$0x1E400] =	vst v63  }
0x1d3: {  	s25 =	simm.s32 $0xE800;
	v8 =	vperm.xlane v8, v6  }
0x1d4: {  	[tilespmem:s25], [sflag:$0x2] =	stream.indirect_vreg.gather [hbm4b:s9+s14], $0x80, v9, vm0, $0xb8;
	[tilespmem:$0x1E400] =	vst v63  }
0x1d5: {  	v8 =	vadd.s32 v5, v8;
	s25 =	simm.s32 $0xF000  }
0x1d6: {  	[tilespmem:s25], [sflag:$0x2] =	stream.indirect_vreg.gather [hbm4b:s11+s14], $0x80, v9, vm0, $0xb8;
	[tilespmem:$0x1E400] =	vst v63  }
0x1d7: {  	s25 =	simm.s32 $0xF800  }
0x1d8: {  	[tilespmem:s25], [sflag:$0x2] =	stream.indirect_vreg.gather [hbm4b:s12+s14], $0x80, v9, vm0, $0xb8;
	[tilespmem:$0x1E400] =	vst v63  }
0x1d9: {  	s25 =	simm.s32 $0x10000  }
0x1da: {  	[tilespmem:s25], [sflag:$0x2] =	stream.indirect_vreg.gather [hbm4b:s1+s14], $0x80, v8, vm0, $0xb8;
	[tilespmem:$0x1E400] =	vst v63  }
0x1db: {  	s25 =	simm.s32 $0x10800  }
0x1dc: {  	[tilespmem:s25], [sflag:$0x2] =	stream.indirect_vreg.gather [hbm4b:s9+s14], $0x80, v8, vm0, $0xb8;
	[tilespmem:$0x1E400] =	vst v63  }
0x1dd: {  	s25 =	simm.s32 $0x11000  }
0x1de: {  	[tilespmem:s25], [sflag:$0x2] =	stream.indirect_vreg.gather [hbm4b:s11+s14], $0x80, v8, vm0, $0xb8;
	[tilespmem:$0x1E400] =	vst v63  }
0x1df: {  	s25 =	simm.s32 $0x11800  }
0x1e0: {  	[tilespmem:s25], [sflag:$0x2] =	stream.indirect_vreg.gather [hbm4b:s12+s14], $0x80, v8, vm0, $0xb8;
	[tilespmem:$0x1E400] =	vst v63  }
0x1e1: {  	v8 =	vld [tilespmem:$0x5480];
	_ =	sdelay $0x4  }
0x1e2: {  	vm2 =	vgt.s32 v8, v1  }
0x1e3: {  	v8 =	vsel vm2, v1, v8  }
0x1e4: {  	v17 =	vshll.u32 v8, $0x3  }
0x1e5: {  	v8 =	vand.u32 $0x7, v8;
	v9 =	vand.u32 $0xFFFFFFC0, v17  }
0x1e6: {  	v8 =	vor.u32 v8, v9  }
0x1e7: {  	v9 =	vperm.xlane v8, v4  }
0x1e8: {  	v18 =	vmpcnt.ones.xlane vm1  }
0x1e9: {  	v9 =	vadd.s32 v5, v9  }
0x1ea: {  	(v2sf) =	vpush v18, $0x0  }
0x1eb: {  	v19 =	vmpcnt.ones.xlane vm2;
	_ =	sdelay $0x1  }
0x1ec: {  	s25 =	simm.s32 $0x12000;
	(v2sf) =	vpush v19, $0x0  }
0x1ed: {  	[tilespmem:s25], [sflag:$0x2] =	stream.indirect_vreg.gather [hbm4b:s1+s14], $0x80, v9, vm0, $0xb8;
	[tilespmem:$0x1E400] =	vst v63  }
0x1ee: {  	v8 =	vperm.xlane v8, v6;
	s25 =	simm.s32 $0x12800  }
0x1ef: {  	[tilespmem:s25], [sflag:$0x2] =	stream.indirect_vreg.gather [hbm4b:s9+s14], $0x80, v9, vm0, $0xb8;
	[tilespmem:$0x1E400] =	vst v63  }
0x1f0: {  	v8 =	vadd.s32 v5, v8;
	s25 =	simm.s32 $0x13000  }
0x1f1: {  	[tilespmem:s25], [sflag:$0x2] =	stream.indirect_vreg.gather [hbm4b:s11+s14], $0x80, v9, vm0, $0xb8;
	[tilespmem:$0x1E400] =	vst v63  }
0x1f2: {  	s25 =	simm.s32 $0x13800  }
0x1f3: {  	[tilespmem:s25], [sflag:$0x2] =	stream.indirect_vreg.gather [hbm4b:s12+s14], $0x80, v9, vm0, $0xb8;
	[tilespmem:$0x1E400] =	vst v63  }
0x1f4: {  	s25 =	simm.s32 $0x14000  }
0x1f5: {  	[tilespmem:s25], [sflag:$0x2] =	stream.indirect_vreg.gather [hbm4b:s1+s14], $0x80, v8, vm0, $0xb8;
	[tilespmem:$0x1E400] =	vst v63  }
0x1f6: {  	s25 =	simm.s32 $0x14800  }
0x1f7: {  	[tilespmem:s25], [sflag:$0x2] =	stream.indirect_vreg.gather [hbm4b:s9+s14], $0x80, v8, vm0, $0xb8;
	[tilespmem:$0x1E400] =	vst v63  }
0x1f8: {  	s25 =	spop (v2sf)  }
0x1f9: {  	[smem:$0x7F0] =	sst s25;
	s25 =	simm.s32 $0x15000  }
0x1fa: {  	[tilespmem:s25], [sflag:$0x2] =	stream.indirect_vreg.gather [hbm4b:s11+s14], $0x80, v8, vm0, $0xb8;
	[tilespmem:$0x1E400] =	vst v63  }
0x1fb: {  	s25 =	spop (v2sf)  }
0x1fc: {  	[smem:$0x7F1] =	sst s25;
	s25 =	simm.s32 $0x15800  }
0x1fd: {  	[tilespmem:s25], [sflag:$0x2] =	stream.indirect_vreg.gather [hbm4b:s12+s14], $0x80, v8, vm0, $0xb8;
	[tilespmem:$0x1E400] =	vst v63  }
0x1fe: {  	_ =	swait.ge [sflag:s7], $0x4000  }
0x1ff: {  	[sflag:s7] =	ssyncset.done $0x0  }
0x200: {  	[sflag:s7] =	ssyncadd.s32 $0xFFFFC000  }
0x201: {  	_ =	swait.ge [sflag:s7], $0x4000  }
0x202: {  	[sflag:s7] =	ssyncset.done $0x0  }
0x203: {  	s25 =	rddreg [dreg:$0xb];
	[sflag:s7] =	ssyncadd.s32 $0xFFFFC000  }
0x204: {  	[hbm4b:s25+s14] =	stream.linear.scatter [tilespmem:s6], [sflag:$0x4], $0x8000, $0x38;
	[tilespmem:$0x1E400] =	vst v63  }
0x205: {  	s25 =	simm.s32 $0x6  }
0x206: {  	_ =	swait.ge [sflag:s25], $0x8000  }
0x207: {  	[sflag:s25] =	ssyncset.done $0x0  }
0x208: {  	[sflag:s25] =	ssyncadd.s32 $0xFFFF8000  }
0x209: {  	v8 =	vld [tilespmem:$0x5500];
	_ =	sdelay $0x4  }
0x20a: {  	vm1 =	vgt.s32 v8, v1  }
0x20b: {  	v8 =	vsel vm1, v1, v8  }
0x20c: {  	v20 =	vshll.u32 v8, $0x3  }
0x20d: {  	v8 =	vand.u32 $0x7, v8;
	v9 =	vand.u32 $0xFFFFFFC0, v20  }
0x20e: {  	v8 =	vor.u32 v8, v9  }
0x20f: {  	v9 =	vperm.xlane v8, v4;
	_ =	sdelay $0x1  }
0x210: {  	v9 =	vadd.s32 v5, v9;
	_ =	sdelay $0x4  }
0x211: {  	[tilespmem:s23], [sflag:$0x3] =	stream.indirect_vreg.gather [hbm4b:s1+s14], $0x80, v9, vm0, $0xb8;
	[tilespmem:$0x1E400] =	vst v63  }
0x212: {  	s5 =	simm.s32 $0x16800;
	v8 =	vperm.xlane v8, v6  }
0x213: {  	[tilespmem:s5], [sflag:$0x3] =	stream.indirect_vreg.gather [hbm4b:s9+s14], $0x80, v9, vm0, $0xb8;
	[tilespmem:$0x1E400] =	vst v63  }
0x214: {  	v8 =	vadd.s32 v5, v8;
	s5 =	simm.s32 $0x17000  }
0x215: {  	[tilespmem:s5], [sflag:$0x3] =	stream.indirect_vreg.gather [hbm4b:s11+s14], $0x80, v9, vm0, $0xb8;
	[tilespmem:$0x1E400] =	vst v63  }
0x216: {  	s5 =	simm.s32 $0x17800  }
0x217: {  	[tilespmem:s5], [sflag:$0x3] =	stream.indirect_vreg.gather [hbm4b:s12+s14], $0x80, v9, vm0, $0xb8;
	[tilespmem:$0x1E400] =	vst v63  }
0x218: {  	s5 =	simm.s32 $0x18000  }
0x219: {  	[tilespmem:s5], [sflag:$0x3] =	stream.indirect_vreg.gather [hbm4b:s1+s14], $0x80, v8, vm0, $0xb8;
	[tilespmem:$0x1E400] =	vst v63  }
0x21a: {  	s5 =	simm.s32 $0x18800  }
0x21b: {  	[tilespmem:s5], [sflag:$0x3] =	stream.indirect_vreg.gather [hbm4b:s9+s14], $0x80, v8, vm0, $0xb8;
	[tilespmem:$0x1E400] =	vst v63  }
0x21c: {  	s5 =	simm.s32 $0x19000  }
0x21d: {  	[tilespmem:s5], [sflag:$0x3] =	stream.indirect_vreg.gather [hbm4b:s11+s14], $0x80, v8, vm0, $0xb8;
	[tilespmem:$0x1E400] =	vst v63  }
0x21e: {  	s5 =	simm.s32 $0x19800  }
0x21f: {  	[tilespmem:s5], [sflag:$0x3] =	stream.indirect_vreg.gather [hbm4b:s12+s14], $0x80, v8, vm0, $0xb8;
	[tilespmem:$0x1E400] =	vst v63  }
0x220: {  	v8 =	vld [tilespmem:$0x5580];
	_ =	sdelay $0x4  }
0x221: {  	vm2 =	vgt.s32 v8, v1  }
0x222: {  	v8 =	vsel vm2, v1, v8  }
0x223: {  	v21 =	vshll.u32 v8, $0x3  }
0x224: {  	v8 =	vand.u32 $0x7, v8;
	v9 =	vand.u32 $0xFFFFFFC0, v21  }
0x225: {  	v8 =	vor.u32 v8, v9  }
0x226: {  	v9 =	vperm.xlane v8, v4  }
0x227: {  	v22 =	vmpcnt.ones.xlane vm1  }
0x228: {  	v9 =	vadd.s32 v5, v9  }
0x229: {  	(v2sf) =	vpush v22, $0x0  }
0x22a: {  	v23 =	vmpcnt.ones.xlane vm2;
	_ =	sdelay $0x1  }
0x22b: {  	s5 =	simm.s32 $0x1A000;
	(v2sf) =	vpush v23, $0x0  }
0x22c: {  	[tilespmem:s5], [sflag:$0x3] =	stream.indirect_vreg.gather [hbm4b:s1+s14], $0x80, v9, vm0, $0xb8;
	[tilespmem:$0x1E400] =	vst v63  }
0x22d: {  	v8 =	vperm.xlane v8, v6;
	s5 =	simm.s32 $0x1A800  }
0x22e: {  	[tilespmem:s5], [sflag:$0x3] =	stream.indirect_vreg.gather [hbm4b:s9+s14], $0x80, v9, vm0, $0xb8;
	[tilespmem:$0x1E400] =	vst v63  }
0x22f: {  	v8 =	vadd.s32 v5, v8;
	s5 =	simm.s32 $0x1B000  }
0x230: {  	[tilespmem:s5], [sflag:$0x3] =	stream.indirect_vreg.gather [hbm4b:s11+s14], $0x80, v9, vm0, $0xb8;
	[tilespmem:$0x1E400] =	vst v63  }
0x231: {  	s5 =	simm.s32 $0x1B800  }
0x232: {  	[tilespmem:s5], [sflag:$0x3] =	stream.indirect_vreg.gather [hbm4b:s12+s14], $0x80, v9, vm0, $0xb8;
	[tilespmem:$0x1E400] =	vst v63  }
0x233: {  	s5 =	simm.s32 $0x1C000  }
0x234: {  	[tilespmem:s5], [sflag:$0x3] =	stream.indirect_vreg.gather [hbm4b:s1+s14], $0x80, v8, vm0, $0xb8;
	[tilespmem:$0x1E400] =	vst v63  }
0x235: {  	s5 =	simm.s32 $0x1C800  }
0x236: {  	[tilespmem:s5], [sflag:$0x3] =	stream.indirect_vreg.gather [hbm4b:s9+s14], $0x80, v8, vm0, $0xb8;
	[tilespmem:$0x1E400] =	vst v63  }
0x237: {  	s5 =	spop (v2sf)  }
0x238: {  	[smem:$0x7F2] =	sst s5;
	s5 =	simm.s32 $0x1D000  }
0x239: {  	[tilespmem:s5], [sflag:$0x3] =	stream.indirect_vreg.gather [hbm4b:s11+s14], $0x80, v8, vm0, $0xb8;
	[tilespmem:$0x1E400] =	vst v63  }
0x23a: {  	s5 =	spop (v2sf)  }
0x23b: {  	[smem:$0x7F3] =	sst s5;
	s5 =	simm.s32 $0x1D800  }
0x23c: {  	[tilespmem:s5], [sflag:$0x3] =	stream.indirect_vreg.gather [hbm4b:s12+s14], $0x80, v8, vm0, $0xb8;
	[tilespmem:$0x1E400] =	vst v63  }
0x23d: {  	_ =	swait.ge [sflag:s28], $0x4000  }
0x23e: {  	[sflag:s28] =	ssyncset.done $0x0  }
0x23f: {  	[sflag:s28] =	ssyncadd.s32 $0xFFFFC000  }
0x240: {  	_ =	swait.ge [sflag:s28], $0x4000  }
0x241: {  	[sflag:s28] =	ssyncset.done $0x0  }
0x242: {  	s5 =	rddreg [dreg:$0xc];
	[sflag:s28] =	ssyncadd.s32 $0xFFFFC000  }
0x243: {  	[hbm4b:s5+s14] =	stream.linear.scatter [tilespmem:s24], [sflag:$0x5], $0x8000, $0x38;
	[tilespmem:$0x1E400] =	vst v63  }
0x244: {  	_ =	swait.ge [sflag:s16], $0x8000  }
0x245: {  	[sflag:s16] =	ssyncset.done $0x0  }
0x246: {  	[sflag:s16] =	ssyncadd.s32 $0xFFFF8000  }
0x247: {  	v8 =	vld [tilespmem:$0x5600];
	_ =	sdelay $0x4  }
0x248: {  	vm1 =	vgt.s32 v8, v1  }
0x249: {  	v8 =	vsel vm1, v1, v8  }
0x24a: {  	v24 =	vshll.u32 v8, $0x3  }
0x24b: {  	v8 =	vand.u32 $0x7, v8;
	v9 =	vand.u32 $0xFFFFFFC0, v24  }
0x24c: {  	v8 =	vor.u32 v8, v9  }
0x24d: {  	v9 =	vperm.xlane v8, v4;
	_ =	sdelay $0x1  }
0x24e: {  	v9 =	vadd.s32 v5, v9;
	_ =	sdelay $0x4  }
0x24f: {  	[tilespmem:s6], [sflag:$0x1] =	stream.indirect_vreg.gather [hbm4b:s1+s14], $0x80, v9, vm0, $0xb8;
	[tilespmem:$0x1E400] =	vst v63  }
0x250: {  	s5 =	simm.s32 $0x6800;
	v8 =	vperm.xlane v8, v6  }
0x251: {  	[tilespmem:s5], [sflag:$0x1] =	stream.indirect_vreg.gather [hbm4b:s9+s14], $0x80, v9, vm0, $0xb8;
	[tilespmem:$0x1E400] =	vst v63  }
0x252: {  	s19 =	simm.s32 $0x7000;
	v8 =	vadd.s32 v5, v8  }
0x253: {  	[tilespmem:s19], [sflag:$0x1] =	stream.indirect_vreg.gather [hbm4b:s11+s14], $0x80, v9, vm0, $0xb8;
	[tilespmem:$0x1E400] =	vst v63  }
0x254: {  	s20 =	simm.s32 $0x7800  }
0x255: {  	[tilespmem:s20], [sflag:$0x1] =	stream.indirect_vreg.gather [hbm4b:s12+s14], $0x80, v9, vm0, $0xb8;
	[tilespmem:$0x1E400] =	vst v63  }
0x256: {  	s5 =	simm.s32 $0x8000  }
0x257: {  	[tilespmem:s5], [sflag:$0x1] =	stream.indirect_vreg.gather [hbm4b:s1+s14], $0x80, v8, vm0, $0xb8;
	[tilespmem:$0x1E400] =	vst v63  }
0x258: {  	s5 =	simm.s32 $0x8800  }
0x259: {  	[tilespmem:s5], [sflag:$0x1] =	stream.indirect_vreg.gather [hbm4b:s9+s14], $0x80, v8, vm0, $0xb8;
	[tilespmem:$0x1E400] =	vst v63  }
0x25a: {  	s18 =	simm.s32 $0x9000  }
0x25b: {  	[tilespmem:s18], [sflag:$0x1] =	stream.indirect_vreg.gather [hbm4b:s11+s14], $0x80, v8, vm0, $0xb8;
	[tilespmem:$0x1E400] =	vst v63  }
0x25c: {  	s5 =	simm.s32 $0x9800  }
0x25d: {  	[tilespmem:s5], [sflag:$0x1] =	stream.indirect_vreg.gather [hbm4b:s12+s14], $0x80, v8, vm0, $0xb8;
	[tilespmem:$0x1E400] =	vst v63  }
0x25e: {  	v8 =	vld [tilespmem:$0x5680];
	_ =	sdelay $0x4  }
0x25f: {  	vm2 =	vgt.s32 v8, v1  }
0x260: {  	v8 =	vsel vm2, v1, v8  }
0x261: {  	v25 =	vshll.u32 v8, $0x3  }
0x262: {  	v8 =	vand.u32 $0x7, v8;
	v9 =	vand.u32 $0xFFFFFFC0, v25  }
0x263: {  	v26 =	vmpcnt.ones.xlane vm1;
	v8 =	vor.u32 v8, v9  }
0x264: {  	v9 =	vperm.xlane v8, v4  }
0x265: {  	(v2sf) =	vpush v26, $0x0;
	v27 =	vmpcnt.ones.xlane vm2  }
0x266: {  	v9 =	vadd.s32 v5, v9  }
0x267: {  	(v2sf) =	vpush v27, $0x0;
	_ =	sdelay $0x2  }
0x268: {  	s5 =	simm.s32 $0xA000  }
0x269: {  	[tilespmem:s5], [sflag:$0x1] =	stream.indirect_vreg.gather [hbm4b:s1+s14], $0x80, v9, vm0, $0xb8;
	[tilespmem:$0x1E400] =	vst v63  }
0x26a: {  	s17 =	simm.s32 $0xA800;
	v8 =	vperm.xlane v8, v6  }
0x26b: {  	[tilespmem:s17], [sflag:$0x1] =	stream.indirect_vreg.gather [hbm4b:s9+s14], $0x80, v9, vm0, $0xb8;
	[tilespmem:$0x1E400] =	vst v63  }
0x26c: {  	s10 =	simm.s32 $0xB000;
	v8 =	vadd.s32 v5, v8  }
0x26d: {  	[tilespmem:s10], [sflag:$0x1] =	stream.indirect_vreg.gather [hbm4b:s11+s14], $0x80, v9, vm0, $0xb8;
	[tilespmem:$0x1E400] =	vst v63  }
0x26e: {  	s13 =	simm.s32 $0xB800  }
0x26f: {  	[tilespmem:s13], [sflag:$0x1] =	stream.indirect_vreg.gather [hbm4b:s12+s14], $0x80, v9, vm0, $0xb8;
	[tilespmem:$0x1E400] =	vst v63  }
0x270: {  	s15 =	simm.s32 $0xC000  }
0x271: {  	[tilespmem:s15], [sflag:$0x1] =	stream.indirect_vreg.gather [hbm4b:s1+s14], $0x80, v8, vm0, $0xb8;
	[tilespmem:$0x1E400] =	vst v63  }
0x272: {  	s26 =	simm.s32 $0xC800;
	s5 =	spop (v2sf)  }
0x273: {  	[tilespmem:s26], [sflag:$0x1] =	stream.indirect_vreg.gather [hbm4b:s9+s14], $0x80, v8, vm0, $0xb8;
	[tilespmem:$0x1E400] =	vst v63  }
0x274: {  	s21 =	simm.s32 $0xD000;
	[smem:$0x7F4] =	sst s5;
	s5 =	spop (v2sf)  }
0x275: {  	[tilespmem:s21], [sflag:$0x1] =	stream.indirect_vreg.gather [hbm4b:s11+s14], $0x80, v8, vm0, $0xb8;
	[tilespmem:$0x1E400] =	vst v63  }
0x276: {  	s22 =	simm.s32 $0xD800;
	[smem:$0x7F5] =	sst s5  }
0x277: {  	[tilespmem:s22], [sflag:$0x1] =	stream.indirect_vreg.gather [hbm4b:s12+s14], $0x80, v8, vm0, $0xb8;
	[tilespmem:$0x1E400] =	vst v63  }
0x278: {  	_ =	swait.ge [sflag:s30], $0x4000  }
0x279: {  	[sflag:s30] =	ssyncset.done $0x0  }
0x27a: {  	[sflag:s30] =	ssyncadd.s32 $0xFFFFC000  }
0x27b: {  	_ =	swait.ge [sflag:s30], $0x4000  }
0x27c: {  	[sflag:s30] =	ssyncset.done $0x0  }
0x27d: {  	s5 =	rddreg [dreg:$0xd];
	[sflag:s30] =	ssyncadd.s32 $0xFFFFC000  }
0x27e: {  	[hbm4b:s5+s14] =	stream.linear.scatter [tilespmem:s23], [sflag:$0x6], $0x8000, $0x38;
	[tilespmem:$0x1E400] =	vst v63  }
0x27f: {  	_ =	swait.ge [sflag:s29], $0x8000  }
0x280: {  	[sflag:s29] =	ssyncset.done $0x0  }
0x281: {  	[sflag:s29] =	ssyncadd.s32 $0xFFFF8000  }
0x282: {  	v8 =	vld [tilespmem:$0x5700];
	_ =	sdelay $0x4  }
0x283: {  	vm1 =	vgt.s32 v8, v1  }
0x284: {  	v8 =	vsel vm1, v1, v8  }
0x285: {  	v28 =	vshll.u32 v8, $0x3  }
0x286: {  	v8 =	vand.u32 $0x7, v8;
	v9 =	vand.u32 $0xFFFFFFC0, v28  }
0x287: {  	v8 =	vor.u32 v8, v9  }
0x288: {  	v9 =	vperm.xlane v8, v4;
	_ =	sdelay $0x1  }
0x289: {  	v9 =	vadd.s32 v5, v9;
	_ =	sdelay $0x4  }
0x28a: {  	[tilespmem:s24], [sflag:$0x2] =	stream.indirect_vreg.gather [hbm4b:s1+s14], $0x80, v9, vm0, $0xb8;
	[tilespmem:$0x1E400] =	vst v63  }
0x28b: {  	s5 =	simm.s32 $0xE800;
	v8 =	vperm.xlane v8, v6  }
0x28c: {  	[tilespmem:s5], [sflag:$0x2] =	stream.indirect_vreg.gather [hbm4b:s9+s14], $0x80, v9, vm0, $0xb8;
	[tilespmem:$0x1E400] =	vst v63  }
0x28d: {  	v8 =	vadd.s32 v5, v8;
	s5 =	simm.s32 $0xF000  }
0x28e: {  	[tilespmem:s5], [sflag:$0x2] =	stream.indirect_vreg.gather [hbm4b:s11+s14], $0x80, v9, vm0, $0xb8;
	[tilespmem:$0x1E400] =	vst v63  }
0x28f: {  	s5 =	simm.s32 $0xF800  }
0x290: {  	[tilespmem:s5], [sflag:$0x2] =	stream.indirect_vreg.gather [hbm4b:s12+s14], $0x80, v9, vm0, $0xb8;
	[tilespmem:$0x1E400] =	vst v63  }
0x291: {  	s5 =	simm.s32 $0x10000  }
0x292: {  	[tilespmem:s5], [sflag:$0x2] =	stream.indirect_vreg.gather [hbm4b:s1+s14], $0x80, v8, vm0, $0xb8;
	[tilespmem:$0x1E400] =	vst v63  }
0x293: {  	s5 =	simm.s32 $0x10800  }
0x294: {  	[tilespmem:s5], [sflag:$0x2] =	stream.indirect_vreg.gather [hbm4b:s9+s14], $0x80, v8, vm0, $0xb8;
	[tilespmem:$0x1E400] =	vst v63  }
0x295: {  	s5 =	simm.s32 $0x11000  }
0x296: {  	[tilespmem:s5], [sflag:$0x2] =	stream.indirect_vreg.gather [hbm4b:s11+s14], $0x80, v8, vm0, $0xb8;
	[tilespmem:$0x1E400] =	vst v63  }
0x297: {  	s5 =	simm.s32 $0x11800  }
0x298: {  	[tilespmem:s5], [sflag:$0x2] =	stream.indirect_vreg.gather [hbm4b:s12+s14], $0x80, v8, vm0, $0xb8;
	[tilespmem:$0x1E400] =	vst v63  }
0x299: {  	v8 =	vld [tilespmem:$0x5780];
	_ =	sdelay $0x4  }
0x29a: {  	vm2 =	vgt.s32 v8, v1  }
0x29b: {  	v8 =	vsel vm2, v1, v8  }
0x29c: {  	v29 =	vshll.u32 v8, $0x3  }
0x29d: {  	v8 =	vand.u32 $0x7, v8;
	v9 =	vand.u32 $0xFFFFFFC0, v29  }
0x29e: {  	v8 =	vor.u32 v8, v9  }
0x29f: {  	v9 =	vperm.xlane v8, v4  }
0x2a0: {  	v30 =	vmpcnt.ones.xlane vm1  }
0x2a1: {  	v9 =	vadd.s32 v5, v9  }
0x2a2: {  	(v2sf) =	vpush v30, $0x0  }
0x2a3: {  	v31 =	vmpcnt.ones.xlane vm2;
	_ =	sdelay $0x1  }
0x2a4: {  	s5 =	simm.s32 $0x12000;
	(v2sf) =	vpush v31, $0x0  }
0x2a5: {  	[tilespmem:s5], [sflag:$0x2] =	stream.indirect_vreg.gather [hbm4b:s1+s14], $0x80, v9, vm0, $0xb8;
	[tilespmem:$0x1E400] =	vst v63  }
0x2a6: {  	v8 =	vperm.xlane v8, v6;
	s5 =	simm.s32 $0x12800  }
0x2a7: {  	[tilespmem:s5], [sflag:$0x2] =	stream.indirect_vreg.gather [hbm4b:s9+s14], $0x80, v9, vm0, $0xb8;
	[tilespmem:$0x1E400] =	vst v63  }
0x2a8: {  	v8 =	vadd.s32 v5, v8;
	s5 =	simm.s32 $0x13000  }
0x2a9: {  	[tilespmem:s5], [sflag:$0x2] =	stream.indirect_vreg.gather [hbm4b:s11+s14], $0x80, v9, vm0, $0xb8;
	[tilespmem:$0x1E400] =	vst v63  }
0x2aa: {  	s5 =	simm.s32 $0x13800  }
0x2ab: {  	[tilespmem:s5], [sflag:$0x2] =	stream.indirect_vreg.gather [hbm4b:s12+s14], $0x80, v9, vm0, $0xb8;
	[tilespmem:$0x1E400] =	vst v63  }
0x2ac: {  	s5 =	simm.s32 $0x14000  }
0x2ad: {  	[tilespmem:s5], [sflag:$0x2] =	stream.indirect_vreg.gather [hbm4b:s1+s14], $0x80, v8, vm0, $0xb8;
	[tilespmem:$0x1E400] =	vst v63  }
0x2ae: {  	s5 =	simm.s32 $0x14800  }
0x2af: {  	[tilespmem:s5], [sflag:$0x2] =	stream.indirect_vreg.gather [hbm4b:s9+s14], $0x80, v8, vm0, $0xb8;
	[tilespmem:$0x1E400] =	vst v63  }
0x2b0: {  	s5 =	spop (v2sf)  }
0x2b1: {  	[smem:$0x7F6] =	sst s5;
	s5 =	simm.s32 $0x15000  }
0x2b2: {  	[tilespmem:s5], [sflag:$0x2] =	stream.indirect_vreg.gather [hbm4b:s11+s14], $0x80, v8, vm0, $0xb8;
	[tilespmem:$0x1E400] =	vst v63  }
0x2b3: {  	s5 =	spop (v2sf)  }
0x2b4: {  	[smem:$0x7F7] =	sst s5;
	s5 =	simm.s32 $0x15800  }
0x2b5: {  	[tilespmem:s5], [sflag:$0x2] =	stream.indirect_vreg.gather [hbm4b:s12+s14], $0x80, v8, vm0, $0xb8;
	[tilespmem:$0x1E400] =	vst v63  }
0x2b6: {  	_ =	swait.ge [sflag:s7], $0x4000  }
0x2b7: {  	[sflag:s7] =	ssyncset.done $0x0  }
0x2b8: {  	[sflag:s7] =	ssyncadd.s32 $0xFFFFC000  }
0x2b9: {  	_ =	swait.ge [sflag:s7], $0x4000  }
0x2ba: {  	[sflag:s7] =	ssyncset.done $0x0  }
0x2bb: {  	s5 =	rddreg [dreg:$0xe];
	[sflag:s7] =	ssyncadd.s32 $0xFFFFC000  }
0x2bc: {  	[hbm4b:s5+s14] =	stream.linear.scatter [tilespmem:s6], [sflag:$0x4], $0x8000, $0x38;
	[tilespmem:$0x1E400] =	vst v63  }
0x2bd: {  	_ =	swait.ge [sflag:s25], $0x8000  }
0x2be: {  	[sflag:s25] =	ssyncset.done $0x0  }
0x2bf: {  	[sflag:s25] =	ssyncadd.s32 $0xFFFF8000  }
0x2c0: {  	v8 =	vld [tilespmem:$0x5800];
	_ =	sdelay $0x4  }
0x2c1: {  	vm1 =	vgt.s32 v8, v1  }
0x2c2: {  	v8 =	vsel vm1, v1, v8  }
0x2c3: {  	v32 =	vshll.u32 v8, $0x3  }
0x2c4: {  	v8 =	vand.u32 $0x7, v8;
	v9 =	vand.u32 $0xFFFFFFC0, v32  }
0x2c5: {  	v8 =	vor.u32 v8, v9  }
0x2c6: {  	v9 =	vperm.xlane v8, v4;
	_ =	sdelay $0x1  }
0x2c7: {  	v9 =	vadd.s32 v5, v9;
	_ =	sdelay $0x4  }
0x2c8: {  	[tilespmem:s23], [sflag:$0x3] =	stream.indirect_vreg.gather [hbm4b:s1+s14], $0x80, v9, vm0, $0xb8;
	[tilespmem:$0x1E400] =	vst v63  }
0x2c9: {  	s5 =	simm.s32 $0x16800;
	v8 =	vperm.xlane v8, v6  }
0x2ca: {  	[tilespmem:s5], [sflag:$0x3] =	stream.indirect_vreg.gather [hbm4b:s9+s14], $0x80, v9, vm0, $0xb8;
	[tilespmem:$0x1E400] =	vst v63  }
0x2cb: {  	v8 =	vadd.s32 v5, v8;
	s5 =	simm.s32 $0x17000  }
0x2cc: {  	[tilespmem:s5], [sflag:$0x3] =	stream.indirect_vreg.gather [hbm4b:s11+s14], $0x80, v9, vm0, $0xb8;
	[tilespmem:$0x1E400] =	vst v63  }
0x2cd: {  	s5 =	simm.s32 $0x17800  }
0x2ce: {  	[tilespmem:s5], [sflag:$0x3] =	stream.indirect_vreg.gather [hbm4b:s12+s14], $0x80, v9, vm0, $0xb8;
	[tilespmem:$0x1E400] =	vst v63  }
0x2cf: {  	s5 =	simm.s32 $0x18000  }
0x2d0: {  	[tilespmem:s5], [sflag:$0x3] =	stream.indirect_vreg.gather [hbm4b:s1+s14], $0x80, v8, vm0, $0xb8;
	[tilespmem:$0x1E400] =	vst v63  }
0x2d1: {  	s5 =	simm.s32 $0x18800  }
0x2d2: {  	[tilespmem:s5], [sflag:$0x3] =	stream.indirect_vreg.gather [hbm4b:s9+s14], $0x80, v8, vm0, $0xb8;
	[tilespmem:$0x1E400] =	vst v63  }
0x2d3: {  	s5 =	simm.s32 $0x19000  }
0x2d4: {  	[tilespmem:s5], [sflag:$0x3] =	stream.indirect_vreg.gather [hbm4b:s11+s14], $0x80, v8, vm0, $0xb8;
	[tilespmem:$0x1E400] =	vst v63  }
0x2d5: {  	s5 =	simm.s32 $0x19800  }
0x2d6: {  	[tilespmem:s5], [sflag:$0x3] =	stream.indirect_vreg.gather [hbm4b:s12+s14], $0x80, v8, vm0, $0xb8;
	[tilespmem:$0x1E400] =	vst v63  }
0x2d7: {  	v8 =	vld [tilespmem:$0x5880];
	_ =	sdelay $0x4  }
0x2d8: {  	vm2 =	vgt.s32 v8, v1  }
0x2d9: {  	v8 =	vsel vm2, v1, v8  }
0x2da: {  	v33 =	vshll.u32 v8, $0x3  }
0x2db: {  	v8 =	vand.u32 $0x7, v8;
	v9 =	vand.u32 $0xFFFFFFC0, v33  }
0x2dc: {  	v8 =	vor.u32 v8, v9  }
0x2dd: {  	v9 =	vperm.xlane v8, v4  }
0x2de: {  	v34 =	vmpcnt.ones.xlane vm1  }
0x2df: {  	v9 =	vadd.s32 v5, v9  }
0x2e0: {  	(v2sf) =	vpush v34, $0x0  }
0x2e1: {  	v35 =	vmpcnt.ones.xlane vm2;
	_ =	sdelay $0x1  }
0x2e2: {  	s5 =	simm.s32 $0x1A000;
	(v2sf) =	vpush v35, $0x0  }
0x2e3: {  	[tilespmem:s5], [sflag:$0x3] =	stream.indirect_vreg.gather [hbm4b:s1+s14], $0x80, v9, vm0, $0xb8;
	[tilespmem:$0x1E400] =	vst v63  }
0x2e4: {  	v8 =	vperm.xlane v8, v6;
	s5 =	simm.s32 $0x1A800  }
0x2e5: {  	[tilespmem:s5], [sflag:$0x3] =	stream.indirect_vreg.gather [hbm4b:s9+s14], $0x80, v9, vm0, $0xb8;
	[tilespmem:$0x1E400] =	vst v63  }
0x2e6: {  	v8 =	vadd.s32 v5, v8;
	s5 =	simm.s32 $0x1B000  }
0x2e7: {  	[tilespmem:s5], [sflag:$0x3] =	stream.indirect_vreg.gather [hbm4b:s11+s14], $0x80, v9, vm0, $0xb8;
	[tilespmem:$0x1E400] =	vst v63  }
0x2e8: {  	s5 =	simm.s32 $0x1B800  }
0x2e9: {  	[tilespmem:s5], [sflag:$0x3] =	stream.indirect_vreg.gather [hbm4b:s12+s14], $0x80, v9, vm0, $0xb8;
	[tilespmem:$0x1E400] =	vst v63  }
0x2ea: {  	s5 =	simm.s32 $0x1C000  }
0x2eb: {  	[tilespmem:s5], [sflag:$0x3] =	stream.indirect_vreg.gather [hbm4b:s1+s14], $0x80, v8, vm0, $0xb8;
	[tilespmem:$0x1E400] =	vst v63  }
0x2ec: {  	s5 =	simm.s32 $0x1C800  }
0x2ed: {  	[tilespmem:s5], [sflag:$0x3] =	stream.indirect_vreg.gather [hbm4b:s9+s14], $0x80, v8, vm0, $0xb8;
	[tilespmem:$0x1E400] =	vst v63  }
0x2ee: {  	s5 =	spop (v2sf)  }
0x2ef: {  	[smem:$0x7F8] =	sst s5;
	s5 =	simm.s32 $0x1D000  }
0x2f0: {  	[tilespmem:s5], [sflag:$0x3] =	stream.indirect_vreg.gather [hbm4b:s11+s14], $0x80, v8, vm0, $0xb8;
	[tilespmem:$0x1E400] =	vst v63  }
0x2f1: {  	s5 =	spop (v2sf)  }
0x2f2: {  	[smem:$0x7F9] =	sst s5;
	s5 =	simm.s32 $0x1D800  }
0x2f3: {  	[tilespmem:s5], [sflag:$0x3] =	stream.indirect_vreg.gather [hbm4b:s12+s14], $0x80, v8, vm0, $0xb8;
	[tilespmem:$0x1E400] =	vst v63  }
0x2f4: {  	_ =	swait.ge [sflag:s28], $0x4000  }
0x2f5: {  	[sflag:s28] =	ssyncset.done $0x0  }
0x2f6: {  	[sflag:s28] =	ssyncadd.s32 $0xFFFFC000  }
0x2f7: {  	_ =	swait.ge [sflag:s28], $0x4000  }
0x2f8: {  	[sflag:s28] =	ssyncset.done $0x0  }
0x2f9: {  	s5 =	rddreg [dreg:$0xf];
	[sflag:s28] =	ssyncadd.s32 $0xFFFFC000  }
0x2fa: {  	[hbm4b:s5+s14] =	stream.linear.scatter [tilespmem:s24], [sflag:$0x5], $0x8000, $0x38;
	[tilespmem:$0x1E400] =	vst v63  }
0x2fb: {  	_ =	swait.ge [sflag:s16], $0x8000  }
0x2fc: {  	[sflag:s16] =	ssyncset.done $0x0  }
0x2fd: {  	[sflag:s16] =	ssyncadd.s32 $0xFFFF8000  }
0x2fe: {  	v8 =	vld [tilespmem:$0x5900];
	_ =	sdelay $0x4  }
0x2ff: {  	vm1 =	vgt.s32 v8, v1  }
0x300: {  	v8 =	vsel vm1, v1, v8  }
0x301: {  	v36 =	vshll.u32 v8, $0x3  }
0x302: {  	v8 =	vand.u32 $0x7, v8;
	v9 =	vand.u32 $0xFFFFFFC0, v36  }
0x303: {  	v8 =	vor.u32 v8, v9  }
0x304: {  	v9 =	vperm.xlane v8, v4;
	_ =	sdelay $0x1  }
0x305: {  	v9 =	vadd.s32 v5, v9;
	_ =	sdelay $0x4  }
0x306: {  	[tilespmem:s6], [sflag:$0x1] =	stream.indirect_vreg.gather [hbm4b:s1+s14], $0x80, v9, vm0, $0xb8;
	[tilespmem:$0x1E400] =	vst v63  }
0x307: {  	s5 =	simm.s32 $0x6800;
	v8 =	vperm.xlane v8, v6  }
0x308: {  	[tilespmem:s5], [sflag:$0x1] =	stream.indirect_vreg.gather [hbm4b:s9+s14], $0x80, v9, vm0, $0xb8;
	[tilespmem:$0x1E400] =	vst v63  }
0x309: {  	s19 =	simm.s32 $0x7000;
	v8 =	vadd.s32 v5, v8  }
0x30a: {  	[tilespmem:s19], [sflag:$0x1] =	stream.indirect_vreg.gather [hbm4b:s11+s14], $0x80, v9, vm0, $0xb8;
	[tilespmem:$0x1E400] =	vst v63  }
0x30b: {  	s20 =	simm.s32 $0x7800  }
0x30c: {  	[tilespmem:s20], [sflag:$0x1] =	stream.indirect_vreg.gather [hbm4b:s12+s14], $0x80, v9, vm0, $0xb8;
	[tilespmem:$0x1E400] =	vst v63  }
0x30d: {  	s19 =	simm.s32 $0x8000  }
0x30e: {  	[tilespmem:s19], [sflag:$0x1] =	stream.indirect_vreg.gather [hbm4b:s1+s14], $0x80, v8, vm0, $0xb8;
	[tilespmem:$0x1E400] =	vst v63  }
0x30f: {  	s20 =	simm.s32 $0x8800  }
0x310: {  	[tilespmem:s20], [sflag:$0x1] =	stream.indirect_vreg.gather [hbm4b:s9+s14], $0x80, v8, vm0, $0xb8;
	[tilespmem:$0x1E400] =	vst v63  }
0x311: {  	s18 =	simm.s32 $0x9000  }
0x312: {  	[tilespmem:s18], [sflag:$0x1] =	stream.indirect_vreg.gather [hbm4b:s11+s14], $0x80, v8, vm0, $0xb8;
	[tilespmem:$0x1E400] =	vst v63  }
0x313: {  	s19 =	simm.s32 $0x9800  }
0x314: {  	[tilespmem:s19], [sflag:$0x1] =	stream.indirect_vreg.gather [hbm4b:s12+s14], $0x80, v8, vm0, $0xb8;
	[tilespmem:$0x1E400] =	vst v63  }
0x315: {  	v8 =	vld [tilespmem:$0x5980];
	_ =	sdelay $0x4  }
0x316: {  	vm2 =	vgt.s32 v8, v1  }
0x317: {  	v8 =	vsel vm2, v1, v8  }
0x318: {  	v37 =	vshll.u32 v8, $0x3  }
0x319: {  	v8 =	vand.u32 $0x7, v8;
	v9 =	vand.u32 $0xFFFFFFC0, v37  }
0x31a: {  	v38 =	vmpcnt.ones.xlane vm1;
	v8 =	vor.u32 v8, v9  }
0x31b: {  	v9 =	vperm.xlane v8, v4  }
0x31c: {  	(v2sf) =	vpush v38, $0x0;
	v39 =	vmpcnt.ones.xlane vm2  }
0x31d: {  	v9 =	vadd.s32 v5, v9  }
0x31e: {  	(v2sf) =	vpush v39, $0x0;
	_ =	sdelay $0x2  }
0x31f: {  	s20 =	simm.s32 $0xA000  }
0x320: {  	[tilespmem:s20], [sflag:$0x1] =	stream.indirect_vreg.gather [hbm4b:s1+s14], $0x80, v9, vm0, $0xb8;
	[tilespmem:$0x1E400] =	vst v63  }
0x321: {  	s17 =	simm.s32 $0xA800;
	v8 =	vperm.xlane v8, v6  }
0x322: {  	[tilespmem:s17], [sflag:$0x1] =	stream.indirect_vreg.gather [hbm4b:s9+s14], $0x80, v9, vm0, $0xb8;
	[tilespmem:$0x1E400] =	vst v63  }
0x323: {  	s10 =	simm.s32 $0xB000;
	v8 =	vadd.s32 v5, v8  }
0x324: {  	[tilespmem:s10], [sflag:$0x1] =	stream.indirect_vreg.gather [hbm4b:s11+s14], $0x80, v9, vm0, $0xb8;
	[tilespmem:$0x1E400] =	vst v63  }
0x325: {  	s13 =	simm.s32 $0xB800  }
0x326: {  	[tilespmem:s13], [sflag:$0x1] =	stream.indirect_vreg.gather [hbm4b:s12+s14], $0x80, v9, vm0, $0xb8;
	[tilespmem:$0x1E400] =	vst v63  }
0x327: {  	s15 =	simm.s32 $0xC000  }
0x328: {  	[tilespmem:s15], [sflag:$0x1] =	stream.indirect_vreg.gather [hbm4b:s1+s14], $0x80, v8, vm0, $0xb8;
	[tilespmem:$0x1E400] =	vst v63  }
0x329: {  	s26 =	simm.s32 $0xC800;
	s17 =	spop (v2sf)  }
0x32a: {  	[tilespmem:s26], [sflag:$0x1] =	stream.indirect_vreg.gather [hbm4b:s9+s14], $0x80, v8, vm0, $0xb8;
	[tilespmem:$0x1E400] =	vst v63  }
0x32b: {  	s21 =	simm.s32 $0xD000;
	[smem:$0x7FA] =	sst s17;
	s18 =	spop (v2sf)  }
0x32c: {  	[tilespmem:s21], [sflag:$0x1] =	stream.indirect_vreg.gather [hbm4b:s11+s14], $0x80, v8, vm0, $0xb8;
	[tilespmem:$0x1E400] =	vst v63  }
0x32d: {  	s22 =	simm.s32 $0xD800;
	[smem:$0x7FB] =	sst s18  }
0x32e: {  	[tilespmem:s22], [sflag:$0x1] =	stream.indirect_vreg.gather [hbm4b:s12+s14], $0x80, v8, vm0, $0xb8;
	[tilespmem:$0x1E400] =	vst v63  }
0x32f: {  	_ =	swait.ge [sflag:s30], $0x4000  }
0x330: {  	[sflag:s30] =	ssyncset.done $0x0  }
0x331: {  	[sflag:s30] =	ssyncadd.s32 $0xFFFFC000  }
0x332: {  	_ =	swait.ge [sflag:s30], $0x4000  }
0x333: {  	[sflag:s30] =	ssyncset.done $0x0  }
0x334: {  	s19 =	rddreg [dreg:$0x10];
	[sflag:s30] =	ssyncadd.s32 $0xFFFFC000  }
0x335: {  	[hbm4b:s19+s14] =	stream.linear.scatter [tilespmem:s23], [sflag:$0x6], $0x8000, $0x38;
	[tilespmem:$0x1E400] =	vst v63  }
0x336: {  	_ =	swait.ge [sflag:s29], $0x8000  }
0x337: {  	[sflag:s29] =	ssyncset.done $0x0  }
0x338: {  	[sflag:s29] =	ssyncadd.s32 $0xFFFF8000  }
0x339: {  	v8 =	vld [tilespmem:$0x5A00];
	_ =	sdelay $0x4  }
0x33a: {  	vm1 =	vgt.s32 v8, v1  }
0x33b: {  	v8 =	vsel vm1, v1, v8  }
0x33c: {  	v40 =	vshll.u32 v8, $0x3  }
0x33d: {  	v8 =	vand.u32 $0x7, v8;
	v9 =	vand.u32 $0xFFFFFFC0, v40  }
0x33e: {  	v8 =	vor.u32 v8, v9  }
0x33f: {  	v9 =	vperm.xlane v8, v4;
	_ =	sdelay $0x1  }
0x340: {  	v9 =	vadd.s32 v5, v9;
	_ =	sdelay $0x4  }
0x341: {  	[tilespmem:s24], [sflag:$0x2] =	stream.indirect_vreg.gather [hbm4b:s1+s14], $0x80, v9, vm0, $0xb8;
	[tilespmem:$0x1E400] =	vst v63  }
0x342: {  	s20 =	simm.s32 $0xE800;
	v8 =	vperm.xlane v8, v6  }
0x343: {  	[tilespmem:s20], [sflag:$0x2] =	stream.indirect_vreg.gather [hbm4b:s9+s14], $0x80, v9, vm0, $0xb8;
	[tilespmem:$0x1E400] =	vst v63  }
0x344: {  	s21 =	simm.s32 $0xF000;
	v8 =	vadd.s32 v5, v8  }
0x345: {  	[tilespmem:s21], [sflag:$0x2] =	stream.indirect_vreg.gather [hbm4b:s11+s14], $0x80, v9, vm0, $0xb8;
	[tilespmem:$0x1E400] =	vst v63  }
0x346: {  	s10 =	simm.s32 $0xF800  }
0x347: {  	[tilespmem:s10], [sflag:$0x2] =	stream.indirect_vreg.gather [hbm4b:s12+s14], $0x80, v9, vm0, $0xb8;
	[tilespmem:$0x1E400] =	vst v63  }
0x348: {  	s15 =	simm.s32 $0x10000  }
0x349: {  	[tilespmem:s15], [sflag:$0x2] =	stream.indirect_vreg.gather [hbm4b:s1+s14], $0x80, v8, vm0, $0xb8;
	[tilespmem:$0x1E400] =	vst v63  }
0x34a: {  	s17 =	simm.s32 $0x10800  }
0x34b: {  	[tilespmem:s17], [sflag:$0x2] =	stream.indirect_vreg.gather [hbm4b:s9+s14], $0x80, v8, vm0, $0xb8;
	[tilespmem:$0x1E400] =	vst v63  }
0x34c: {  	s18 =	simm.s32 $0x11000  }
0x34d: {  	[tilespmem:s18], [sflag:$0x2] =	stream.indirect_vreg.gather [hbm4b:s11+s14], $0x80, v8, vm0, $0xb8;
	[tilespmem:$0x1E400] =	vst v63  }
0x34e: {  	s19 =	simm.s32 $0x11800  }
0x34f: {  	[tilespmem:s19], [sflag:$0x2] =	stream.indirect_vreg.gather [hbm4b:s12+s14], $0x80, v8, vm0, $0xb8;
	[tilespmem:$0x1E400] =	vst v63  }
0x350: {  	v8 =	vld [tilespmem:$0x5A80];
	_ =	sdelay $0x4  }
0x351: {  	vm2 =	vgt.s32 v8, v1  }
0x352: {  	v8 =	vsel vm2, v1, v8  }
0x353: {  	v41 =	vshll.u32 v8, $0x3  }
0x354: {  	v8 =	vand.u32 $0x7, v8;
	v9 =	vand.u32 $0xFFFFFFC0, v41  }
0x355: {  	v42 =	vmpcnt.ones.xlane vm1;
	v8 =	vor.u32 v8, v9  }
0x356: {  	v9 =	vperm.xlane v8, v4  }
0x357: {  	(v2sf) =	vpush v42, $0x0;
	v43 =	vmpcnt.ones.xlane vm2  }
0x358: {  	v9 =	vadd.s32 v5, v9  }
0x359: {  	(v2sf) =	vpush v43, $0x0;
	_ =	sdelay $0x2  }
0x35a: {  	s20 =	simm.s32 $0x12000  }
0x35b: {  	[tilespmem:s20], [sflag:$0x2] =	stream.indirect_vreg.gather [hbm4b:s1+s14], $0x80, v9, vm0, $0xb8;
	[tilespmem:$0x1E400] =	vst v63  }
0x35c: {  	s21 =	simm.s32 $0x12800;
	v8 =	vperm.xlane v8, v6  }
0x35d: {  	[tilespmem:s21], [sflag:$0x2] =	stream.indirect_vreg.gather [hbm4b:s9+s14], $0x80, v9, vm0, $0xb8;
	[tilespmem:$0x1E400] =	vst v63  }
0x35e: {  	s10 =	simm.s32 $0x13000;
	v8 =	vadd.s32 v5, v8  }
0x35f: {  	[tilespmem:s10], [sflag:$0x2] =	stream.indirect_vreg.gather [hbm4b:s11+s14], $0x80, v9, vm0, $0xb8;
	[tilespmem:$0x1E400] =	vst v63  }
0x360: {  	s15 =	simm.s32 $0x13800  }
0x361: {  	[tilespmem:s15], [sflag:$0x2] =	stream.indirect_vreg.gather [hbm4b:s12+s14], $0x80, v9, vm0, $0xb8;
	[tilespmem:$0x1E400] =	vst v63  }
0x362: {  	s17 =	simm.s32 $0x14000  }
0x363: {  	[tilespmem:s17], [sflag:$0x2] =	stream.indirect_vreg.gather [hbm4b:s1+s14], $0x80, v8, vm0, $0xb8;
	[tilespmem:$0x1E400] =	vst v63  }
0x364: {  	s18 =	simm.s32 $0x14800;
	s19 =	spop (v2sf)  }
0x365: {  	[tilespmem:s18], [sflag:$0x2] =	stream.indirect_vreg.gather [hbm4b:s9+s14], $0x80, v8, vm0, $0xb8;
	[tilespmem:$0x1E400] =	vst v63  }
0x366: {  	[smem:$0x7FC] =	sst s19;
	s20 =	simm.s32 $0x15000;
	s21 =	spop (v2sf)  }
0x367: {  	[tilespmem:s20], [sflag:$0x2] =	stream.indirect_vreg.gather [hbm4b:s11+s14], $0x80, v8, vm0, $0xb8;
	[tilespmem:$0x1E400] =	vst v63  }
0x368: {  	s10 =	simm.s32 $0x15800;
	[smem:$0x7FD] =	sst s21  }
0x369: {  	[tilespmem:s10], [sflag:$0x2] =	stream.indirect_vreg.gather [hbm4b:s12+s14], $0x80, v8, vm0, $0xb8;
	[tilespmem:$0x1E400] =	vst v63  }
0x36a: {  	_ =	swait.ge [sflag:s7], $0x4000  }
0x36b: {  	[sflag:s7] =	ssyncset.done $0x0  }
0x36c: {  	[sflag:s7] =	ssyncadd.s32 $0xFFFFC000  }
0x36d: {  	_ =	swait.ge [sflag:s7], $0x4000  }
0x36e: {  	[sflag:s7] =	ssyncset.done $0x0  }
0x36f: {  	s15 =	rddreg [dreg:$0x11];
	[sflag:s7] =	ssyncadd.s32 $0xFFFFC000  }
0x370: {  	[hbm4b:s15+s14] =	stream.linear.scatter [tilespmem:s6], [sflag:$0x4], $0x8000, $0x38;
	[tilespmem:$0x1E400] =	vst v63  }
0x371: {  	_ =	swait.ge [sflag:s25], $0x8000  }
0x372: {  	[sflag:s25] =	ssyncset.done $0x0  }
0x373: {  	[sflag:s25] =	ssyncadd.s32 $0xFFFF8000  }
0x374: {  	v8 =	vld [tilespmem:$0x5B00];
	_ =	sdelay $0x4  }
0x375: {  	vm1 =	vgt.s32 v8, v1  }
0x376: {  	v8 =	vsel vm1, v1, v8  }
0x377: {  	v44 =	vshll.u32 v8, $0x3  }
0x378: {  	v8 =	vand.u32 $0x7, v8;
	v9 =	vand.u32 $0xFFFFFFC0, v44  }
0x379: {  	v8 =	vor.u32 v8, v9  }
0x37a: {  	v9 =	vperm.xlane v8, v4;
	_ =	sdelay $0x1  }
0x37b: {  	v9 =	vadd.s32 v5, v9;
	_ =	sdelay $0x4  }
0x37c: {  	[tilespmem:s23], [sflag:$0x3] =	stream.indirect_vreg.gather [hbm4b:s1+s14], $0x80, v9, vm0, $0xb8;
	[tilespmem:$0x1E400] =	vst v63  }
0x37d: {  	s19 =	simm.s32 $0x16800;
	v8 =	vperm.xlane v8, v6  }
0x37e: {  	[tilespmem:s19], [sflag:$0x3] =	stream.indirect_vreg.gather [hbm4b:s9+s14], $0x80, v9, vm0, $0xb8;
	[tilespmem:$0x1E400] =	vst v63  }
0x37f: {  	s20 =	simm.s32 $0x17000;
	v8 =	vadd.s32 v5, v8  }
0x380: {  	[tilespmem:s20], [sflag:$0x3] =	stream.indirect_vreg.gather [hbm4b:s11+s14], $0x80, v9, vm0, $0xb8;
	[tilespmem:$0x1E400] =	vst v63  }
0x381: {  	s21 =	simm.s32 $0x17800  }
0x382: {  	[tilespmem:s21], [sflag:$0x3] =	stream.indirect_vreg.gather [hbm4b:s12+s14], $0x80, v9, vm0, $0xb8;
	[tilespmem:$0x1E400] =	vst v63  }
0x383: {  	s10 =	simm.s32 $0x18000  }
0x384: {  	[tilespmem:s10], [sflag:$0x3] =	stream.indirect_vreg.gather [hbm4b:s1+s14], $0x80, v8, vm0, $0xb8;
	[tilespmem:$0x1E400] =	vst v63  }
0x385: {  	s15 =	simm.s32 $0x18800  }
0x386: {  	[tilespmem:s15], [sflag:$0x3] =	stream.indirect_vreg.gather [hbm4b:s9+s14], $0x80, v8, vm0, $0xb8;
	[tilespmem:$0x1E400] =	vst v63  }
0x387: {  	s19 =	simm.s32 $0x19000  }
0x388: {  	[tilespmem:s19], [sflag:$0x3] =	stream.indirect_vreg.gather [hbm4b:s11+s14], $0x80, v8, vm0, $0xb8;
	[tilespmem:$0x1E400] =	vst v63  }
0x389: {  	s20 =	simm.s32 $0x19800  }
0x38a: {  	[tilespmem:s20], [sflag:$0x3] =	stream.indirect_vreg.gather [hbm4b:s12+s14], $0x80, v8, vm0, $0xb8;
	[tilespmem:$0x1E400] =	vst v63  }
0x38b: {  	v8 =	vld [tilespmem:$0x5B80];
	_ =	sdelay $0x4  }
0x38c: {  	vm2 =	vgt.s32 v8, v1  }
0x38d: {  	v8 =	vsel vm2, v1, v8  }
0x38e: {  	v45 =	vshll.u32 v8, $0x3  }
0x38f: {  	v8 =	vand.u32 $0x7, v8;
	v9 =	vand.u32 $0xFFFFFFC0, v45  }
0x390: {  	v8 =	vor.u32 v8, v9  }
0x391: {  	v9 =	vperm.xlane v8, v4  }
0x392: {  	v46 =	vmpcnt.ones.xlane vm1  }
0x393: {  	v9 =	vadd.s32 v5, v9  }
0x394: {  	(v2sf) =	vpush v46, $0x0;
	v47 =	vmpcnt.ones.xlane vm2;
	_ =	sdelay $0x1  }
0x395: {  	(v2sf) =	vpush v47, $0x0  }
0x396: {  	s21 =	simm.s32 $0x1A000  }
0x397: {  	[tilespmem:s21], [sflag:$0x3] =	stream.indirect_vreg.gather [hbm4b:s1+s14], $0x80, v9, vm0, $0xb8;
	[tilespmem:$0x1E400] =	vst v63  }
0x398: {  	s10 =	simm.s32 $0x1A800;
	v8 =	vperm.xlane v8, v6  }
0x399: {  	[tilespmem:s10], [sflag:$0x3] =	stream.indirect_vreg.gather [hbm4b:s9+s14], $0x80, v9, vm0, $0xb8;
	[tilespmem:$0x1E400] =	vst v63  }
0x39a: {  	s15 =	simm.s32 $0x1B000;
	v8 =	vadd.s32 v5, v8  }
0x39b: {  	[tilespmem:s15], [sflag:$0x3] =	stream.indirect_vreg.gather [hbm4b:s11+s14], $0x80, v9, vm0, $0xb8;
	[tilespmem:$0x1E400] =	vst v63  }
0x39c: {  	s19 =	simm.s32 $0x1B800  }
0x39d: {  	[tilespmem:s19], [sflag:$0x3] =	stream.indirect_vreg.gather [hbm4b:s12+s14], $0x80, v9, vm0, $0xb8;
	[tilespmem:$0x1E400] =	vst v63  }
0x39e: {  	s20 =	simm.s32 $0x1C000  }
0x39f: {  	[tilespmem:s20], [sflag:$0x3] =	stream.indirect_vreg.gather [hbm4b:s1+s14], $0x80, v8, vm0, $0xb8;
	[tilespmem:$0x1E400] =	vst v63  }
0x3a0: {  	s21 =	simm.s32 $0x1C800  }
0x3a1: {  	[tilespmem:s21], [sflag:$0x3] =	stream.indirect_vreg.gather [hbm4b:s9+s14], $0x80, v8, vm0, $0xb8;
	[tilespmem:$0x1E400] =	vst v63  }
0x3a2: {  	s10 =	simm.s32 $0x1D000;
	s15 =	spop (v2sf)  }
0x3a3: {  	[tilespmem:s10], [sflag:$0x3] =	stream.indirect_vreg.gather [hbm4b:s11+s14], $0x80, v8, vm0, $0xb8;
	[tilespmem:$0x1E400] =	vst v63  }
0x3a4: {  	s19 =	simm.s32 $0x1D800;
	s10 =	spop (v2sf)  }
0x3a5: {  	[tilespmem:s19], [sflag:$0x3] =	stream.indirect_vreg.gather [hbm4b:s12+s14], $0x80, v8, vm0, $0xb8;
	[tilespmem:$0x1E400] =	vst v63  }
0x3a6: {  	_ =	swait.ge [sflag:s28], $0x4000  }
0x3a7: {  	[sflag:s28] =	ssyncset.done $0x0  }
0x3a8: {  	[sflag:s28] =	ssyncadd.s32 $0xFFFFC000  }
0x3a9: {  	_ =	swait.ge [sflag:s28], $0x4000  }
0x3aa: {  	[sflag:s28] =	ssyncset.done $0x0  }
0x3ab: {  	s21 =	rddreg [dreg:$0x14];
	[sflag:s28] =	ssyncadd.s32 $0xFFFFC000  }
0x3ac: {  	[hbm4b:s21+s14] =	stream.linear.scatter [tilespmem:s24], [sflag:$0x5], $0x8000, $0x38;
	[tilespmem:$0x1E400] =	vst v63  }
0x3ad: {  	_ =	swait.ge [sflag:s16], $0x8000  }
0x3ae: {  	[sflag:s16] =	ssyncset.done $0x0  }
0x3af: {  	[sflag:s16] =	ssyncadd.s32 $0xFFFF8000  }
0x3b0: {  	v8 =	vld [tilespmem:$0x5C00];
	_ =	sdelay $0x4  }
0x3b1: {  	vm1 =	vgt.s32 v8, v1  }
0x3b2: {  	v8 =	vsel vm1, v1, v8  }
0x3b3: {  	v48 =	vshll.u32 v8, $0x3  }
0x3b4: {  	v8 =	vand.u32 $0x7, v8;
	v9 =	vand.u32 $0xFFFFFFC0, v48  }
0x3b5: {  	v8 =	vor.u32 v8, v9  }
0x3b6: {  	v9 =	vperm.xlane v8, v4;
	_ =	sdelay $0x1  }
0x3b7: {  	v9 =	vadd.s32 v5, v9;
	_ =	sdelay $0x4  }
0x3b8: {  	[tilespmem:s6], [sflag:$0x1] =	stream.indirect_vreg.gather [hbm4b:s1+s14], $0x80, v9, vm0, $0xb8;
	[tilespmem:$0x1E400] =	vst v63  }
0x3b9: {  	s21 =	simm.s32 $0x6800;
	v8 =	vperm.xlane v8, v6  }
0x3ba: {  	[tilespmem:s21], [sflag:$0x1] =	stream.indirect_vreg.gather [hbm4b:s9+s14], $0x80, v9, vm0, $0xb8;
	[tilespmem:$0x1E400] =	vst v63  }
0x3bb: {  	v8 =	vadd.s32 v5, v8;
	s21 =	simm.s32 $0x7000  }
0x3bc: {  	[tilespmem:s21], [sflag:$0x1] =	stream.indirect_vreg.gather [hbm4b:s11+s14], $0x80, v9, vm0, $0xb8;
	[tilespmem:$0x1E400] =	vst v63  }
0x3bd: {  	s21 =	simm.s32 $0x7800  }
0x3be: {  	[tilespmem:s21], [sflag:$0x1] =	stream.indirect_vreg.gather [hbm4b:s12+s14], $0x80, v9, vm0, $0xb8;
	[tilespmem:$0x1E400] =	vst v63  }
0x3bf: {  	s21 =	simm.s32 $0x8000  }
0x3c0: {  	[tilespmem:s21], [sflag:$0x1] =	stream.indirect_vreg.gather [hbm4b:s1+s14], $0x80, v8, vm0, $0xb8;
	[tilespmem:$0x1E400] =	vst v63  }
0x3c1: {  	s21 =	simm.s32 $0x8800  }
0x3c2: {  	[tilespmem:s21], [sflag:$0x1] =	stream.indirect_vreg.gather [hbm4b:s9+s14], $0x80, v8, vm0, $0xb8;
	[tilespmem:$0x1E400] =	vst v63  }
0x3c3: {  	s21 =	simm.s32 $0x9000  }
0x3c4: {  	[tilespmem:s21], [sflag:$0x1] =	stream.indirect_vreg.gather [hbm4b:s11+s14], $0x80, v8, vm0, $0xb8;
	[tilespmem:$0x1E400] =	vst v63  }
0x3c5: {  	s21 =	simm.s32 $0x9800  }
0x3c6: {  	[tilespmem:s21], [sflag:$0x1] =	stream.indirect_vreg.gather [hbm4b:s12+s14], $0x80, v8, vm0, $0xb8;
	[tilespmem:$0x1E400] =	vst v63  }
0x3c7: {  	v8 =	vld [tilespmem:$0x5C80];
	_ =	sdelay $0x4  }
0x3c8: {  	vm2 =	vgt.s32 v8, v1  }
0x3c9: {  	v8 =	vsel vm2, v1, v8  }
0x3ca: {  	v49 =	vshll.u32 v8, $0x3  }
0x3cb: {  	v8 =	vand.u32 $0x7, v8;
	v9 =	vand.u32 $0xFFFFFFC0, v49  }
0x3cc: {  	v8 =	vor.u32 v8, v9  }
0x3cd: {  	v9 =	vperm.xlane v8, v4  }
0x3ce: {  	v50 =	vmpcnt.ones.xlane vm1  }
0x3cf: {  	v9 =	vadd.s32 v5, v9  }
0x3d0: {  	(v2sf) =	vpush v50, $0x0;
	v51 =	vmpcnt.ones.xlane vm2;
	_ =	sdelay $0x1  }
0x3d1: {  	(v2sf) =	vpush v51, $0x0  }
0x3d2: {  	s21 =	simm.s32 $0xA000  }
0x3d3: {  	[tilespmem:s21], [sflag:$0x1] =	stream.indirect_vreg.gather [hbm4b:s1+s14], $0x80, v9, vm0, $0xb8;
	[tilespmem:$0x1E400] =	vst v63  }
0x3d4: {  	s5 =	simm.s32 $0xA800;
	v8 =	vperm.xlane v8, v6  }
0x3d5: {  	[tilespmem:s5], [sflag:$0x1] =	stream.indirect_vreg.gather [hbm4b:s9+s14], $0x80, v9, vm0, $0xb8;
	[tilespmem:$0x1E400] =	vst v63  }
0x3d6: {  	v8 =	vadd.s32 v5, v8;
	s5 =	simm.s32 $0xB000  }
0x3d7: {  	[tilespmem:s5], [sflag:$0x1] =	stream.indirect_vreg.gather [hbm4b:s11+s14], $0x80, v9, vm0, $0xb8;
	[tilespmem:$0x1E400] =	vst v63  }
0x3d8: {  	s5 =	simm.s32 $0xB800  }
0x3d9: {  	[tilespmem:s5], [sflag:$0x1] =	stream.indirect_vreg.gather [hbm4b:s12+s14], $0x80, v9, vm0, $0xb8;
	[tilespmem:$0x1E400] =	vst v63  }
0x3da: {  	s5 =	simm.s32 $0xC000  }
0x3db: {  	[tilespmem:s5], [sflag:$0x1] =	stream.indirect_vreg.gather [hbm4b:s1+s14], $0x80, v8, vm0, $0xb8;
	[tilespmem:$0x1E400] =	vst v63  }
0x3dc: {  	s26 =	simm.s32 $0xC800  }
0x3dd: {  	[tilespmem:s26], [sflag:$0x1] =	stream.indirect_vreg.gather [hbm4b:s9+s14], $0x80, v8, vm0, $0xb8;
	[tilespmem:$0x1E400] =	vst v63  }
0x3de: {  	s13 =	simm.s32 $0xD000;
	s5 =	spop (v2sf)  }
0x3df: {  	[tilespmem:s13], [sflag:$0x1] =	stream.indirect_vreg.gather [hbm4b:s11+s14], $0x80, v8, vm0, $0xb8;
	[tilespmem:$0x1E400] =	vst v63  }
0x3e0: {  	s22 =	simm.s32 $0xD800;
	s26 =	spop (v2sf)  }
0x3e1: {  	[tilespmem:s22], [sflag:$0x1] =	stream.indirect_vreg.gather [hbm4b:s12+s14], $0x80, v8, vm0, $0xb8;
	[tilespmem:$0x1E400] =	vst v63  }
0x3e2: {  	_ =	swait.ge [sflag:s30], $0x4000  }
0x3e3: {  	[sflag:s30] =	ssyncset.done $0x0  }
0x3e4: {  	[sflag:s30] =	ssyncadd.s32 $0xFFFFC000  }
0x3e5: {  	_ =	swait.ge [sflag:s30], $0x4000  }
0x3e6: {  	[sflag:s30] =	ssyncset.done $0x0  }
0x3e7: {  	s13 =	rddreg [dreg:$0x15];
	[sflag:s30] =	ssyncadd.s32 $0xFFFFC000  }
0x3e8: {  	[hbm4b:s13+s14] =	stream.linear.scatter [tilespmem:s23], [sflag:$0x6], $0x8000, $0x38;
	[tilespmem:$0x1E400] =	vst v63  }
0x3e9: {  	_ =	swait.ge [sflag:s29], $0x8000  }
0x3ea: {  	[sflag:s29] =	ssyncset.done $0x0  }
0x3eb: {  	[sflag:s29] =	ssyncadd.s32 $0xFFFF8000  }
0x3ec: {  	v8 =	vld [tilespmem:$0x5D00];
	_ =	sdelay $0x4  }
0x3ed: {  	vm1 =	vgt.s32 v8, v1  }
0x3ee: {  	v8 =	vsel vm1, v1, v8  }
0x3ef: {  	v52 =	vshll.u32 v8, $0x3  }
0x3f0: {  	v8 =	vand.u32 $0x7, v8;
	v9 =	vand.u32 $0xFFFFFFC0, v52  }
0x3f1: {  	v8 =	vor.u32 v8, v9  }
0x3f2: {  	v9 =	vperm.xlane v8, v4;
	_ =	sdelay $0x1  }
0x3f3: {  	v9 =	vadd.s32 v5, v9;
	_ =	sdelay $0x4  }
0x3f4: {  	[tilespmem:s24], [sflag:$0x2] =	stream.indirect_vreg.gather [hbm4b:s1+s14], $0x80, v9, vm0, $0xb8;
	[tilespmem:$0x1E400] =	vst v63  }
0x3f5: {  	s13 =	simm.s32 $0xE800;
	v8 =	vperm.xlane v8, v6  }
0x3f6: {  	[tilespmem:s13], [sflag:$0x2] =	stream.indirect_vreg.gather [hbm4b:s9+s14], $0x80, v9, vm0, $0xb8;
	[tilespmem:$0x1E400] =	vst v63  }
0x3f7: {  	v8 =	vadd.s32 v5, v8;
	s13 =	simm.s32 $0xF000  }
0x3f8: {  	[tilespmem:s13], [sflag:$0x2] =	stream.indirect_vreg.gather [hbm4b:s11+s14], $0x80, v9, vm0, $0xb8;
	[tilespmem:$0x1E400] =	vst v63  }
0x3f9: {  	s13 =	simm.s32 $0xF800  }
0x3fa: {  	[tilespmem:s13], [sflag:$0x2] =	stream.indirect_vreg.gather [hbm4b:s12+s14], $0x80, v9, vm0, $0xb8;
	[tilespmem:$0x1E400] =	vst v63  }
0x3fb: {  	s13 =	simm.s32 $0x10000  }
0x3fc: {  	[tilespmem:s13], [sflag:$0x2] =	stream.indirect_vreg.gather [hbm4b:s1+s14], $0x80, v8, vm0, $0xb8;
	[tilespmem:$0x1E400] =	vst v63  }
0x3fd: {  	s13 =	simm.s32 $0x10800  }
0x3fe: {  	[tilespmem:s13], [sflag:$0x2] =	stream.indirect_vreg.gather [hbm4b:s9+s14], $0x80, v8, vm0, $0xb8;
	[tilespmem:$0x1E400] =	vst v63  }
0x3ff: {  	s13 =	simm.s32 $0x11000  }
0x400: {  	[tilespmem:s13], [sflag:$0x2] =	stream.indirect_vreg.gather [hbm4b:s11+s14], $0x80, v8, vm0, $0xb8;
	[tilespmem:$0x1E400] =	vst v63  }
0x401: {  	s13 =	simm.s32 $0x11800  }
0x402: {  	[tilespmem:s13], [sflag:$0x2] =	stream.indirect_vreg.gather [hbm4b:s12+s14], $0x80, v8, vm0, $0xb8;
	[tilespmem:$0x1E400] =	vst v63  }
0x403: {  	v8 =	vld [tilespmem:$0x5D80];
	_ =	sdelay $0x4  }
0x404: {  	vm2 =	vgt.s32 v8, v1  }
0x405: {  	v8 =	vsel vm2, v1, v8  }
0x406: {  	v53 =	vshll.u32 v8, $0x3  }
0x407: {  	v8 =	vand.u32 $0x7, v8;
	v9 =	vand.u32 $0xFFFFFFC0, v53  }
0x408: {  	v8 =	vor.u32 v8, v9  }
0x409: {  	v9 =	vperm.xlane v8, v4;
	_ =	sdelay $0x1  }
0x40a: {  	v9 =	vadd.s32 v5, v9  }
0x40b: {  	v54 =	vmpcnt.ones.xlane vm1;
	_ =	sdelay $0x1  }
0x40c: {  	(v2sf) =	vpush v54, $0x0;
	v55 =	vmpcnt.ones.xlane vm2  }
0x40d: {  	s13 =	simm.s32 $0x12000  }
0x40e: {  	(v2sf) =	vpush v55, $0x0;
	[tilespmem:s13], [sflag:$0x2] =	stream.indirect_vreg.gather [hbm4b:s1+s14], $0x80, v9, vm0, $0xb8;
	[tilespmem:$0x1E400] =	vst v63  }
0x40f: {  	v8 =	vperm.xlane v8, v6;
	s13 =	simm.s32 $0x12800  }
0x410: {  	[tilespmem:s13], [sflag:$0x2] =	stream.indirect_vreg.gather [hbm4b:s9+s14], $0x80, v9, vm0, $0xb8;
	[tilespmem:$0x1E400] =	vst v63  }
0x411: {  	v8 =	vadd.s32 v5, v8;
	s13 =	simm.s32 $0x13000  }
0x412: {  	[tilespmem:s13], [sflag:$0x2] =	stream.indirect_vreg.gather [hbm4b:s11+s14], $0x80, v9, vm0, $0xb8;
	[tilespmem:$0x1E400] =	vst v63  }
0x413: {  	s13 =	simm.s32 $0x13800  }
0x414: {  	[tilespmem:s13], [sflag:$0x2] =	stream.indirect_vreg.gather [hbm4b:s12+s14], $0x80, v9, vm0, $0xb8;
	[tilespmem:$0x1E400] =	vst v63  }
0x415: {  	s13 =	simm.s32 $0x14000  }
0x416: {  	[tilespmem:s13], [sflag:$0x2] =	stream.indirect_vreg.gather [hbm4b:s1+s14], $0x80, v8, vm0, $0xb8;
	[tilespmem:$0x1E400] =	vst v63  }
0x417: {  	s13 =	simm.s32 $0x14800  }
0x418: {  	[tilespmem:s13], [sflag:$0x2] =	stream.indirect_vreg.gather [hbm4b:s9+s14], $0x80, v8, vm0, $0xb8;
	[tilespmem:$0x1E400] =	vst v63  }
0x419: {  	s18 =	simm.s32 $0x15000  }
0x41a: {  	[tilespmem:s18], [sflag:$0x2] =	stream.indirect_vreg.gather [hbm4b:s11+s14], $0x80, v8, vm0, $0xb8;
	[tilespmem:$0x1E400] =	vst v63  }
0x41b: {  	s17 =	simm.s32 $0x15800;
	s18 =	spop (v2sf)  }
0x41c: {  	[tilespmem:s17], [sflag:$0x2] =	stream.indirect_vreg.gather [hbm4b:s12+s14], $0x80, v8, vm0, $0xb8;
	[tilespmem:$0x1E400] =	vst v63  }
0x41d: {  	s17 =	spop (v2sf)  }
0x41e: {  	_ =	swait.ge [sflag:s7], $0x4000  }
0x41f: {  	[sflag:s7] =	ssyncset.done $0x0  }
0x420: {  	[sflag:s7] =	ssyncadd.s32 $0xFFFFC000  }
0x421: {  	_ =	swait.ge [sflag:s7], $0x4000  }
0x422: {  	[sflag:s7] =	ssyncset.done $0x0  }
0x423: {  	s13 =	rddreg [dreg:$0x16];
	[sflag:s7] =	ssyncadd.s32 $0xFFFFC000  }
0x424: {  	[hbm4b:s13+s14] =	stream.linear.scatter [tilespmem:s6], [sflag:$0x4], $0x8000, $0x38;
	[tilespmem:$0x1E400] =	vst v63  }
0x425: {  	_ =	swait.ge [sflag:s25], $0x8000  }
0x426: {  	[sflag:s25] =	ssyncset.done $0x0  }
0x427: {  	[sflag:s25] =	ssyncadd.s32 $0xFFFF8000  }
0x428: {  	v8 =	vld [tilespmem:$0x5E00];
	_ =	sdelay $0x4  }
0x429: {  	vm1 =	vgt.s32 v8, v1  }
0x42a: {  	v8 =	vsel vm1, v1, v8  }
0x42b: {  	v56 =	vshll.u32 v8, $0x3  }
0x42c: {  	v8 =	vand.u32 $0x7, v8;
	v9 =	vand.u32 $0xFFFFFFC0, v56  }
0x42d: {  	v8 =	vor.u32 v8, v9  }
0x42e: {  	v9 =	vperm.xlane v8, v4;
	_ =	sdelay $0x1  }
0x42f: {  	v9 =	vadd.s32 v5, v9;
	_ =	sdelay $0x4  }
0x430: {  	[tilespmem:s23], [sflag:$0x3] =	stream.indirect_vreg.gather [hbm4b:s1+s14], $0x80, v9, vm0, $0xb8;
	[tilespmem:$0x1E400] =	vst v63  }
0x431: {  	s13 =	simm.s32 $0x16800;
	v8 =	vperm.xlane v8, v6  }
0x432: {  	[tilespmem:s13], [sflag:$0x3] =	stream.indirect_vreg.gather [hbm4b:s9+s14], $0x80, v9, vm0, $0xb8;
	[tilespmem:$0x1E400] =	vst v63  }
0x433: {  	v8 =	vadd.s32 v5, v8;
	s13 =	simm.s32 $0x17000  }
0x434: {  	[tilespmem:s13], [sflag:$0x3] =	stream.indirect_vreg.gather [hbm4b:s11+s14], $0x80, v9, vm0, $0xb8;
	[tilespmem:$0x1E400] =	vst v63  }
0x435: {  	s13 =	simm.s32 $0x17800  }
0x436: {  	[tilespmem:s13], [sflag:$0x3] =	stream.indirect_vreg.gather [hbm4b:s12+s14], $0x80, v9, vm0, $0xb8;
	[tilespmem:$0x1E400] =	vst v63  }
0x437: {  	s13 =	simm.s32 $0x18000  }
0x438: {  	[tilespmem:s13], [sflag:$0x3] =	stream.indirect_vreg.gather [hbm4b:s1+s14], $0x80, v8, vm0, $0xb8;
	[tilespmem:$0x1E400] =	vst v63  }
0x439: {  	s13 =	simm.s32 $0x18800  }
0x43a: {  	[tilespmem:s13], [sflag:$0x3] =	stream.indirect_vreg.gather [hbm4b:s9+s14], $0x80, v8, vm0, $0xb8;
	[tilespmem:$0x1E400] =	vst v63  }
0x43b: {  	s13 =	simm.s32 $0x19000  }
0x43c: {  	[tilespmem:s13], [sflag:$0x3] =	stream.indirect_vreg.gather [hbm4b:s11+s14], $0x80, v8, vm0, $0xb8;
	[tilespmem:$0x1E400] =	vst v63  }
0x43d: {  	s13 =	simm.s32 $0x19800  }
0x43e: {  	[tilespmem:s13], [sflag:$0x3] =	stream.indirect_vreg.gather [hbm4b:s12+s14], $0x80, v8, vm0, $0xb8;
	[tilespmem:$0x1E400] =	vst v63  }
0x43f: {  	v8 =	vld [tilespmem:$0x5E80];
	_ =	sdelay $0x4  }
0x440: {  	vm2 =	vgt.s32 v8, v1  }
0x441: {  	v8 =	vsel vm2, v1, v8  }
0x442: {  	v57 =	vshll.u32 v8, $0x3  }
0x443: {  	v8 =	vand.u32 $0x7, v8;
	v9 =	vand.u32 $0xFFFFFFC0, v57  }
0x444: {  	v8 =	vor.u32 v8, v9  }
0x445: {  	v9 =	vperm.xlane v8, v4;
	_ =	sdelay $0x1  }
0x446: {  	v9 =	vadd.s32 v5, v9  }
0x447: {  	v58 =	vmpcnt.ones.xlane vm1;
	_ =	sdelay $0x1  }
0x448: {  	(v2sf) =	vpush v58, $0x0;
	v59 =	vmpcnt.ones.xlane vm2  }
0x449: {  	s13 =	simm.s32 $0x1A000  }
0x44a: {  	(v2sf) =	vpush v59, $0x0;
	[tilespmem:s13], [sflag:$0x3] =	stream.indirect_vreg.gather [hbm4b:s1+s14], $0x80, v9, vm0, $0xb8;
	[tilespmem:$0x1E400] =	vst v63  }
0x44b: {  	v8 =	vperm.xlane v8, v6;
	s13 =	simm.s32 $0x1A800  }
0x44c: {  	[tilespmem:s13], [sflag:$0x3] =	stream.indirect_vreg.gather [hbm4b:s9+s14], $0x80, v9, vm0, $0xb8;
	[tilespmem:$0x1E400] =	vst v63  }
0x44d: {  	v8 =	vadd.s32 v5, v8;
	s13 =	simm.s32 $0x1B000  }
0x44e: {  	[tilespmem:s13], [sflag:$0x3] =	stream.indirect_vreg.gather [hbm4b:s11+s14], $0x80, v9, vm0, $0xb8;
	[tilespmem:$0x1E400] =	vst v63  }
0x44f: {  	s13 =	simm.s32 $0x1B800  }
0x450: {  	[tilespmem:s13], [sflag:$0x3] =	stream.indirect_vreg.gather [hbm4b:s12+s14], $0x80, v9, vm0, $0xb8;
	[tilespmem:$0x1E400] =	vst v63  }
0x451: {  	s13 =	simm.s32 $0x1C000  }
0x452: {  	[tilespmem:s13], [sflag:$0x3] =	stream.indirect_vreg.gather [hbm4b:s1+s14], $0x80, v8, vm0, $0xb8;
	[tilespmem:$0x1E400] =	vst v63  }
0x453: {  	s13 =	simm.s32 $0x1C800  }
0x454: {  	[tilespmem:s13], [sflag:$0x3] =	stream.indirect_vreg.gather [hbm4b:s9+s14], $0x80, v8, vm0, $0xb8;
	[tilespmem:$0x1E400] =	vst v63  }
0x455: {  	s20 =	simm.s32 $0x1D000  }
0x456: {  	[tilespmem:s20], [sflag:$0x3] =	stream.indirect_vreg.gather [hbm4b:s11+s14], $0x80, v8, vm0, $0xb8;
	[tilespmem:$0x1E400] =	vst v63  }
0x457: {  	s19 =	simm.s32 $0x1D800;
	s13 =	spop (v2sf)  }
0x458: {  	[tilespmem:s19], [sflag:$0x3] =	stream.indirect_vreg.gather [hbm4b:s12+s14], $0x80, v8, vm0, $0xb8;
	[tilespmem:$0x1E400] =	vst v63  }
0x459: {  	s19 =	spop (v2sf)  }
0x45a: {  	_ =	swait.ge [sflag:s28], $0x4000  }
0x45b: {  	[sflag:s28] =	ssyncset.done $0x0  }
0x45c: {  	[sflag:s28] =	ssyncadd.s32 $0xFFFFC000  }
0x45d: {  	_ =	swait.ge [sflag:s28], $0x4000  }
0x45e: {  	[sflag:s28] =	ssyncset.done $0x0  }
0x45f: {  	s20 =	rddreg [dreg:$0x17];
	[sflag:s28] =	ssyncadd.s32 $0xFFFFC000  }
0x460: {  	[hbm4b:s20+s14] =	stream.linear.scatter [tilespmem:s24], [sflag:$0x5], $0x8000, $0x38;
	[tilespmem:$0x1E400] =	vst v63  }
0x461: {  	_ =	swait.ge [sflag:s16], $0x8000  }
0x462: {  	[sflag:s16] =	ssyncset.done $0x0  }
0x463: {  	[sflag:s16] =	ssyncadd.s32 $0xFFFF8000  }
0x464: {  	v8 =	vld [tilespmem:$0x5F00];
	_ =	sdelay $0x4  }
0x465: {  	vm1 =	vgt.s32 v8, v1  }
0x466: {  	v8 =	vsel vm1, v1, v8  }
0x467: {  	v60 =	vshll.u32 v8, $0x3  }
0x468: {  	v8 =	vand.u32 $0x7, v8;
	v9 =	vand.u32 $0xFFFFFFC0, v60  }
0x469: {  	v8 =	vor.u32 v8, v9  }
0x46a: {  	v9 =	vperm.xlane v8, v4;
	_ =	sdelay $0x1  }
0x46b: {  	v9 =	vadd.s32 v5, v9;
	_ =	sdelay $0x4  }
0x46c: {  	[tilespmem:s6], [sflag:$0x1] =	stream.indirect_vreg.gather [hbm4b:s1+s14], $0x80, v9, vm0, $0xb8;
	[tilespmem:$0x1E400] =	vst v63  }
0x46d: {  	s20 =	simm.s32 $0x6800;
	v8 =	vperm.xlane v8, v6  }
0x46e: {  	[tilespmem:s20], [sflag:$0x1] =	stream.indirect_vreg.gather [hbm4b:s9+s14], $0x80, v9, vm0, $0xb8;
	[tilespmem:$0x1E400] =	vst v63  }
0x46f: {  	v8 =	vadd.s32 v5, v8;
	s20 =	simm.s32 $0x7000  }
0x470: {  	[tilespmem:s20], [sflag:$0x1] =	stream.indirect_vreg.gather [hbm4b:s11+s14], $0x80, v9, vm0, $0xb8;
	[tilespmem:$0x1E400] =	vst v63  }
0x471: {  	s20 =	simm.s32 $0x7800  }
0x472: {  	[tilespmem:s20], [sflag:$0x1] =	stream.indirect_vreg.gather [hbm4b:s12+s14], $0x80, v9, vm0, $0xb8;
	[tilespmem:$0x1E400] =	vst v63  }
0x473: {  	s20 =	simm.s32 $0x8000  }
0x474: {  	[tilespmem:s20], [sflag:$0x1] =	stream.indirect_vreg.gather [hbm4b:s1+s14], $0x80, v8, vm0, $0xb8;
	[tilespmem:$0x1E400] =	vst v63  }
0x475: {  	s20 =	simm.s32 $0x8800  }
0x476: {  	[tilespmem:s20], [sflag:$0x1] =	stream.indirect_vreg.gather [hbm4b:s9+s14], $0x80, v8, vm0, $0xb8;
	[tilespmem:$0x1E400] =	vst v63  }
0x477: {  	s20 =	simm.s32 $0x9000  }
0x478: {  	[tilespmem:s20], [sflag:$0x1] =	stream.indirect_vreg.gather [hbm4b:s11+s14], $0x80, v8, vm0, $0xb8;
	[tilespmem:$0x1E400] =	vst v63  }
0x479: {  	s20 =	simm.s32 $0x9800  }
0x47a: {  	[tilespmem:s20], [sflag:$0x1] =	stream.indirect_vreg.gather [hbm4b:s12+s14], $0x80, v8, vm0, $0xb8;
	[tilespmem:$0x1E400] =	vst v63  }
0x47b: {  	v8 =	vld [tilespmem:$0x5F80];
	_ =	sdelay $0x4  }
0x47c: {  	vm2 =	vgt.s32 v8, v1  }
0x47d: {  	v8 =	vsel vm2, v1, v8  }
0x47e: {  	v61 =	vshll.u32 v8, $0x3  }
0x47f: {  	v8 =	vand.u32 $0x7, v8;
	v9 =	vand.u32 $0xFFFFFFC0, v61  }
0x480: {  	v8 =	vor.u32 v8, v9  }
0x481: {  	v9 =	vperm.xlane v8, v4  }
0x482: {  	v62 =	vmpcnt.ones.xlane vm1  }
0x483: {  	v9 =	vadd.s32 v5, v9  }
0x484: {  	(v2sf) =	vpush v62, $0x0;
	v63 =	vmpcnt.ones.xlane vm2;
	_ =	sdelay $0x1  }
0x485: {  	(v2sf) =	vpush v63, $0x0  }
0x486: {  	s21 =	simm.s32 $0xA000  }
0x487: {  	[tilespmem:s21], [sflag:$0x1] =	stream.indirect_vreg.gather [hbm4b:s1+s14], $0x80, v9, vm0, $0xb8;
	[tilespmem:$0x1E400] =	vst v63  }
0x488: {  	v8 =	vperm.xlane v8, v6;
	s21 =	simm.s32 $0xA800  }
0x489: {  	[tilespmem:s21], [sflag:$0x1] =	stream.indirect_vreg.gather [hbm4b:s9+s14], $0x80, v9, vm0, $0xb8;
	[tilespmem:$0x1E400] =	vst v63  }
0x48a: {  	v8 =	vadd.s32 v5, v8;
	s21 =	simm.s32 $0xB000  }
0x48b: {  	[tilespmem:s21], [sflag:$0x1] =	stream.indirect_vreg.gather [hbm4b:s11+s14], $0x80, v9, vm0, $0xb8;
	[tilespmem:$0x1E400] =	vst v63  }
0x48c: {  	s21 =	simm.s32 $0xB800  }
0x48d: {  	[tilespmem:s21], [sflag:$0x1] =	stream.indirect_vreg.gather [hbm4b:s12+s14], $0x80, v9, vm0, $0xb8;
	[tilespmem:$0x1E400] =	vst v63  }
0x48e: {  	s21 =	simm.s32 $0xC000  }
0x48f: {  	[tilespmem:s21], [sflag:$0x1] =	stream.indirect_vreg.gather [hbm4b:s1+s14], $0x80, v8, vm0, $0xb8;
	[tilespmem:$0x1E400] =	vst v63  }
0x490: {  	s21 =	simm.s32 $0xC800  }
0x491: {  	[tilespmem:s21], [sflag:$0x1] =	stream.indirect_vreg.gather [hbm4b:s9+s14], $0x80, v8, vm0, $0xb8;
	[tilespmem:$0x1E400] =	vst v63  }
0x492: {  	s20 =	spop (v2sf);
	s21 =	simm.s32 $0xD000  }
0x493: {  	[tilespmem:s21], [sflag:$0x1] =	stream.indirect_vreg.gather [hbm4b:s11+s14], $0x80, v8, vm0, $0xb8;
	[tilespmem:$0x1E400] =	vst v63  }
0x494: {  	s22 =	simm.s32 $0xD800;
	s21 =	spop (v2sf)  }
0x495: {  	[tilespmem:s22], [sflag:$0x1] =	stream.indirect_vreg.gather [hbm4b:s12+s14], $0x80, v8, vm0, $0xb8;
	[tilespmem:$0x1E400] =	vst v63  }
0x496: {  	_ =	swait.ge [sflag:s30], $0x4000  }
0x497: {  	[sflag:s30] =	ssyncset.done $0x0  }
0x498: {  	[sflag:s30] =	ssyncadd.s32 $0xFFFFC000  }
0x499: {  	_ =	swait.ge [sflag:s30], $0x4000  }
0x49a: {  	[sflag:s30] =	ssyncset.done $0x0  }
0x49b: {  	s22 =	rddreg [dreg:$0x18];
	[sflag:s30] =	ssyncadd.s32 $0xFFFFC000  }
0x49c: {  	[hbm4b:s22+s14] =	stream.linear.scatter [tilespmem:s23], [sflag:$0x6], $0x8000, $0x38;
	[tilespmem:$0x1E400] =	vst v63  }
0x49d: {  	_ =	swait.ge [sflag:s7], $0x4000  }
0x49e: {  	[sflag:s7] =	ssyncset.done $0x0  }
0x49f: {  	[sflag:s7] =	ssyncadd.s32 $0xFFFFC000  }
0x4a0: {  	_ =	swait.ge [sflag:s7], $0x4000  }
0x4a1: {  	[sflag:s7] =	ssyncset.done $0x0  }
0x4a2: {  	s22 =	rddreg [dreg:$0x19];
	[sflag:s7] =	ssyncadd.s32 $0xFFFFC000  }
0x4a3: {  	[hbm4b:s22+s14] =	stream.linear.scatter [tilespmem:s6], [sflag:$0x4], $0x8000, $0x38;
	[tilespmem:$0x1E400] =	vst v63  }
0x4a4: {  	s14 =	rddreg [dreg:$0x1b]  }
0x4a5: {  	s22 =	rddreg [dreg:$0x1c]  }
0x4a6: {  	s14 =	sadd.s32 s14, s22;
	s22 =	rddreg [dreg:$0x1d]  }
0x4a7: {  	s14 =	sadd.s32 s22, s14;
	s22 =	rddreg [dreg:$0x1e]  }
0x4a8: {  	s14 =	sadd.s32 s22, s14;
	s22 =	rddreg [dreg:$0x1f]  }
0x4a9: {  	s14 =	sadd.s32 s22, s14;
	s22 =	sld [smem:$0x7ED];
	_ =	sdelay $0x2  }
0x4aa: {  	s14 =	sadd.s32 s22, s14;
	s22 =	sld [smem:$0x7EE];
	_ =	sdelay $0x2  }
0x4ab: {  	s14 =	sadd.s32 s22, s14;
	s22 =	sld [smem:$0x7EF];
	_ =	sdelay $0x2  }
0x4ac: {  	s14 =	sadd.s32 s22, s14;
	s22 =	sld [smem:$0x7F0];
	_ =	sdelay $0x2  }
0x4ad: {  	s14 =	sadd.s32 s22, s14;
	s22 =	sld [smem:$0x7F1];
	_ =	sdelay $0x2  }
0x4ae: {  	s14 =	sadd.s32 s22, s14;
	s22 =	sld [smem:$0x7F2];
	_ =	sdelay $0x2  }
0x4af: {  	s14 =	sadd.s32 s22, s14;
	s22 =	sld [smem:$0x7F3];
	_ =	sdelay $0x2  }
0x4b0: {  	s14 =	sadd.s32 s22, s14;
	s22 =	sld [smem:$0x7F4];
	_ =	sdelay $0x2  }
0x4b1: {  	s14 =	sadd.s32 s22, s14;
	s22 =	sld [smem:$0x7F5];
	_ =	sdelay $0x2  }
0x4b2: {  	s14 =	sadd.s32 s22, s14;
	s22 =	sld [smem:$0x7F6];
	_ =	sdelay $0x2  }
0x4b3: {  	s14 =	sadd.s32 s22, s14;
	s22 =	sld [smem:$0x7F7];
	_ =	sdelay $0x2  }
0x4b4: {  	s14 =	sadd.s32 s22, s14;
	s22 =	sld [smem:$0x7F8];
	_ =	sdelay $0x2  }
0x4b5: {  	s14 =	sadd.s32 s22, s14;
	s22 =	sld [smem:$0x7F9];
	_ =	sdelay $0x2  }
0x4b6: {  	s14 =	sadd.s32 s22, s14;
	s22 =	sld [smem:$0x7FA];
	_ =	sdelay $0x2  }
0x4b7: {  	s14 =	sadd.s32 s22, s14;
	s22 =	sld [smem:$0x7FB];
	_ =	sdelay $0x2  }
0x4b8: {  	s14 =	sadd.s32 s22, s14;
	s22 =	sld [smem:$0x7FC];
	_ =	sdelay $0x2  }
0x4b9: {  	s14 =	sadd.s32 s22, s14;
	s22 =	sld [smem:$0x7FD];
	_ =	sdelay $0x2  }
0x4ba: {  	s14 =	sadd.s32 s22, s14  }
0x4bb: {  	s14 =	sadd.s32 s15, s14  }
0x4bc: {  	s10 =	sadd.s32 s10, s14  }
0x4bd: {  	s5 =	sadd.s32 s5, s10  }
0x4be: {  	s5 =	sadd.s32 s26, s5  }
0x4bf: {  	s5 =	sadd.s32 s18, s5  }
0x4c0: {  	s5 =	sadd.s32 s17, s5  }
0x4c1: {  	s5 =	sadd.s32 s13, s5  }
0x4c2: {  	_ =	swait.ge [sflag:s29], $0x8000;
	s5 =	sadd.s32 s19, s5  }
0x4c3: {  	[sflag:s29] =	ssyncset.done $0x0;
	s5 =	sadd.s32 s20, s5  }
0x4c4: {  	[sflag:s29] =	ssyncadd.s32 $0xFFFF8000;
	s5 =	sadd.s32 s21, s5  }
0x4c5: {  	_ =	swait.ge [sflag:s25], $0x8000;
	p1 =	slt.s32 s5, $0x1  }
.Ltmp6:
0x4c6: {  	[sflag:s25] =	ssyncset.done $0x0;
	(pc) =	sbr.rel @p1 .LBB2_16-.Ltmp6, $4  }
0x4c7: {  	[sflag:s25] =	ssyncadd.s32 $0xFFFF8000  }
0x4c8: {  	_ =	swait.ge [sflag:s16], $0x8000  }
0x4c9: {  	[sflag:s16] =	ssyncset.done $0x0  }
0x4ca: {  	s6 =	rddreg [dreg:$0x1a];
	[sflag:s16] =	ssyncadd.s32 $0xFFFF8000  }
0x4cb: {  	s10 =	simm.s32 $0x40;
	s14 =	simm.s32 $0x0  }
.LBB2_11:
0x4cc: {  	p1 =	sne.s32 s10, $0xFC0;
	[tilespmem:s14+$0x1E000] =	vst v7;
	s13 =	smov.u32 s10;
	s10 =	sadd.s32 $0x40, s10  }
.Ltmp7:
0x4cd: {  	(pc) =	sbr.rel @p1 .LBB2_11-.Ltmp7, $2  }
0x4ce: {  	_ =	sdelay $0x2  }
0x4cf: {  	s14 =	sshra.s32 s13, $0x2  }
0x4d0: {  	s10 =	ssub.s32 $0x1FF, s5  }
0x4d1: {  	s13 =	sshll.u32 s5, $0xA;
	s15 =	sshll.u32 s5, $0x7;
	s5 =	sadd.s32 $0x1, s10  }
0x4d2: {  	p2 =	slt.s32 s5, $0x1FF  }
.Ltmp8:
0x4d3: {  	_ = 	snop;
	(pc) =	sbr.rel @!p2 .LBB2_15-.Ltmp8, $4  }
0x4d4: {  	_ = 	snop  }
0x4d5: {  	s29 =	rddreg [dreg:$0x13]  }
0x4d6: {  	s10 =	ssub.s32 s29, s13;
	s13 =	ssub.s32 $0x10000, s15  }
0x4d7: {  	[tilespmem:s14+$0x1E000] =	vst v7;
	p1 =	por $0x0, $0x0;
	s14 =	sand.u32 $0xFFFFE000, s10;
	s15 =	sand.u32 $0x380, s13  }
0x4d8: {  	s5 =	sadd.s32 $0x1, s5  }
0x4d9: {  	s14 =	sor.u32 s15, s14;
	p2 =	slt.s32 s5, $0x1FF  }
.Ltmp9:
0x4da: {  	s14 =	sshrl.u32 s14, $0x3;
	(pc) =	sbr.rel @!p2 .LBB2_15-.Ltmp9, $4  }
0x4db: {  	s10 =	sadd.s32 $0x400, s10;
	s14 =	sadd.s32 s2, s14  }
0x4dc: {  	[hbm4b:s14+s31] =	stream.strided.scatter [tilespmem:s8], [sflag:$0x7], $0x400, s0, s31, $0x38;
	[tilespmem:$0x1E400] =	vst v63  }
0x4dd: {  	s13 =	sadd.s32 $0x80, s13;
	p1 =	por $0x1, $0x1;
	_ =	swait.ge [sflag:s4], $0x400  }
0x4de: {  	s15 =	sand.u32 $0x380, s13;
	s14 =	sand.u32 $0xFFFFE000, s10;
	[sflag:s4] =	ssyncset.done $0x0  }
.LBB2_14:
0x4df: {  	s5 =	sadd.s32 $0x1, s5  }
0x4e0: {  	s14 =	sor.u32 s15, s14;
	[sflag:s4] =	ssyncadd.s32 $0xFFFFFC00;
	p2 =	slt.s32 s5, $0x1FF  }
.Ltmp10:
0x4e1: {  	s14 =	sshrl.u32 s14, $0x3;
	(pc) =	sbr.rel @p2 .LBB2_14-.Ltmp10, $4  }
0x4e2: {  	s14 =	sadd.s32 s2, s14  }
0x4e3: {  	[hbm4b:s14+s31] =	stream.strided.scatter [tilespmem:s8], [sflag:$0x7], $0x400, s0, s31, $0x38;
	[tilespmem:$0x1E400] =	vst v63  }
0x4e4: {  	s10 =	sadd.s32 $0x400, s10;
	s13 =	sadd.s32 $0x80, s13;
	_ =	swait.ge [sflag:s4], $0x400  }
0x4e5: {  	s15 =	sand.u32 $0x380, s13;
	s14 =	sand.u32 $0xFFFFE000, s10;
	[sflag:s4] =	ssyncset.done $0x0  }
.Ltmp11:
0x4e6: {  	_ = 	snop;
	(pc) =	sbr.rel .LBB2_15-.Ltmp11, $1  }
0x4e7: {  	_ =	sdelay $0x3  }
.LBB2_17:
0x4e8: {  	_ =	sfence.sel $0x180000  }
0x4e9: {  	[bflag:$0x0] =	sbarrier.arrive $0xFFFF  }
0x4ea: {  	_ =	strace $0x90000047  }
0x4eb: {  	s0 =	stileid.u32;
	[bflag:$0x2] =	sbarrier.arrive $0xFFFF  }
0x4ec: {  	p0 =	sne.s32 s0, $0x0;
	s0 =	rddreg [dreg:$0x4]  }
0x4ed: {  	s0 =	sadd.s32 @!p0 $0x100000, s0  }
0x4ee: {  	[sflag:s0] =	ssyncadd.tile.s32 @!p0 $0x1;
	_ =	shalt  }
.Lfunc_end2:
_tile_overlayer_lowered:
.L_overlay_start_2:
0x4ef: {  	(tag) =	ssettag $0x2  }
0x4f0: {  	s0 =	rddreg [dreg:$0x0];
	s2 =	stileid.u32  }
0x4f1: {  	s1 =	rddreg [dreg:$0x1];
	p0 =	sne.s32 s2, $0x0  }
0x4f2: {  	s3 =	rddreg [dreg:$0x2];
	[bflag:$0x3] =	sbarrier.arrive $0xFFFF;
	s2 =	simm.s32 @!p0 $0x1C07  }
0x4f3: {  	[timem:s3], [sflag:s2] =	dma.local @!p0 [hbm:s0], s1  }
0x4f4: {  	s0 =	simm.s32 @!p0 $0x7  }
0x4f5: {  	_ =	swait.ge @!p0 [sflag:s0], s1  }
0x4f6: {  	s1 =	ssub.s32 @!p0 $0x0, s1;
	[sflag:s0] =	ssyncset.done @!p0 $0x0  }
0x4f7: {  	[sflag:s0] =	ssyncadd.s32 @!p0 s1  }
0x4f8: {  	[bflag:$0x3] =	sbarrier.arrive $0xFFFF  }
0x4f9: {  	_ =	shalt  }

</sc_bundles>
